<compile_context>
chip_gen: v7x
topology: tpu7x:2x2x1
jax: 0.10.2.dev20260603
libtpu: 0.0.44.dev20260713+nightly
codegen_flags: <defaults>
</compile_context>

<pallas_src>
import functools

import jax
import jax.numpy as jnp
from jax import lax
from jax.experimental import pallas as pl
from jax.experimental.pallas import tpu as pltpu
from jax.experimental.pallas import tpu_sc as plsc

R = 8
L = 16


def _body(B, S, D, x_hbm, t_hbm, o_hbm, tb0, tb1, xb0, xb1, is0, is1, os0, os1):
    info = plsc.get_sparse_core_info()
    nw = info.num_cores * info.num_subcores
    wid = lax.axis_index("s") * info.num_cores + lax.axis_index("c")
    rows_per_w = S // nw
    base = wid * rows_per_w
    cw = R * D
    nvec = cw // L
    nchunks = rows_per_w // R
    npairs = nchunks // 2

    def start_in(c, tb, xb, isem):
        s0 = base + c * R
        pltpu.async_copy(t_hbm.at[pl.ds(s0 * D, cw)], tb, isem)
        for b in range(B):
            pltpu.async_copy(x_hbm.at[pl.ds((b * S + s0) * D, cw)], xb.at[b], isem)

    def drain_in(tb, xb, isem):
        pltpu.make_async_copy(t_hbm.at[pl.ds(0, cw)], tb, isem).wait()
        for b in range(B):
            pltpu.make_async_copy(x_hbm.at[pl.ds(0, cw)], xb.at[b], isem).wait()

    def start_out(c, xb, osem):
        s0 = base + c * R
        for b in range(B):
            pltpu.async_copy(xb.at[b], o_hbm.at[pl.ds((b * S + s0) * D, cw)], osem)

    def drain_out(xb, osem):
        for b in range(B):
            pltpu.make_async_copy(xb.at[b], o_hbm.at[pl.ds(0, cw)], osem).wait()

    def compute(tb, xb):
        def vec_body(i, _):
            tv = tb[pl.ds(i * L, L)]
            for b in range(B):
                xb[b, pl.ds(i * L, L)] = xb[b, pl.ds(i * L, L)] + tv
            return ()

        lax.fori_loop(0, nvec, vec_body, (), unroll=8)

    start_in(0, tb0, xb0, is0)

    def pair_body(p, _):
        c = 2 * p

        @pl.when(p > 0)
        def _():
            drain_out(xb1, os1)

        start_in(c + 1, tb1, xb1, is1)
        drain_in(tb0, xb0, is0)
        compute(tb0, xb0)
        start_out(c, xb0, os0)

        drain_in(tb1, xb1, is1)

        @pl.when(p < npairs - 1)
        def _():
            drain_out(xb0, os0)
            start_in(c + 2, tb0, xb0, is0)

        compute(tb1, xb1)
        start_out(c + 1, xb1, os1)
        return ()

    lax.fori_loop(0, npairs, pair_body, ())
    drain_out(xb0, os0)
    drain_out(xb1, os1)


def kernel(input_embeddings, emb_table):
    B, S, D = input_embeddings.shape
    mesh = plsc.VectorSubcoreMesh(core_axis_name="c", subcore_axis_name="s")
    k = pl.kernel(
        functools.partial(_body, B, S, D),
        out_type=jax.ShapeDtypeStruct((B * S * D,), input_embeddings.dtype),
        mesh=mesh,
        scratch_types=[
            pltpu.VMEM((R * D,), jnp.float32),
            pltpu.VMEM((R * D,), jnp.float32),
            pltpu.VMEM((B, R * D), jnp.float32),
            pltpu.VMEM((B, R * D), jnp.float32),
            pltpu.SemaphoreType.DMA,
            pltpu.SemaphoreType.DMA,
            pltpu.SemaphoreType.DMA,
            pltpu.SemaphoreType.DMA,
        ],
    )
    out = k(input_embeddings.reshape(-1), emb_table[:S].reshape(-1))
    return out.reshape(B, S, D)

# --- scband reference (transcript-rebuilt; emitter-appended) ---
"""Pipeline reference for scband-position-embedding-50337016709625 (READ-ONLY COPY).

The authoritative reference and input builder live on the scoring server;
editing this copy changes nothing except your own understanding.
"""

import jax, jax.numpy as jnp
import numpy as np

MAX_SEQ = 8192
EMB_DIM = 1024
BATCH = 4
SEQ = 8192

def setup_inputs(seed: int = 0) -> dict:
    key = jax.random.key(seed)
    k1, k2 = jax.random.split(key)
    input_embeddings = jax.random.normal(k1, (BATCH, SEQ, EMB_DIM), dtype=jnp.float32)
    # learned position embedding table, sized per init_kwargs (max_sequence_length, emb_dim)
    emb_table = jax.random.normal(k2, (MAX_SEQ, EMB_DIM), dtype=jnp.float32) * 0.02
    return {"input_embeddings": input_embeddings, "emb_table": emb_table}

def reference(input_embeddings, emb_table):
    seq_len = input_embeddings.shape[1]
    positions = jnp.arange(seq_len)
    pos_emb = jnp.take(emb_table, positions, axis=0)  # [S, D]
    return input_embeddings + pos_emb[None, :, :]

if __name__ == "__main__":
    import jax
    _d = setup_inputs()
    print(jax.jit(kernel)(*tuple(_d.values())))

</pallas_src>

<mosaic_0001>
#map = affine_map<(d0, d1) -> (0)>
module attributes {stable_mosaic.version = 14 : i64} {
  func.func @_body(%arg0: i32, %arg1: i32, %arg2: memref<33554432xf32, #tpu.memory_space<hbm>>, %arg3: memref<8388608xf32, #tpu.memory_space<hbm>>, %arg4: memref<33554432xf32, #tpu.memory_space<hbm>>, %arg5: memref<8192xf32, #tpu.memory_space<vmem>>, %arg6: memref<8192xf32, #tpu.memory_space<vmem>>, %arg7: memref<4x8192xf32, #tpu.memory_space<vmem>>, %arg8: memref<4x8192xf32, #tpu.memory_space<vmem>>, %arg9: memref<!tpu.dma_semaphore, #tpu.memory_space<semaphore_mem>>, %arg10: memref<!tpu.dma_semaphore, #tpu.memory_space<semaphore_mem>>, %arg11: memref<!tpu.dma_semaphore, #tpu.memory_space<semaphore_mem>>, %arg12: memref<!tpu.dma_semaphore, #tpu.memory_space<semaphore_mem>>) attributes {dimension_semantics = [#tpu.dimension_semantics<core_parallel>, #tpu.dimension_semantics<subcore_parallel>], iteration_bounds = array<i64: 2, 16>, scalar_prefetch = 0 : i64, scratch_operands = 8 : i64, tpu.core_type = #tpu.core_type<sc_vector_subcore>, window_params = [{transform_indices = #map}, {transform_indices = #map}, {transform_indices = #map}]} {
    %mul3A = arith.constant 2 : i32
    %mul3A_0 = arith.muli %arg1, %mul3A : i32
    %add3A = arith.addi %mul3A_0, %arg0 : i32
    %mul3A_1 = arith.constant 256 : i32
    %mul3A_2 = arith.muli %add3A, %mul3A_1 : i32
    %add3A_3 = arith.constant 0 : i32
    %add3A_4 = arith.addi %mul3A_2, %add3A_3 : i32
    %mul3A_5 = arith.constant 1024 : i32
    %mul3A_6 = arith.muli %add3A_4, %mul3A_5 : i32
    %dma_start3A = tpu.memref_slice %arg3[%mul3A_6] : memref<8388608xf32, #tpu.memory_space<hbm>> -> memref<8192xf32, #tpu.memory_space<hbm>>
    %dma_start3A_7 = tpu.memref_slice %arg3[%mul3A_6] : memref<8388608xf32, #tpu.memory_space<hbm>> -> memref<8192xf32, #tpu.memory_space<hbm>>
    tpu.enqueue_dma source(%dma_start3A_7 : memref<8192xf32, #tpu.memory_space<hbm>>) target(%arg5 : memref<8192xf32, #tpu.memory_space<vmem>>) target_semaphore(%arg9 : memref<!tpu.dma_semaphore, #tpu.memory_space<semaphore_mem>>)
    %add3A_8 = arith.constant 0 : i32
    %add3A_9 = arith.addi %add3A_8, %add3A_4 : i32
    %mul3A_10 = arith.constant 1024 : i32
    %mul3A_11 = arith.muli %add3A_9, %mul3A_10 : i32
    %dma_start3A_12 = arith.constant 0 : i32
    %dma_start3A_13 = arith.constant 0 : i32
    %dma_start3A_14 = tpu.memref_slice %arg7[%dma_start3A_12, %dma_start3A_13] : memref<4x8192xf32, #tpu.memory_space<vmem>> -> memref<1x8192xf32, #tpu.memory_space<vmem>>
    %dma_start3A_15 = tpu.memref_squeeze %dma_start3A_14 : memref<1x8192xf32, #tpu.memory_space<vmem>> -> memref<8192xf32, #tpu.memory_space<vmem>>
    %dma_start3A_16 = tpu.memref_slice %arg2[%mul3A_11] : memref<33554432xf32, #tpu.memory_space<hbm>> -> memref<8192xf32, #tpu.memory_space<hbm>>
    %dma_start3A_17 = arith.constant 0 : i32
    %dma_start3A_18 = tpu.memref_slice %arg7[%dma_start3A_12, %dma_start3A_17] : memref<4x8192xf32, #tpu.memory_space<vmem>> -> memref<1x8192xf32, #tpu.memory_space<vmem>>
    %dma_start3A_19 = tpu.memref_squeeze %dma_start3A_18 : memref<1x8192xf32, #tpu.memory_space<vmem>> -> memref<8192xf32, #tpu.memory_space<vmem>>
    %dma_start3A_20 = tpu.memref_slice %arg2[%mul3A_11] : memref<33554432xf32, #tpu.memory_space<hbm>> -> memref<8192xf32, #tpu.memory_space<hbm>>
    tpu.enqueue_dma source(%dma_start3A_20 : memref<8192xf32, #tpu.memory_space<hbm>>) target(%dma_start3A_19 : memref<8192xf32, #tpu.memory_space<vmem>>) target_semaphore(%arg9 : memref<!tpu.dma_semaphore, #tpu.memory_space<semaphore_mem>>)
    %add3A_21 = arith.constant 8192 : i32
    %add3A_22 = arith.addi %add3A_21, %add3A_4 : i32
    %mul3A_23 = arith.constant 1024 : i32
    %mul3A_24 = arith.muli %add3A_22, %mul3A_23 : i32
    %dma_start3A_25 = arith.constant 1 : i32
    %dma_start3A_26 = arith.constant 0 : i32
    %dma_start3A_27 = tpu.memref_slice %arg7[%dma_start3A_25, %dma_start3A_26] : memref<4x8192xf32, #tpu.memory_space<vmem>> -> memref<1x8192xf32, #tpu.memory_space<vmem>>
    %dma_start3A_28 = tpu.memref_squeeze %dma_start3A_27 : memref<1x8192xf32, #tpu.memory_space<vmem>> -> memref<8192xf32, #tpu.memory_space<vmem>>
    %dma_start3A_29 = tpu.memref_slice %arg2[%mul3A_24] : memref<33554432xf32, #tpu.memory_space<hbm>> -> memref<8192xf32, #tpu.memory_space<hbm>>
    %dma_start3A_30 = arith.constant 0 : i32
    %dma_start3A_31 = tpu.memref_slice %arg7[%dma_start3A_25, %dma_start3A_30] : memref<4x8192xf32, #tpu.memory_space<vmem>> -> memref<1x8192xf32, #tpu.memory_space<vmem>>
    %dma_start3A_32 = tpu.memref_squeeze %dma_start3A_31 : memref<1x8192xf32, #tpu.memory_space<vmem>> -> memref<8192xf32, #tpu.memory_space<vmem>>
    %dma_start3A_33 = tpu.memref_slice %arg2[%mul3A_24] : memref<33554432xf32, #tpu.memory_space<hbm>> -> memref<8192xf32, #tpu.memory_space<hbm>>
    tpu.enqueue_dma source(%dma_start3A_33 : memref<8192xf32, #tpu.memory_space<hbm>>) target(%dma_start3A_32 : memref<8192xf32, #tpu.memory_space<vmem>>) target_semaphore(%arg9 : memref<!tpu.dma_semaphore, #tpu.memory_space<semaphore_mem>>)
    %add3A_34 = arith.constant 16384 : i32
    %add3A_35 = arith.addi %add3A_34, %add3A_4 : i32
    %mul3A_36 = arith.constant 1024 : i32
    %mul3A_37 = arith.muli %add3A_35, %mul3A_36 : i32
    %dma_start3A_38 = arith.constant 2 : i32
    %dma_start3A_39 = arith.constant 0 : i32
    %dma_start3A_40 = tpu.memref_slice %arg7[%dma_start3A_38, %dma_start3A_39] : memref<4x8192xf32, #tpu.memory_space<vmem>> -> memref<1x8192xf32, #tpu.memory_space<vmem>>
    %dma_start3A_41 = tpu.memref_squeeze %dma_start3A_40 : memref<1x8192xf32, #tpu.memory_space<vmem>> -> memref<8192xf32, #tpu.memory_space<vmem>>
    %dma_start3A_42 = tpu.memref_slice %arg2[%mul3A_37] : memref<33554432xf32, #tpu.memory_space<hbm>> -> memref<8192xf32, #tpu.memory_space<hbm>>
    %dma_start3A_43 = arith.constant 0 : i32
    %dma_start3A_44 = tpu.memref_slice %arg7[%dma_start3A_38, %dma_start3A_43] : memref<4x8192xf32, #tpu.memory_space<vmem>> -> memref<1x8192xf32, #tpu.memory_space<vmem>>
    %dma_start3A_45 = tpu.memref_squeeze %dma_start3A_44 : memref<1x8192xf32, #tpu.memory_space<vmem>> -> memref<8192xf32, #tpu.memory_space<vmem>>
    %dma_start3A_46 = tpu.memref_slice %arg2[%mul3A_37] : memref<33554432xf32, #tpu.memory_space<hbm>> -> memref<8192xf32, #tpu.memory_space<hbm>>
    tpu.enqueue_dma source(%dma_start3A_46 : memref<8192xf32, #tpu.memory_space<hbm>>) target(%dma_start3A_45 : memref<8192xf32, #tpu.memory_space<vmem>>) target_semaphore(%arg9 : memref<!tpu.dma_semaphore, #tpu.memory_space<semaphore_mem>>)
    %add3A_47 = arith.constant 24576 : i32
    %add3A_48 = arith.addi %add3A_47, %add3A_4 : i32
    %mul3A_49 = arith.constant 1024 : i32
    %mul3A_50 = arith.muli %add3A_48, %mul3A_49 : i32
    %dma_start3A_51 = arith.constant 3 : i32
    %dma_start3A_52 = arith.constant 0 : i32
    %dma_start3A_53 = tpu.memref_slice %arg7[%dma_start3A_51, %dma_start3A_52] : memref<4x8192xf32, #tpu.memory_space<vmem>> -> memref<1x8192xf32, #tpu.memory_space<vmem>>
    %dma_start3A_54 = tpu.memref_squeeze %dma_start3A_53 : memref<1x8192xf32, #tpu.memory_space<vmem>> -> memref<8192xf32, #tpu.memory_space<vmem>>
    %dma_start3A_55 = tpu.memref_slice %arg2[%mul3A_50] : memref<33554432xf32, #tpu.memory_space<hbm>> -> memref<8192xf32, #tpu.memory_space<hbm>>
    %dma_start3A_56 = arith.constant 0 : i32
    %dma_start3A_57 = tpu.memref_slice %arg7[%dma_start3A_51, %dma_start3A_56] : memref<4x8192xf32, #tpu.memory_space<vmem>> -> memref<1x8192xf32, #tpu.memory_space<vmem>>
    %dma_start3A_58 = tpu.memref_squeeze %dma_start3A_57 : memref<1x8192xf32, #tpu.memory_space<vmem>> -> memref<8192xf32, #tpu.memory_space<vmem>>
    %dma_start3A_59 = tpu.memref_slice %arg2[%mul3A_50] : memref<33554432xf32, #tpu.memory_space<hbm>> -> memref<8192xf32, #tpu.memory_space<hbm>>
    tpu.enqueue_dma source(%dma_start3A_59 : memref<8192xf32, #tpu.memory_space<hbm>>) target(%dma_start3A_58 : memref<8192xf32, #tpu.memory_space<vmem>>) target_semaphore(%arg9 : memref<!tpu.dma_semaphore, #tpu.memory_space<semaphore_mem>>)
    %scan3A = arith.constant 0 : i32
    %scan3A_60 = arith.constant 16 : i32
    %scan3A_61 = arith.addi %scan3A, %scan3A_60 : i32
    %scan3A_62 = arith.constant 1 : i32
    scf.for %scan3A_151 = %scan3A to %scan3A_61 step %scan3A_62  : i32 {
      %mul3A_152 = arith.constant 2 : i32
      %mul3A_153 = arith.muli %mul3A_152, %scan3A_151 : i32
      %gt3A = arith.constant 0 : i32
      %gt3A_154 = arith.cmpi sgt, %scan3A_151, %gt3A : i32
      %convert_element_type3A = arith.extui %gt3A_154 : i1 to i32
      %cond3A = arith.constant 0 : i32
      %cond3A_155 = arith.cmpi ne, %convert_element_type3A, %cond3A : i32
      scf.if %cond3A_155 {
        %dma_wait3A_439 = arith.constant 0 : i32
        %dma_wait3A_440 = arith.constant 0 : i32
        %dma_wait3A_441 = tpu.memref_slice %arg8[%dma_wait3A_439, %dma_wait3A_440] : memref<4x8192xf32, #tpu.memory_space<vmem>> -> memref<1x8192xf32, #tpu.memory_space<vmem>>
        %dma_wait3A_442 = tpu.memref_squeeze %dma_wait3A_441 : memref<1x8192xf32, #tpu.memory_space<vmem>> -> memref<8192xf32, #tpu.memory_space<vmem>>
        %dma_wait3A_443 = arith.constant 0 : i32
        %dma_wait3A_444 = tpu.memref_slice %arg4[%dma_wait3A_443] : memref<33554432xf32, #tpu.memory_space<hbm>> -> memref<8192xf32, #tpu.memory_space<hbm>>
        %dma_wait3A_445 = arith.constant 0 : i32
        %dma_wait3A_446 = tpu.memref_slice %arg4[%dma_wait3A_445] : memref<33554432xf32, #tpu.memory_space<hbm>> -> memref<8192xf32, #tpu.memory_space<hbm>>
        %dma_wait3A_447 = arith.constant 0 : i32
        %dma_wait3A_448 = tpu.memref_slice %arg8[%dma_wait3A_439, %dma_wait3A_447] : memref<4x8192xf32, #tpu.memory_space<vmem>> -> memref<1x8192xf32, #tpu.memory_space<vmem>>
        %dma_wait3A_449 = tpu.memref_squeeze %dma_wait3A_448 : memref<1x8192xf32, #tpu.memory_space<vmem>> -> memref<8192xf32, #tpu.memory_space<vmem>>
        tpu.wait_dma2 semaphore(%arg12 : memref<!tpu.dma_semaphore, #tpu.memory_space<semaphore_mem>>) src(%dma_wait3A_449 : memref<8192xf32, #tpu.memory_space<vmem>>) dst(%dma_wait3A_446 : memref<8192xf32, #tpu.memory_space<hbm>>)
        %dma_wait3A_450 = arith.constant 1 : i32
        %dma_wait3A_451 = arith.constant 0 : i32
        %dma_wait3A_452 = tpu.memref_slice %arg8[%dma_wait3A_450, %dma_wait3A_451] : memref<4x8192xf32, #tpu.memory_space<vmem>> -> memref<1x8192xf32, #tpu.memory_space<vmem>>
        %dma_wait3A_453 = tpu.memref_squeeze %dma_wait3A_452 : memref<1x8192xf32, #tpu.memory_space<vmem>> -> memref<8192xf32, #tpu.memory_space<vmem>>
        %dma_wait3A_454 = arith.constant 0 : i32
        %dma_wait3A_455 = tpu.memref_slice %arg4[%dma_wait3A_454] : memref<33554432xf32, #tpu.memory_space<hbm>> -> memref<8192xf32, #tpu.memory_space<hbm>>
        %dma_wait3A_456 = arith.constant 0 : i32
        %dma_wait3A_457 = tpu.memref_slice %arg4[%dma_wait3A_456] : memref<33554432xf32, #tpu.memory_space<hbm>> -> memref<8192xf32, #tpu.memory_space<hbm>>
        %dma_wait3A_458 = arith.constant 0 : i32
        %dma_wait3A_459 = tpu.memref_slice %arg8[%dma_wait3A_450, %dma_wait3A_458] : memref<4x8192xf32, #tpu.memory_space<vmem>> -> memref<1x8192xf32, #tpu.memory_space<vmem>>
        %dma_wait3A_460 = tpu.memref_squeeze %dma_wait3A_459 : memref<1x8192xf32, #tpu.memory_space<vmem>> -> memref<8192xf32, #tpu.memory_space<vmem>>
        tpu.wait_dma2 semaphore(%arg12 : memref<!tpu.dma_semaphore, #tpu.memory_space<semaphore_mem>>) src(%dma_wait3A_460 : memref<8192xf32, #tpu.memory_space<vmem>>) dst(%dma_wait3A_457 : memref<8192xf32, #tpu.memory_space<hbm>>)
        %dma_wait3A_461 = arith.constant 2 : i32
        %dma_wait3A_462 = arith.constant 0 : i32
        %dma_wait3A_463 = tpu.memref_slice %arg8[%dma_wait3A_461, %dma_wait3A_462] : memref<4x8192xf32, #tpu.memory_space<vmem>> -> memref<1x8192xf32, #tpu.memory_space<vmem>>
        %dma_wait3A_464 = tpu.memref_squeeze %dma_wait3A_463 : memref<1x8192xf32, #tpu.memory_space<vmem>> -> memref<8192xf32, #tpu.memory_space<vmem>>
        %dma_wait3A_465 = arith.constant 0 : i32
        %dma_wait3A_466 = tpu.memref_slice %arg4[%dma_wait3A_465] : memref<33554432xf32, #tpu.memory_space<hbm>> -> memref<8192xf32, #tpu.memory_space<hbm>>
        %dma_wait3A_467 = arith.constant 0 : i32
        %dma_wait3A_468 = tpu.memref_slice %arg4[%dma_wait3A_467] : memref<33554432xf32, #tpu.memory_space<hbm>> -> memref<8192xf32, #tpu.memory_space<hbm>>
        %dma_wait3A_469 = arith.constant 0 : i32
        %dma_wait3A_470 = tpu.memref_slice %arg8[%dma_wait3A_461, %dma_wait3A_469] : memref<4x8192xf32, #tpu.memory_space<vmem>> -> memref<1x8192xf32, #tpu.memory_space<vmem>>
        %dma_wait3A_471 = tpu.memref_squeeze %dma_wait3A_470 : memref<1x8192xf32, #tpu.memory_space<vmem>> -> memref<8192xf32, #tpu.memory_space<vmem>>
        tpu.wait_dma2 semaphore(%arg12 : memref<!tpu.dma_semaphore, #tpu.memory_space<semaphore_mem>>) src(%dma_wait3A_471 : memref<8192xf32, #tpu.memory_space<vmem>>) dst(%dma_wait3A_468 : memref<8192xf32, #tpu.memory_space<hbm>>)
        %dma_wait3A_472 = arith.constant 3 : i32
        %dma_wait3A_473 = arith.constant 0 : i32
        %dma_wait3A_474 = tpu.memref_slice %arg8[%dma_wait3A_472, %dma_wait3A_473] : memref<4x8192xf32, #tpu.memory_space<vmem>> -> memref<1x8192xf32, #tpu.memory_space<vmem>>
        %dma_wait3A_475 = tpu.memref_squeeze %dma_wait3A_474 : memref<1x8192xf32, #tpu.memory_space<vmem>> -> memref<8192xf32, #tpu.memory_space<vmem>>
        %dma_wait3A_476 = arith.constant 0 : i32
        %dma_wait3A_477 = tpu.memref_slice %arg4[%dma_wait3A_476] : memref<33554432xf32, #tpu.memory_space<hbm>> -> memref<8192xf32, #tpu.memory_space<hbm>>
        %dma_wait3A_478 = arith.constant 0 : i32
        %dma_wait3A_479 = tpu.memref_slice %arg4[%dma_wait3A_478] : memref<33554432xf32, #tpu.memory_space<hbm>> -> memref<8192xf32, #tpu.memory_space<hbm>>
        %dma_wait3A_480 = arith.constant 0 : i32
        %dma_wait3A_481 = tpu.memref_slice %arg8[%dma_wait3A_472, %dma_wait3A_480] : memref<4x8192xf32, #tpu.memory_space<vmem>> -> memref<1x8192xf32, #tpu.memory_space<vmem>>
        %dma_wait3A_482 = tpu.memref_squeeze %dma_wait3A_481 : memref<1x8192xf32, #tpu.memory_space<vmem>> -> memref<8192xf32, #tpu.memory_space<vmem>>
        tpu.wait_dma2 semaphore(%arg12 : memref<!tpu.dma_semaphore, #tpu.memory_space<semaphore_mem>>) src(%dma_wait3A_482 : memref<8192xf32, #tpu.memory_space<vmem>>) dst(%dma_wait3A_479 : memref<8192xf32, #tpu.memory_space<hbm>>)
      } else {
      }
      %add3A_156 = arith.constant 1 : i32
      %add3A_157 = arith.addi %mul3A_153, %add3A_156 : i32
      %mul3A_158 = arith.constant 8 : i32
      %mul3A_159 = arith.muli %add3A_157, %mul3A_158 : i32
      %add3A_160 = arith.addi %mul3A_2, %mul3A_159 : i32
      %mul3A_161 = arith.constant 1024 : i32
      %mul3A_162 = arith.muli %add3A_160, %mul3A_161 : i32
      %dma_start3A_163 = tpu.memref_slice %arg3[%mul3A_162] : memref<8388608xf32, #tpu.memory_space<hbm>> -> memref<8192xf32, #tpu.memory_space<hbm>>
      %dma_start3A_164 = tpu.memref_slice %arg3[%mul3A_162] : memref<8388608xf32, #tpu.memory_space<hbm>> -> memref<8192xf32, #tpu.memory_space<hbm>>
      tpu.enqueue_dma source(%dma_start3A_164 : memref<8192xf32, #tpu.memory_space<hbm>>) target(%arg6 : memref<8192xf32, #tpu.memory_space<vmem>>) target_semaphore(%arg10 : memref<!tpu.dma_semaphore, #tpu.memory_space<semaphore_mem>>)
      %add3A_165 = arith.constant 0 : i32
      %add3A_166 = arith.addi %add3A_165, %add3A_160 : i32
      %mul3A_167 = arith.constant 1024 : i32
      %mul3A_168 = arith.muli %add3A_166, %mul3A_167 : i32
      %dma_start3A_169 = arith.constant 0 : i32
      %dma_start3A_170 = arith.constant 0 : i32
      %dma_start3A_171 = tpu.memref_slice %arg8[%dma_start3A_169, %dma_start3A_170] : memref<4x8192xf32, #tpu.memory_space<vmem>> -> memref<1x8192xf32, #tpu.memory_space<vmem>>
      %dma_start3A_172 = tpu.memref_squeeze %dma_start3A_171 : memref<1x8192xf32, #tpu.memory_space<vmem>> -> memref<8192xf32, #tpu.memory_space<vmem>>
      %dma_start3A_173 = tpu.memref_slice %arg2[%mul3A_168] : memref<33554432xf32, #tpu.memory_space<hbm>> -> memref<8192xf32, #tpu.memory_space<hbm>>
      %dma_start3A_174 = arith.constant 0 : i32
      %dma_start3A_175 = tpu.memref_slice %arg8[%dma_start3A_169, %dma_start3A_174] : memref<4x8192xf32, #tpu.memory_space<vmem>> -> memref<1x8192xf32, #tpu.memory_space<vmem>>
      %dma_start3A_176 = tpu.memref_squeeze %dma_start3A_175 : memref<1x8192xf32, #tpu.memory_space<vmem>> -> memref<8192xf32, #tpu.memory_space<vmem>>
      %dma_start3A_177 = tpu.memref_slice %arg2[%mul3A_168] : memref<33554432xf32, #tpu.memory_space<hbm>> -> memref<8192xf32, #tpu.memory_space<hbm>>
      tpu.enqueue_dma source(%dma_start3A_177 : memref<8192xf32, #tpu.memory_space<hbm>>) target(%dma_start3A_176 : memref<8192xf32, #tpu.memory_space<vmem>>) target_semaphore(%arg10 : memref<!tpu.dma_semaphore, #tpu.memory_space<semaphore_mem>>)
      %add3A_178 = arith.constant 8192 : i32
      %add3A_179 = arith.addi %add3A_178, %add3A_160 : i32
      %mul3A_180 = arith.constant 1024 : i32
      %mul3A_181 = arith.muli %add3A_179, %mul3A_180 : i32
      %dma_start3A_182 = arith.constant 1 : i32
      %dma_start3A_183 = arith.constant 0 : i32
      %dma_start3A_184 = tpu.memref_slice %arg8[%dma_start3A_182, %dma_start3A_183] : memref<4x8192xf32, #tpu.memory_space<vmem>> -> memref<1x8192xf32, #tpu.memory_space<vmem>>
      %dma_start3A_185 = tpu.memref_squeeze %dma_start3A_184 : memref<1x8192xf32, #tpu.memory_space<vmem>> -> memref<8192xf32, #tpu.memory_space<vmem>>
      %dma_start3A_186 = tpu.memref_slice %arg2[%mul3A_181] : memref<33554432xf32, #tpu.memory_space<hbm>> -> memref<8192xf32, #tpu.memory_space<hbm>>
      %dma_start3A_187 = arith.constant 0 : i32
      %dma_start3A_188 = tpu.memref_slice %arg8[%dma_start3A_182, %dma_start3A_187] : memref<4x8192xf32, #tpu.memory_space<vmem>> -> memref<1x8192xf32, #tpu.memory_space<vmem>>
      %dma_start3A_189 = tpu.memref_squeeze %dma_start3A_188 : memref<1x8192xf32, #tpu.memory_space<vmem>> -> memref<8192xf32, #tpu.memory_space<vmem>>
      %dma_start3A_190 = tpu.memref_slice %arg2[%mul3A_181] : memref<33554432xf32, #tpu.memory_space<hbm>> -> memref<8192xf32, #tpu.memory_space<hbm>>
      tpu.enqueue_dma source(%dma_start3A_190 : memref<8192xf32, #tpu.memory_space<hbm>>) target(%dma_start3A_189 : memref<8192xf32, #tpu.memory_space<vmem>>) target_semaphore(%arg10 : memref<!tpu.dma_semaphore, #tpu.memory_space<semaphore_mem>>)
      %add3A_191 = arith.constant 16384 : i32
      %add3A_192 = arith.addi %add3A_191, %add3A_160 : i32
      %mul3A_193 = arith.constant 1024 : i32
      %mul3A_194 = arith.muli %add3A_192, %mul3A_193 : i32
      %dma_start3A_195 = arith.constant 2 : i32
      %dma_start3A_196 = arith.constant 0 : i32
      %dma_start3A_197 = tpu.memref_slice %arg8[%dma_start3A_195, %dma_start3A_196] : memref<4x8192xf32, #tpu.memory_space<vmem>> -> memref<1x8192xf32, #tpu.memory_space<vmem>>
      %dma_start3A_198 = tpu.memref_squeeze %dma_start3A_197 : memref<1x8192xf32, #tpu.memory_space<vmem>> -> memref<8192xf32, #tpu.memory_space<vmem>>
      %dma_start3A_199 = tpu.memref_slice %arg2[%mul3A_194] : memref<33554432xf32, #tpu.memory_space<hbm>> -> memref<8192xf32, #tpu.memory_space<hbm>>
      %dma_start3A_200 = arith.constant 0 : i32
      %dma_start3A_201 = tpu.memref_slice %arg8[%dma_start3A_195, %dma_start3A_200] : memref<4x8192xf32, #tpu.memory_space<vmem>> -> memref<1x8192xf32, #tpu.memory_space<vmem>>
      %dma_start3A_202 = tpu.memref_squeeze %dma_start3A_201 : memref<1x8192xf32, #tpu.memory_space<vmem>> -> memref<8192xf32, #tpu.memory_space<vmem>>
      %dma_start3A_203 = tpu.memref_slice %arg2[%mul3A_194] : memref<33554432xf32, #tpu.memory_space<hbm>> -> memref<8192xf32, #tpu.memory_space<hbm>>
      tpu.enqueue_dma source(%dma_start3A_203 : memref<8192xf32, #tpu.memory_space<hbm>>) target(%dma_start3A_202 : memref<8192xf32, #tpu.memory_space<vmem>>) target_semaphore(%arg10 : memref<!tpu.dma_semaphore, #tpu.memory_space<semaphore_mem>>)
      %add3A_204 = arith.constant 24576 : i32
      %add3A_205 = arith.addi %add3A_204, %add3A_160 : i32
      %mul3A_206 = arith.constant 1024 : i32
      %mul3A_207 = arith.muli %add3A_205, %mul3A_206 : i32
      %dma_start3A_208 = arith.constant 3 : i32
      %dma_start3A_209 = arith.constant 0 : i32
      %dma_start3A_210 = tpu.memref_slice %arg8[%dma_start3A_208, %dma_start3A_209] : memref<4x8192xf32, #tpu.memory_space<vmem>> -> memref<1x8192xf32, #tpu.memory_space<vmem>>
      %dma_start3A_211 = tpu.memref_squeeze %dma_start3A_210 : memref<1x8192xf32, #tpu.memory_space<vmem>> -> memref<8192xf32, #tpu.memory_space<vmem>>
      %dma_start3A_212 = tpu.memref_slice %arg2[%mul3A_207] : memref<33554432xf32, #tpu.memory_space<hbm>> -> memref<8192xf32, #tpu.memory_space<hbm>>
      %dma_start3A_213 = arith.constant 0 : i32
      %dma_start3A_214 = tpu.memref_slice %arg8[%dma_start3A_208, %dma_start3A_213] : memref<4x8192xf32, #tpu.memory_space<vmem>> -> memref<1x8192xf32, #tpu.memory_space<vmem>>
      %dma_start3A_215 = tpu.memref_squeeze %dma_start3A_214 : memref<1x8192xf32, #tpu.memory_space<vmem>> -> memref<8192xf32, #tpu.memory_space<vmem>>
      %dma_start3A_216 = tpu.memref_slice %arg2[%mul3A_207] : memref<33554432xf32, #tpu.memory_space<hbm>> -> memref<8192xf32, #tpu.memory_space<hbm>>
      tpu.enqueue_dma source(%dma_start3A_216 : memref<8192xf32, #tpu.memory_space<hbm>>) target(%dma_start3A_215 : memref<8192xf32, #tpu.memory_space<vmem>>) target_semaphore(%arg10 : memref<!tpu.dma_semaphore, #tpu.memory_space<semaphore_mem>>)
      %dma_wait3A_217 = arith.constant 0 : i32
      %dma_wait3A_218 = tpu.memref_slice %arg3[%dma_wait3A_217] : memref<8388608xf32, #tpu.memory_space<hbm>> -> memref<8192xf32, #tpu.memory_space<hbm>>
      %dma_wait3A_219 = arith.constant 0 : i32
      %dma_wait3A_220 = tpu.memref_slice %arg3[%dma_wait3A_219] : memref<8388608xf32, #tpu.memory_space<hbm>> -> memref<8192xf32, #tpu.memory_space<hbm>>
      tpu.wait_dma2 semaphore(%arg9 : memref<!tpu.dma_semaphore, #tpu.memory_space<semaphore_mem>>) src(%dma_wait3A_220 : memref<8192xf32, #tpu.memory_space<hbm>>) dst(%arg5 : memref<8192xf32, #tpu.memory_space<vmem>>)
      %dma_wait3A_221 = arith.constant 0 : i32
      %dma_wait3A_222 = arith.constant 0 : i32
      %dma_wait3A_223 = tpu.memref_slice %arg7[%dma_wait3A_221, %dma_wait3A_222] : memref<4x8192xf32, #tpu.memory_space<vmem>> -> memref<1x8192xf32, #tpu.memory_space<vmem>>
      %dma_wait3A_224 = tpu.memref_squeeze %dma_wait3A_223 : memref<1x8192xf32, #tpu.memory_space<vmem>> -> memref<8192xf32, #tpu.memory_space<vmem>>
      %dma_wait3A_225 = arith.constant 0 : i32
      %dma_wait3A_226 = tpu.memref_slice %arg2[%dma_wait3A_225] : memref<33554432xf32, #tpu.memory_space<hbm>> -> memref<8192xf32, #tpu.memory_space<hbm>>
      %dma_wait3A_227 = arith.constant 0 : i32
      %dma_wait3A_228 = tpu.memref_slice %arg7[%dma_wait3A_221, %dma_wait3A_227] : memref<4x8192xf32, #tpu.memory_space<vmem>> -> memref<1x8192xf32, #tpu.memory_space<vmem>>
      %dma_wait3A_229 = tpu.memref_squeeze %dma_wait3A_228 : memref<1x8192xf32, #tpu.memory_space<vmem>> -> memref<8192xf32, #tpu.memory_space<vmem>>
      %dma_wait3A_230 = arith.constant 0 : i32
      %dma_wait3A_231 = tpu.memref_slice %arg2[%dma_wait3A_230] : memref<33554432xf32, #tpu.memory_space<hbm>> -> memref<8192xf32, #tpu.memory_space<hbm>>
      tpu.wait_dma2 semaphore(%arg9 : memref<!tpu.dma_semaphore, #tpu.memory_space<semaphore_mem>>) src(%dma_wait3A_231 : memref<8192xf32, #tpu.memory_space<hbm>>) dst(%dma_wait3A_229 : memref<8192xf32, #tpu.memory_space<vmem>>)
      %dma_wait3A_232 = arith.constant 1 : i32
      %dma_wait3A_233 = arith.constant 0 : i32
      %dma_wait3A_234 = tpu.memref_slice %arg7[%dma_wait3A_232, %dma_wait3A_233] : memref<4x8192xf32, #tpu.memory_space<vmem>> -> memref<1x8192xf32, #tpu.memory_space<vmem>>
      %dma_wait3A_235 = tpu.memref_squeeze %dma_wait3A_234 : memref<1x8192xf32, #tpu.memory_space<vmem>> -> memref<8192xf32, #tpu.memory_space<vmem>>
      %dma_wait3A_236 = arith.constant 0 : i32
      %dma_wait3A_237 = tpu.memref_slice %arg2[%dma_wait3A_236] : memref<33554432xf32, #tpu.memory_space<hbm>> -> memref<8192xf32, #tpu.memory_space<hbm>>
      %dma_wait3A_238 = arith.constant 0 : i32
      %dma_wait3A_239 = tpu.memref_slice %arg7[%dma_wait3A_232, %dma_wait3A_238] : memref<4x8192xf32, #tpu.memory_space<vmem>> -> memref<1x8192xf32, #tpu.memory_space<vmem>>
      %dma_wait3A_240 = tpu.memref_squeeze %dma_wait3A_239 : memref<1x8192xf32, #tpu.memory_space<vmem>> -> memref<8192xf32, #tpu.memory_space<vmem>>
      %dma_wait3A_241 = arith.constant 0 : i32
      %dma_wait3A_242 = tpu.memref_slice %arg2[%dma_wait3A_241] : memref<33554432xf32, #tpu.memory_space<hbm>> -> memref<8192xf32, #tpu.memory_space<hbm>>
      tpu.wait_dma2 semaphore(%arg9 : memref<!tpu.dma_semaphore, #tpu.memory_space<semaphore_mem>>) src(%dma_wait3A_242 : memref<8192xf32, #tpu.memory_space<hbm>>) dst(%dma_wait3A_240 : memref<8192xf32, #tpu.memory_space<vmem>>)
      %dma_wait3A_243 = arith.constant 2 : i32
      %dma_wait3A_244 = arith.constant 0 : i32
      %dma_wait3A_245 = tpu.memref_slice %arg7[%dma_wait3A_243, %dma_wait3A_244] : memref<4x8192xf32, #tpu.memory_space<vmem>> -> memref<1x8192xf32, #tpu.memory_space<vmem>>
      %dma_wait3A_246 = tpu.memref_squeeze %dma_wait3A_245 : memref<1x8192xf32, #tpu.memory_space<vmem>> -> memref<8192xf32, #tpu.memory_space<vmem>>
      %dma_wait3A_247 = arith.constant 0 : i32
      %dma_wait3A_248 = tpu.memref_slice %arg2[%dma_wait3A_247] : memref<33554432xf32, #tpu.memory_space<hbm>> -> memref<8192xf32, #tpu.memory_space<hbm>>
      %dma_wait3A_249 = arith.constant 0 : i32
      %dma_wait3A_250 = tpu.memref_slice %arg7[%dma_wait3A_243, %dma_wait3A_249] : memref<4x8192xf32, #tpu.memory_space<vmem>> -> memref<1x8192xf32, #tpu.memory_space<vmem>>
      %dma_wait3A_251 = tpu.memref_squeeze %dma_wait3A_250 : memref<1x8192xf32, #tpu.memory_space<vmem>> -> memref<8192xf32, #tpu.memory_space<vmem>>
      %dma_wait3A_252 = arith.constant 0 : i32
      %dma_wait3A_253 = tpu.memref_slice %arg2[%dma_wait3A_252] : memref<33554432xf32, #tpu.memory_space<hbm>> -> memref<8192xf32, #tpu.memory_space<hbm>>
      tpu.wait_dma2 semaphore(%arg9 : memref<!tpu.dma_semaphore, #tpu.memory_space<semaphore_mem>>) src(%dma_wait3A_253 : memref<8192xf32, #tpu.memory_space<hbm>>) dst(%dma_wait3A_251 : memref<8192xf32, #tpu.memory_space<vmem>>)
      %dma_wait3A_254 = arith.constant 3 : i32
      %dma_wait3A_255 = arith.constant 0 : i32
      %dma_wait3A_256 = tpu.memref_slice %arg7[%dma_wait3A_254, %dma_wait3A_255] : memref<4x8192xf32, #tpu.memory_space<vmem>> -> memref<1x8192xf32, #tpu.memory_space<vmem>>
      %dma_wait3A_257 = tpu.memref_squeeze %dma_wait3A_256 : memref<1x8192xf32, #tpu.memory_space<vmem>> -> memref<8192xf32, #tpu.memory_space<vmem>>
      %dma_wait3A_258 = arith.constant 0 : i32
      %dma_wait3A_259 = tpu.memref_slice %arg2[%dma_wait3A_258] : memref<33554432xf32, #tpu.memory_space<hbm>> -> memref<8192xf32, #tpu.memory_space<hbm>>
      %dma_wait3A_260 = arith.constant 0 : i32
      %dma_wait3A_261 = tpu.memref_slice %arg7[%dma_wait3A_254, %dma_wait3A_260] : memref<4x8192xf32, #tpu.memory_space<vmem>> -> memref<1x8192xf32, #tpu.memory_space<vmem>>
      %dma_wait3A_262 = tpu.memref_squeeze %dma_wait3A_261 : memref<1x8192xf32, #tpu.memory_space<vmem>> -> memref<8192xf32, #tpu.memory_space<vmem>>
      %dma_wait3A_263 = arith.constant 0 : i32
      %dma_wait3A_264 = tpu.memref_slice %arg2[%dma_wait3A_263] : memref<33554432xf32, #tpu.memory_space<hbm>> -> memref<8192xf32, #tpu.memory_space<hbm>>
      tpu.wait_dma2 semaphore(%arg9 : memref<!tpu.dma_semaphore, #tpu.memory_space<semaphore_mem>>) src(%dma_wait3A_264 : memref<8192xf32, #tpu.memory_space<hbm>>) dst(%dma_wait3A_262 : memref<8192xf32, #tpu.memory_space<vmem>>)
      %scan3A_265 = arith.constant 0 : i32
      %scan3A_266 = arith.constant 512 : i32
      %scan3A_267 = arith.addi %scan3A_265, %scan3A_266 : i32
      %scan3A_268 = arith.constant 8 : i32
      scf.for %scan3A_439 = %scan3A_265 to %scan3A_267 step %scan3A_268  : i32 {
        %mul3A_440 = arith.constant 16 : i32
        %mul3A_441 = arith.muli %scan3A_439, %mul3A_440 : i32
        %get3A = arith.index_cast %mul3A_441 : i32 to index
        %get3A_442 = tpu.vector_load %arg5[%get3A] {strides = array<i32>} : memref<8192xf32, #tpu.memory_space<vmem>>, vector<16xf32>,
        %get3A_443 = vector.shape_cast %get3A_442 : vector<16xf32> to vector<16xf32>
        %mul3A_444 = arith.constant 16 : i32
        %mul3A_445 = arith.muli %scan3A_439, %mul3A_444 : i32
        %get3A_446 = arith.constant 0 : i32
        %get3A_447 = arith.index_cast %get3A_446 : i32 to index
        %get3A_448 = arith.index_cast %mul3A_445 : i32 to index
        %get3A_449 = tpu.vector_load %arg7[%get3A_447, %get3A_448] {strides = array<i32>} : memref<4x8192xf32, #tpu.memory_space<vmem>>, vector<1x16xf32>,
        %get3A_450 = vector.shape_cast %get3A_449 : vector<1x16xf32> to vector<16xf32>
        %add3A_451 = arith.addf %get3A_450, %get3A_443 : vector<16xf32>
        %mul3A_452 = arith.constant 16 : i32
        %mul3A_453 = arith.muli %scan3A_439, %mul3A_452 : i32
        %swap3A = arith.constant 0 : i32
        %swap3A_454 = arith.index_cast %swap3A : i32 to index
        %swap3A_455 = arith.index_cast %mul3A_453 : i32 to index
        %swap3A_456 = tpu.vector_load %arg7[%swap3A_454, %swap3A_455] {strides = array<i32>} : memref<4x8192xf32, #tpu.memory_space<vmem>>, vector<1x16xf32>,
        %swap3A_457 = vector.shape_cast %swap3A_456 : vector<1x16xf32> to vector<16xf32>
        %swap3A_458 = vector.shape_cast %add3A_451 : vector<16xf32> to vector<1x16xf32>
        tpu.vector_store %arg7[%swap3A_454, %swap3A_455], %swap3A_458 {strides = array<i32>} : memref<4x8192xf32, #tpu.memory_space<vmem>>, vector<1x16xf32>,
        %mul3A_459 = arith.constant 16 : i32
        %mul3A_460 = arith.muli %scan3A_439, %mul3A_459 : i32
        %get3A_461 = arith.constant 1 : i32
        %get3A_462 = arith.index_cast %get3A_461 : i32 to index
        %get3A_463 = arith.index_cast %mul3A_460 : i32 to index
        %get3A_464 = tpu.vector_load %arg7[%get3A_462, %get3A_463] {strides = array<i32>} : memref<4x8192xf32, #tpu.memory_space<vmem>>, vector<1x16xf32>,
        %get3A_465 = vector.shape_cast %get3A_464 : vector<1x16xf32> to vector<16xf32>
        %add3A_466 = arith.addf %get3A_465, %get3A_443 : vector<16xf32>
        %mul3A_467 = arith.constant 16 : i32
        %mul3A_468 = arith.muli %scan3A_439, %mul3A_467 : i32
        %swap3A_469 = arith.constant 1 : i32
        %swap3A_470 = arith.index_cast %swap3A_469 : i32 to index
        %swap3A_471 = arith.index_cast %mul3A_468 : i32 to index
        %swap3A_472 = tpu.vector_load %arg7[%swap3A_470, %swap3A_471] {strides = array<i32>} : memref<4x8192xf32, #tpu.memory_space<vmem>>, vector<1x16xf32>,
        %swap3A_473 = vector.shape_cast %swap3A_472 : vector<1x16xf32> to vector<16xf32>
        %swap3A_474 = vector.shape_cast %add3A_466 : vector<16xf32> to vector<1x16xf32>
        tpu.vector_store %arg7[%swap3A_470, %swap3A_471], %swap3A_474 {strides = array<i32>} : memref<4x8192xf32, #tpu.memory_space<vmem>>, vector<1x16xf32>,
        %mul3A_475 = arith.constant 16 : i32
        %mul3A_476 = arith.muli %scan3A_439, %mul3A_475 : i32
        %get3A_477 = arith.constant 2 : i32
        %get3A_478 = arith.index_cast %get3A_477 : i32 to index
        %get3A_479 = arith.index_cast %mul3A_476 : i32 to index
        %get3A_480 = tpu.vector_load %arg7[%get3A_478, %get3A_479] {strides = array<i32>} : memref<4x8192xf32, #tpu.memory_space<vmem>>, vector<1x16xf32>,
        %get3A_481 = vector.shape_cast %get3A_480 : vector<1x16xf32> to vector<16xf32>
        %add3A_482 = arith.addf %get3A_481, %get3A_443 : vector<16xf32>
        %mul3A_483 = arith.constant 16 : i32
        %mul3A_484 = arith.muli %scan3A_439, %mul3A_483 : i32
        %swap3A_485 = arith.constant 2 : i32
        %swap3A_486 = arith.index_cast %swap3A_485 : i32 to index
        %swap3A_487 = arith.index_cast %mul3A_484 : i32 to index
        %swap3A_488 = tpu.vector_load %arg7[%swap3A_486, %swap3A_487] {strides = array<i32>} : memref<4x8192xf32, #tpu.memory_space<vmem>>, vector<1x16xf32>,
        %swap3A_489 = vector.shape_cast %swap3A_488 : vector<1x16xf32> to vector<16xf32>
        %swap3A_490 = vector.shape_cast %add3A_482 : vector<16xf32> to vector<1x16xf32>
        tpu.vector_store %arg7[%swap3A_486, %swap3A_487], %swap3A_490 {strides = array<i32>} : memref<4x8192xf32, #tpu.memory_space<vmem>>, vector<1x16xf32>,
        %mul3A_491 = arith.constant 16 : i32
        %mul3A_492 = arith.muli %scan3A_439, %mul3A_491 : i32
        %get3A_493 = arith.constant 3 : i32
        %get3A_494 = arith.index_cast %get3A_493 : i32 to index
        %get3A_495 = arith.index_cast %mul3A_492 : i32 to index
        %get3A_496 = tpu.vector_load %arg7[%get3A_494, %get3A_495] {strides = array<i32>} : memref<4x8192xf32, #tpu.memory_space<vmem>>, vector<1x16xf32>,
        %get3A_497 = vector.shape_cast %get3A_496 : vector<1x16xf32> to vector<16xf32>
        %add3A_498 = arith.addf %get3A_497, %get3A_443 : vector<16xf32>
        %mul3A_499 = arith.constant 16 : i32
        %mul3A_500 = arith.muli %scan3A_439, %mul3A_499 : i32
        %swap3A_501 = arith.constant 3 : i32
        %swap3A_502 = arith.index_cast %swap3A_501 : i32 to index
        %swap3A_503 = arith.index_cast %mul3A_500 : i32 to index
        %swap3A_504 = tpu.vector_load %arg7[%swap3A_502, %swap3A_503] {strides = array<i32>} : memref<4x8192xf32, #tpu.memory_space<vmem>>, vector<1x16xf32>,
        %swap3A_505 = vector.shape_cast %swap3A_504 : vector<1x16xf32> to vector<16xf32>
        %swap3A_506 = vector.shape_cast %add3A_498 : vector<16xf32> to vector<1x16xf32>
        tpu.vector_store %arg7[%swap3A_502, %swap3A_503], %swap3A_506 {strides = array<i32>} : memref<4x8192xf32, #tpu.memory_space<vmem>>, vector<1x16xf32>,
        %scan3A_507 = arith.constant 1 : i32
        %scan3A_508 = arith.addi %scan3A_439, %scan3A_507 : i32
        %mul3A_509 = arith.constant 16 : i32
        %mul3A_510 = arith.muli %scan3A_508, %mul3A_509 : i32
        %get3A_511 = arith.index_cast %mul3A_510 : i32 to index
        %get3A_512 = tpu.vector_load %arg5[%get3A_511] {strides = array<i32>} : memref<8192xf32, #tpu.memory_space<vmem>>, vector<16xf32>,
        %get3A_513 = vector.shape_cast %get3A_512 : vector<16xf32> to vector<16xf32>
        %mul3A_514 = arith.constant 16 : i32
        %mul3A_515 = arith.muli %scan3A_508, %mul3A_514 : i32
        %get3A_516 = arith.constant 0 : i32
        %get3A_517 = arith.index_cast %get3A_516 : i32 to index
        %get3A_518 = arith.index_cast %mul3A_515 : i32 to index
        %get3A_519 = tpu.vector_load %arg7[%get3A_517, %get3A_518] {strides = array<i32>} : memref<4x8192xf32, #tpu.memory_space<vmem>>, vector<1x16xf32>,
        %get3A_520 = vector.shape_cast %get3A_519 : vector<1x16xf32> to vector<16xf32>
        %add3A_521 = arith.addf %get3A_520, %get3A_513 : vector<16xf32>
        %mul3A_522 = arith.constant 16 : i32
        %mul3A_523 = arith.muli %scan3A_508, %mul3A_522 : i32
        %swap3A_524 = arith.constant 0 : i32
        %swap3A_525 = arith.index_cast %swap3A_524 : i32 to index
        %swap3A_526 = arith.index_cast %mul3A_523 : i32 to index
        %swap3A_527 = tpu.vector_load %arg7[%swap3A_525, %swap3A_526] {strides = array<i32>} : memref<4x8192xf32, #tpu.memory_space<vmem>>, vector<1x16xf32>,
        %swap3A_528 = vector.shape_cast %swap3A_527 : vector<1x16xf32> to vector<16xf32>
        %swap3A_529 = vector.shape_cast %add3A_521 : vector<16xf32> to vector<1x16xf32>
        tpu.vector_store %arg7[%swap3A_525, %swap3A_526], %swap3A_529 {strides = array<i32>} : memref<4x8192xf32, #tpu.memory_space<vmem>>, vector<1x16xf32>,
        %mul3A_530 = arith.constant 16 : i32
        %mul3A_531 = arith.muli %scan3A_508, %mul3A_530 : i32
        %get3A_532 = arith.constant 1 : i32
        %get3A_533 = arith.index_cast %get3A_532 : i32 to index
        %get3A_534 = arith.index_cast %mul3A_531 : i32 to index
        %get3A_535 = tpu.vector_load %arg7[%get3A_533, %get3A_534] {strides = array<i32>} : memref<4x8192xf32, #tpu.memory_space<vmem>>, vector<1x16xf32>,
        %get3A_536 = vector.shape_cast %get3A_535 : vector<1x16xf32> to vector<16xf32>
        %add3A_537 = arith.addf %get3A_536, %get3A_513 : vector<16xf32>
        %mul3A_538 = arith.constant 16 : i32
        %mul3A_539 = arith.muli %scan3A_508, %mul3A_538 : i32
        %swap3A_540 = arith.constant 1 : i32
        %swap3A_541 = arith.index_cast %swap3A_540 : i32 to index
        %swap3A_542 = arith.index_cast %mul3A_539 : i32 to index
        %swap3A_543 = tpu.vector_load %arg7[%swap3A_541, %swap3A_542] {strides = array<i32>} : memref<4x8192xf32, #tpu.memory_space<vmem>>, vector<1x16xf32>,
        %swap3A_544 = vector.shape_cast %swap3A_543 : vector<1x16xf32> to vector<16xf32>
        %swap3A_545 = vector.shape_cast %add3A_537 : vector<16xf32> to vector<1x16xf32>
        tpu.vector_store %arg7[%swap3A_541, %swap3A_542], %swap3A_545 {strides = array<i32>} : memref<4x8192xf32, #tpu.memory_space<vmem>>, vector<1x16xf32>,
        %mul3A_546 = arith.constant 16 : i32
        %mul3A_547 = arith.muli %scan3A_508, %mul3A_546 : i32
        %get3A_548 = arith.constant 2 : i32
        %get3A_549 = arith.index_cast %get3A_548 : i32 to index
        %get3A_550 = arith.index_cast %mul3A_547 : i32 to index
        %get3A_551 = tpu.vector_load %arg7[%get3A_549, %get3A_550] {strides = array<i32>} : memref<4x8192xf32, #tpu.memory_space<vmem>>, vector<1x16xf32>,
        %get3A_552 = vector.shape_cast %get3A_551 : vector<1x16xf32> to vector<16xf32>
        %add3A_553 = arith.addf %get3A_552, %get3A_513 : vector<16xf32>
        %mul3A_554 = arith.constant 16 : i32
        %mul3A_555 = arith.muli %scan3A_508, %mul3A_554 : i32
        %swap3A_556 = arith.constant 2 : i32
        %swap3A_557 = arith.index_cast %swap3A_556 : i32 to index
        %swap3A_558 = arith.index_cast %mul3A_555 : i32 to index
        %swap3A_559 = tpu.vector_load %arg7[%swap3A_557, %swap3A_558] {strides = array<i32>} : memref<4x8192xf32, #tpu.memory_space<vmem>>, vector<1x16xf32>,
        %swap3A_560 = vector.shape_cast %swap3A_559 : vector<1x16xf32> to vector<16xf32>
        %swap3A_561 = vector.shape_cast %add3A_553 : vector<16xf32> to vector<1x16xf32>
        tpu.vector_store %arg7[%swap3A_557, %swap3A_558], %swap3A_561 {strides = array<i32>} : memref<4x8192xf32, #tpu.memory_space<vmem>>, vector<1x16xf32>,
        %mul3A_562 = arith.constant 16 : i32
        %mul3A_563 = arith.muli %scan3A_508, %mul3A_562 : i32
        %get3A_564 = arith.constant 3 : i32
        %get3A_565 = arith.index_cast %get3A_564 : i32 to index
        %get3A_566 = arith.index_cast %mul3A_563 : i32 to index
        %get3A_567 = tpu.vector_load %arg7[%get3A_565, %get3A_566] {strides = array<i32>} : memref<4x8192xf32, #tpu.memory_space<vmem>>, vector<1x16xf32>,
        %get3A_568 = vector.shape_cast %get3A_567 : vector<1x16xf32> to vector<16xf32>
        %add3A_569 = arith.addf %get3A_568, %get3A_513 : vector<16xf32>
        %mul3A_570 = arith.constant 16 : i32
        %mul3A_571 = arith.muli %scan3A_508, %mul3A_570 : i32
        %swap3A_572 = arith.constant 3 : i32
        %swap3A_573 = arith.index_cast %swap3A_572 : i32 to index
        %swap3A_574 = arith.index_cast %mul3A_571 : i32 to index
        %swap3A_575 = tpu.vector_load %arg7[%swap3A_573, %swap3A_574] {strides = array<i32>} : memref<4x8192xf32, #tpu.memory_space<vmem>>, vector<1x16xf32>,
        %swap3A_576 = vector.shape_cast %swap3A_575 : vector<1x16xf32> to vector<16xf32>
        %swap3A_577 = vector.shape_cast %add3A_569 : vector<16xf32> to vector<1x16xf32>
        tpu.vector_store %arg7[%swap3A_573, %swap3A_574], %swap3A_577 {strides = array<i32>} : memref<4x8192xf32, #tpu.memory_space<vmem>>, vector<1x16xf32>,
        %scan3A_578 = arith.constant 2 : i32
        %scan3A_579 = arith.addi %scan3A_439, %scan3A_578 : i32
        %mul3A_580 = arith.constant 16 : i32
        %mul3A_581 = arith.muli %scan3A_579, %mul3A_580 : i32
        %get3A_582 = arith.index_cast %mul3A_581 : i32 to index
        %get3A_583 = tpu.vector_load %arg5[%get3A_582] {strides = array<i32>} : memref<8192xf32, #tpu.memory_space<vmem>>, vector<16xf32>,
        %get3A_584 = vector.shape_cast %get3A_583 : vector<16xf32> to vector<16xf32>
        %mul3A_585 = arith.constant 16 : i32
        %mul3A_586 = arith.muli %scan3A_579, %mul3A_585 : i32
        %get3A_587 = arith.constant 0 : i32
        %get3A_588 = arith.index_cast %get3A_587 : i32 to index
        %get3A_589 = arith.index_cast %mul3A_586 : i32 to index
        %get3A_590 = tpu.vector_load %arg7[%get3A_588, %get3A_589] {strides = array<i32>} : memref<4x8192xf32, #tpu.memory_space<vmem>>, vector<1x16xf32>,
        %get3A_591 = vector.shape_cast %get3A_590 : vector<1x16xf32> to vector<16xf32>
        %add3A_592 = arith.addf %get3A_591, %get3A_584 : vector<16xf32>
        %mul3A_593 = arith.constant 16 : i32
        %mul3A_594 = arith.muli %scan3A_579, %mul3A_593 : i32
        %swap3A_595 = arith.constant 0 : i32
        %swap3A_596 = arith.index_cast %swap3A_595 : i32 to index
        %swap3A_597 = arith.index_cast %mul3A_594 : i32 to index
        %swap3A_598 = tpu.vector_load %arg7[%swap3A_596, %swap3A_597] {strides = array<i32>} : memref<4x8192xf32, #tpu.memory_space<vmem>>, vector<1x16xf32>,
        %swap3A_599 = vector.shape_cast %swap3A_598 : vector<1x16xf32> to vector<16xf32>
        %swap3A_600 = vector.shape_cast %add3A_592 : vector<16xf32> to vector<1x16xf32>
        tpu.vector_store %arg7[%swap3A_596, %swap3A_597], %swap3A_600 {strides = array<i32>} : memref<4x8192xf32, #tpu.memory_space<vmem>>, vector<1x16xf32>,
        %mul3A_601 = arith.constant 16 : i32
        %mul3A_602 = arith.muli %scan3A_579, %mul3A_601 : i32
        %get3A_603 = arith.constant 1 : i32
        %get3A_604 = arith.index_cast %get3A_603 : i32 to index
        %get3A_605 = arith.index_cast %mul3A_602 : i32 to index
        %get3A_606 = tpu.vector_load %arg7[%get3A_604, %get3A_605] {strides = array<i32>} : memref<4x8192xf32, #tpu.memory_space<vmem>>, vector<1x16xf32>,
        %get3A_607 = vector.shape_cast %get3A_606 : vector<1x16xf32> to vector<16xf32>
        %add3A_608 = arith.addf %get3A_607, %get3A_584 : vector<16xf32>
        %mul3A_609 = arith.constant 16 : i32
        %mul3A_610 = arith.muli %scan3A_579, %mul3A_609 : i32
        %swap3A_611 = arith.constant 1 : i32
        %swap3A_612 = arith.index_cast %swap3A_611 : i32 to index
        %swap3A_613 = arith.index_cast %mul3A_610 : i32 to index
        %swap3A_614 = tpu.vector_load %arg7[%swap3A_612, %swap3A_613] {strides = array<i32>} : memref<4x8192xf32, #tpu.memory_space<vmem>>, vector<1x16xf32>,
        %swap3A_615 = vector.shape_cast %swap3A_614 : vector<1x16xf32> to vector<16xf32>
        %swap3A_616 = vector.shape_cast %add3A_608 : vector<16xf32> to vector<1x16xf32>
        tpu.vector_store %arg7[%swap3A_612, %swap3A_613], %swap3A_616 {strides = array<i32>} : memref<4x8192xf32, #tpu.memory_space<vmem>>, vector<1x16xf32>,
        %mul3A_617 = arith.constant 16 : i32
        %mul3A_618 = arith.muli %scan3A_579, %mul3A_617 : i32
        %get3A_619 = arith.constant 2 : i32
        %get3A_620 = arith.index_cast %get3A_619 : i32 to index
        %get3A_621 = arith.index_cast %mul3A_618 : i32 to index
        %get3A_622 = tpu.vector_load %arg7[%get3A_620, %get3A_621] {strides = array<i32>} : memref<4x8192xf32, #tpu.memory_space<vmem>>, vector<1x16xf32>,
        %get3A_623 = vector.shape_cast %get3A_622 : vector<1x16xf32> to vector<16xf32>
        %add3A_624 = arith.addf %get3A_623, %get3A_584 : vector<16xf32>
        %mul3A_625 = arith.constant 16 : i32
        %mul3A_626 = arith.muli %scan3A_579, %mul3A_625 : i32
        %swap3A_627 = arith.constant 2 : i32
        %swap3A_628 = arith.index_cast %swap3A_627 : i32 to index
        %swap3A_629 = arith.index_cast %mul3A_626 : i32 to index
        %swap3A_630 = tpu.vector_load %arg7[%swap3A_628, %swap3A_629] {strides = array<i32>} : memref<4x8192xf32, #tpu.memory_space<vmem>>, vector<1x16xf32>,
        %swap3A_631 = vector.shape_cast %swap3A_630 : vector<1x16xf32> to vector<16xf32>
        %swap3A_632 = vector.shape_cast %add3A_624 : vector<16xf32> to vector<1x16xf32>
        tpu.vector_store %arg7[%swap3A_628, %swap3A_629], %swap3A_632 {strides = array<i32>} : memref<4x8192xf32, #tpu.memory_space<vmem>>, vector<1x16xf32>,
        %mul3A_633 = arith.constant 16 : i32
        %mul3A_634 = arith.muli %scan3A_579, %mul3A_633 : i32
        %get3A_635 = arith.constant 3 : i32
        %get3A_636 = arith.index_cast %get3A_635 : i32 to index
        %get3A_637 = arith.index_cast %mul3A_634 : i32 to index
        %get3A_638 = tpu.vector_load %arg7[%get3A_636, %get3A_637] {strides = array<i32>} : memref<4x8192xf32, #tpu.memory_space<vmem>>, vector<1x16xf32>,
        %get3A_639 = vector.shape_cast %get3A_638 : vector<1x16xf32> to vector<16xf32>
        %add3A_640 = arith.addf %get3A_639, %get3A_584 : vector<16xf32>
        %mul3A_641 = arith.constant 16 : i32
        %mul3A_642 = arith.muli %scan3A_579, %mul3A_641 : i32
        %swap3A_643 = arith.constant 3 : i32
        %swap3A_644 = arith.index_cast %swap3A_643 : i32 to index
        %swap3A_645 = arith.index_cast %mul3A_642 : i32 to index
        %swap3A_646 = tpu.vector_load %arg7[%swap3A_644, %swap3A_645] {strides = array<i32>} : memref<4x8192xf32, #tpu.memory_space<vmem>>, vector<1x16xf32>,
        %swap3A_647 = vector.shape_cast %swap3A_646 : vector<1x16xf32> to vector<16xf32>
        %swap3A_648 = vector.shape_cast %add3A_640 : vector<16xf32> to vector<1x16xf32>
        tpu.vector_store %arg7[%swap3A_644, %swap3A_645], %swap3A_648 {strides = array<i32>} : memref<4x8192xf32, #tpu.memory_space<vmem>>, vector<1x16xf32>,
        %scan3A_649 = arith.constant 3 : i32
        %scan3A_650 = arith.addi %scan3A_439, %scan3A_649 : i32
        %mul3A_651 = arith.constant 16 : i32
        %mul3A_652 = arith.muli %scan3A_650, %mul3A_651 : i32
        %get3A_653 = arith.index_cast %mul3A_652 : i32 to index
        %get3A_654 = tpu.vector_load %arg5[%get3A_653] {strides = array<i32>} : memref<8192xf32, #tpu.memory_space<vmem>>, vector<16xf32>,
        %get3A_655 = vector.shape_cast %get3A_654 : vector<16xf32> to vector<16xf32>
        %mul3A_656 = arith.constant 16 : i32
        %mul3A_657 = arith.muli %scan3A_650, %mul3A_656 : i32
        %get3A_658 = arith.constant 0 : i32
        %get3A_659 = arith.index_cast %get3A_658 : i32 to index
        %get3A_660 = arith.index_cast %mul3A_657 : i32 to index
        %get3A_661 = tpu.vector_load %arg7[%get3A_659, %get3A_660] {strides = array<i32>} : memref<4x8192xf32, #tpu.memory_space<vmem>>, vector<1x16xf32>,
        %get3A_662 = vector.shape_cast %get3A_661 : vector<1x16xf32> to vector<16xf32>
        %add3A_663 = arith.addf %get3A_662, %get3A_655 : vector<16xf32>
        %mul3A_664 = arith.constant 16 : i32
        %mul3A_665 = arith.muli %scan3A_650, %mul3A_664 : i32
        %swap3A_666 = arith.constant 0 : i32
        %swap3A_667 = arith.index_cast %swap3A_666 : i32 to index
        %swap3A_668 = arith.index_cast %mul3A_665 : i32 to index
        %swap3A_669 = tpu.vector_load %arg7[%swap3A_667, %swap3A_668] {strides = array<i32>} : memref<4x8192xf32, #tpu.memory_space<vmem>>, vector<1x16xf32>,
        %swap3A_670 = vector.shape_cast %swap3A_669 : vector<1x16xf32> to vector<16xf32>
        %swap3A_671 = vector.shape_cast %add3A_663 : vector<16xf32> to vector<1x16xf32>
        tpu.vector_store %arg7[%swap3A_667, %swap3A_668], %swap3A_671 {strides = array<i32>} : memref<4x8192xf32, #tpu.memory_space<vmem>>, vector<1x16xf32>,
        %mul3A_672 = arith.constant 16 : i32
        %mul3A_673 = arith.muli %scan3A_650, %mul3A_672 : i32
        %get3A_674 = arith.constant 1 : i32
        %get3A_675 = arith.index_cast %get3A_674 : i32 to index
        %get3A_676 = arith.index_cast %mul3A_673 : i32 to index
        %get3A_677 = tpu.vector_load %arg7[%get3A_675, %get3A_676] {strides = array<i32>} : memref<4x8192xf32, #tpu.memory_space<vmem>>, vector<1x16xf32>,
        %get3A_678 = vector.shape_cast %get3A_677 : vector<1x16xf32> to vector<16xf32>
        %add3A_679 = arith.addf %get3A_678, %get3A_655 : vector<16xf32>
        %mul3A_680 = arith.constant 16 : i32
        %mul3A_681 = arith.muli %scan3A_650, %mul3A_680 : i32
        %swap3A_682 = arith.constant 1 : i32
        %swap3A_683 = arith.index_cast %swap3A_682 : i32 to index
        %swap3A_684 = arith.index_cast %mul3A_681 : i32 to index
        %swap3A_685 = tpu.vector_load %arg7[%swap3A_683, %swap3A_684] {strides = array<i32>} : memref<4x8192xf32, #tpu.memory_space<vmem>>, vector<1x16xf32>,
        %swap3A_686 = vector.shape_cast %swap3A_685 : vector<1x16xf32> to vector<16xf32>
        %swap3A_687 = vector.shape_cast %add3A_679 : vector<16xf32> to vector<1x16xf32>
        tpu.vector_store %arg7[%swap3A_683, %swap3A_684], %swap3A_687 {strides = array<i32>} : memref<4x8192xf32, #tpu.memory_space<vmem>>, vector<1x16xf32>,
        %mul3A_688 = arith.constant 16 : i32
        %mul3A_689 = arith.muli %scan3A_650, %mul3A_688 : i32
        %get3A_690 = arith.constant 2 : i32
        %get3A_691 = arith.index_cast %get3A_690 : i32 to index
        %get3A_692 = arith.index_cast %mul3A_689 : i32 to index
        %get3A_693 = tpu.vector_load %arg7[%get3A_691, %get3A_692] {strides = array<i32>} : memref<4x8192xf32, #tpu.memory_space<vmem>>, vector<1x16xf32>,
        %get3A_694 = vector.shape_cast %get3A_693 : vector<1x16xf32> to vector<16xf32>
        %add3A_695 = arith.addf %get3A_694, %get3A_655 : vector<16xf32>
        %mul3A_696 = arith.constant 16 : i32
        %mul3A_697 = arith.muli %scan3A_650, %mul3A_696 : i32
        %swap3A_698 = arith.constant 2 : i32
        %swap3A_699 = arith.index_cast %swap3A_698 : i32 to index
        %swap3A_700 = arith.index_cast %mul3A_697 : i32 to index
        %swap3A_701 = tpu.vector_load %arg7[%swap3A_699, %swap3A_700] {strides = array<i32>} : memref<4x8192xf32, #tpu.memory_space<vmem>>, vector<1x16xf32>,
        %swap3A_702 = vector.shape_cast %swap3A_701 : vector<1x16xf32> to vector<16xf32>
        %swap3A_703 = vector.shape_cast %add3A_695 : vector<16xf32> to vector<1x16xf32>
        tpu.vector_store %arg7[%swap3A_699, %swap3A_700], %swap3A_703 {strides = array<i32>} : memref<4x8192xf32, #tpu.memory_space<vmem>>, vector<1x16xf32>,
        %mul3A_704 = arith.constant 16 : i32
        %mul3A_705 = arith.muli %scan3A_650, %mul3A_704 : i32
        %get3A_706 = arith.constant 3 : i32
        %get3A_707 = arith.index_cast %get3A_706 : i32 to index
        %get3A_708 = arith.index_cast %mul3A_705 : i32 to index
        %get3A_709 = tpu.vector_load %arg7[%get3A_707, %get3A_708] {strides = array<i32>} : memref<4x8192xf32, #tpu.memory_space<vmem>>, vector<1x16xf32>,
        %get3A_710 = vector.shape_cast %get3A_709 : vector<1x16xf32> to vector<16xf32>
        %add3A_711 = arith.addf %get3A_710, %get3A_655 : vector<16xf32>
        %mul3A_712 = arith.constant 16 : i32
        %mul3A_713 = arith.muli %scan3A_650, %mul3A_712 : i32
        %swap3A_714 = arith.constant 3 : i32
        %swap3A_715 = arith.index_cast %swap3A_714 : i32 to index
        %swap3A_716 = arith.index_cast %mul3A_713 : i32 to index
        %swap3A_717 = tpu.vector_load %arg7[%swap3A_715, %swap3A_716] {strides = array<i32>} : memref<4x8192xf32, #tpu.memory_space<vmem>>, vector<1x16xf32>,
        %swap3A_718 = vector.shape_cast %swap3A_717 : vector<1x16xf32> to vector<16xf32>
        %swap3A_719 = vector.shape_cast %add3A_711 : vector<16xf32> to vector<1x16xf32>
        tpu.vector_store %arg7[%swap3A_715, %swap3A_716], %swap3A_719 {strides = array<i32>} : memref<4x8192xf32, #tpu.memory_space<vmem>>, vector<1x16xf32>,
        %scan3A_720 = arith.constant 4 : i32
        %scan3A_721 = arith.addi %scan3A_439, %scan3A_720 : i32
        %mul3A_722 = arith.constant 16 : i32
        %mul3A_723 = arith.muli %scan3A_721, %mul3A_722 : i32
        %get3A_724 = arith.index_cast %mul3A_723 : i32 to index
        %get3A_725 = tpu.vector_load %arg5[%get3A_724] {strides = array<i32>} : memref<8192xf32, #tpu.memory_space<vmem>>, vector<16xf32>,
        %get3A_726 = vector.shape_cast %get3A_725 : vector<16xf32> to vector<16xf32>
        %mul3A_727 = arith.constant 16 : i32
        %mul3A_728 = arith.muli %scan3A_721, %mul3A_727 : i32
        %get3A_729 = arith.constant 0 : i32
        %get3A_730 = arith.index_cast %get3A_729 : i32 to index
        %get3A_731 = arith.index_cast %mul3A_728 : i32 to index
        %get3A_732 = tpu.vector_load %arg7[%get3A_730, %get3A_731] {strides = array<i32>} : memref<4x8192xf32, #tpu.memory_space<vmem>>, vector<1x16xf32>,
        %get3A_733 = vector.shape_cast %get3A_732 : vector<1x16xf32> to vector<16xf32>
        %add3A_734 = arith.addf %get3A_733, %get3A_726 : vector<16xf32>
        %mul3A_735 = arith.constant 16 : i32
        %mul3A_736 = arith.muli %scan3A_721, %mul3A_735 : i32
        %swap3A_737 = arith.constant 0 : i32
        %swap3A_738 = arith.index_cast %swap3A_737 : i32 to index
        %swap3A_739 = arith.index_cast %mul3A_736 : i32 to index
        %swap3A_740 = tpu.vector_load %arg7[%swap3A_738, %swap3A_739] {strides = array<i32>} : memref<4x8192xf32, #tpu.memory_space<vmem>>, vector<1x16xf32>,
        %swap3A_741 = vector.shape_cast %swap3A_740 : vector<1x16xf32> to vector<16xf32>
        %swap3A_742 = vector.shape_cast %add3A_734 : vector<16xf32> to vector<1x16xf32>
        tpu.vector_store %arg7[%swap3A_738, %swap3A_739], %swap3A_742 {strides = array<i32>} : memref<4x8192xf32, #tpu.memory_space<vmem>>, vector<1x16xf32>,
        %mul3A_743 = arith.constant 16 : i32
        %mul3A_744 = arith.muli %scan3A_721, %mul3A_743 : i32
        %get3A_745 = arith.constant 1 : i32
        %get3A_746 = arith.index_cast %get3A_745 : i32 to index
        %get3A_747 = arith.index_cast %mul3A_744 : i32 to index
        %get3A_748 = tpu.vector_load %arg7[%get3A_746, %get3A_747] {strides = array<i32>} : memref<4x8192xf32, #tpu.memory_space<vmem>>, vector<1x16xf32>,
        %get3A_749 = vector.shape_cast %get3A_748 : vector<1x16xf32> to vector<16xf32>
        %add3A_750 = arith.addf %get3A_749, %get3A_726 : vector<16xf32>
        %mul3A_751 = arith.constant 16 : i32
        %mul3A_752 = arith.muli %scan3A_721, %mul3A_751 : i32
        %swap3A_753 = arith.constant 1 : i32
        %swap3A_754 = arith.index_cast %swap3A_753 : i32 to index
        %swap3A_755 = arith.index_cast %mul3A_752 : i32 to index
        %swap3A_756 = tpu.vector_load %arg7[%swap3A_754, %swap3A_755] {strides = array<i32>} : memref<4x8192xf32, #tpu.memory_space<vmem>>, vector<1x16xf32>,
        %swap3A_757 = vector.shape_cast %swap3A_756 : vector<1x16xf32> to vector<16xf32>
        %swap3A_758 = vector.shape_cast %add3A_750 : vector<16xf32> to vector<1x16xf32>
        tpu.vector_store %arg7[%swap3A_754, %swap3A_755], %swap3A_758 {strides = array<i32>} : memref<4x8192xf32, #tpu.memory_space<vmem>>, vector<1x16xf32>,
        %mul3A_759 = arith.constant 16 : i32
        %mul3A_760 = arith.muli %scan3A_721, %mul3A_759 : i32
        %get3A_761 = arith.constant 2 : i32
        %get3A_762 = arith.index_cast %get3A_761 : i32 to index
        %get3A_763 = arith.index_cast %mul3A_760 : i32 to index
        %get3A_764 = tpu.vector_load %arg7[%get3A_762, %get3A_763] {strides = array<i32>} : memref<4x8192xf32, #tpu.memory_space<vmem>>, vector<1x16xf32>,
        %get3A_765 = vector.shape_cast %get3A_764 : vector<1x16xf32> to vector<16xf32>
        %add3A_766 = arith.addf %get3A_765, %get3A_726 : vector<16xf32>
        %mul3A_767 = arith.constant 16 : i32
        %mul3A_768 = arith.muli %scan3A_721, %mul3A_767 : i32
        %swap3A_769 = arith.constant 2 : i32
        %swap3A_770 = arith.index_cast %swap3A_769 : i32 to index
        %swap3A_771 = arith.index_cast %mul3A_768 : i32 to index
        %swap3A_772 = tpu.vector_load %arg7[%swap3A_770, %swap3A_771] {strides = array<i32>} : memref<4x8192xf32, #tpu.memory_space<vmem>>, vector<1x16xf32>,
        %swap3A_773 = vector.shape_cast %swap3A_772 : vector<1x16xf32> to vector<16xf32>
        %swap3A_774 = vector.shape_cast %add3A_766 : vector<16xf32> to vector<1x16xf32>
        tpu.vector_store %arg7[%swap3A_770, %swap3A_771], %swap3A_774 {strides = array<i32>} : memref<4x8192xf32, #tpu.memory_space<vmem>>, vector<1x16xf32>,
        %mul3A_775 = arith.constant 16 : i32
        %mul3A_776 = arith.muli %scan3A_721, %mul3A_775 : i32
        %get3A_777 = arith.constant 3 : i32
        %get3A_778 = arith.index_cast %get3A_777 : i32 to index
        %get3A_779 = arith.index_cast %mul3A_776 : i32 to index
        %get3A_780 = tpu.vector_load %arg7[%get3A_778, %get3A_779] {strides = array<i32>} : memref<4x8192xf32, #tpu.memory_space<vmem>>, vector<1x16xf32>,
        %get3A_781 = vector.shape_cast %get3A_780 : vector<1x16xf32> to vector<16xf32>
        %add3A_782 = arith.addf %get3A_781, %get3A_726 : vector<16xf32>
        %mul3A_783 = arith.constant 16 : i32
        %mul3A_784 = arith.muli %scan3A_721, %mul3A_783 : i32
        %swap3A_785 = arith.constant 3 : i32
        %swap3A_786 = arith.index_cast %swap3A_785 : i32 to index
        %swap3A_787 = arith.index_cast %mul3A_784 : i32 to index
        %swap3A_788 = tpu.vector_load %arg7[%swap3A_786, %swap3A_787] {strides = array<i32>} : memref<4x8192xf32, #tpu.memory_space<vmem>>, vector<1x16xf32>,
        %swap3A_789 = vector.shape_cast %swap3A_788 : vector<1x16xf32> to vector<16xf32>
        %swap3A_790 = vector.shape_cast %add3A_782 : vector<16xf32> to vector<1x16xf32>
        tpu.vector_store %arg7[%swap3A_786, %swap3A_787], %swap3A_790 {strides = array<i32>} : memref<4x8192xf32, #tpu.memory_space<vmem>>, vector<1x16xf32>,
        %scan3A_791 = arith.constant 5 : i32
        %scan3A_792 = arith.addi %scan3A_439, %scan3A_791 : i32
        %mul3A_793 = arith.constant 16 : i32
        %mul3A_794 = arith.muli %scan3A_792, %mul3A_793 : i32
        %get3A_795 = arith.index_cast %mul3A_794 : i32 to index
        %get3A_796 = tpu.vector_load %arg5[%get3A_795] {strides = array<i32>} : memref<8192xf32, #tpu.memory_space<vmem>>, vector<16xf32>,
        %get3A_797 = vector.shape_cast %get3A_796 : vector<16xf32> to vector<16xf32>
        %mul3A_798 = arith.constant 16 : i32
        %mul3A_799 = arith.muli %scan3A_792, %mul3A_798 : i32
        %get3A_800 = arith.constant 0 : i32
        %get3A_801 = arith.index_cast %get3A_800 : i32 to index
        %get3A_802 = arith.index_cast %mul3A_799 : i32 to index
        %get3A_803 = tpu.vector_load %arg7[%get3A_801, %get3A_802] {strides = array<i32>} : memref<4x8192xf32, #tpu.memory_space<vmem>>, vector<1x16xf32>,
        %get3A_804 = vector.shape_cast %get3A_803 : vector<1x16xf32> to vector<16xf32>
        %add3A_805 = arith.addf %get3A_804, %get3A_797 : vector<16xf32>
        %mul3A_806 = arith.constant 16 : i32
        %mul3A_807 = arith.muli %scan3A_792, %mul3A_806 : i32
        %swap3A_808 = arith.constant 0 : i32
        %swap3A_809 = arith.index_cast %swap3A_808 : i32 to index
        %swap3A_810 = arith.index_cast %mul3A_807 : i32 to index
        %swap3A_811 = tpu.vector_load %arg7[%swap3A_809, %swap3A_810] {strides = array<i32>} : memref<4x8192xf32, #tpu.memory_space<vmem>>, vector<1x16xf32>,
        %swap3A_812 = vector.shape_cast %swap3A_811 : vector<1x16xf32> to vector<16xf32>
        %swap3A_813 = vector.shape_cast %add3A_805 : vector<16xf32> to vector<1x16xf32>
        tpu.vector_store %arg7[%swap3A_809, %swap3A_810], %swap3A_813 {strides = array<i32>} : memref<4x8192xf32, #tpu.memory_space<vmem>>, vector<1x16xf32>,
        %mul3A_814 = arith.constant 16 : i32
        %mul3A_815 = arith.muli %scan3A_792, %mul3A_814 : i32
        %get3A_816 = arith.constant 1 : i32
        %get3A_817 = arith.index_cast %get3A_816 : i32 to index
        %get3A_818 = arith.index_cast %mul3A_815 : i32 to index
        %get3A_819 = tpu.vector_load %arg7[%get3A_817, %get3A_818] {strides = array<i32>} : memref<4x8192xf32, #tpu.memory_space<vmem>>, vector<1x16xf32>,
        %get3A_820 = vector.shape_cast %get3A_819 : vector<1x16xf32> to vector<16xf32>
        %add3A_821 = arith.addf %get3A_820, %get3A_797 : vector<16xf32>
        %mul3A_822 = arith.constant 16 : i32
        %mul3A_823 = arith.muli %scan3A_792, %mul3A_822 : i32
        %swap3A_824 = arith.constant 1 : i32
        %swap3A_825 = arith.index_cast %swap3A_824 : i32 to index
        %swap3A_826 = arith.index_cast %mul3A_823 : i32 to index
        %swap3A_827 = tpu.vector_load %arg7[%swap3A_825, %swap3A_826] {strides = array<i32>} : memref<4x8192xf32, #tpu.memory_space<vmem>>, vector<1x16xf32>,
        %swap3A_828 = vector.shape_cast %swap3A_827 : vector<1x16xf32> to vector<16xf32>
        %swap3A_829 = vector.shape_cast %add3A_821 : vector<16xf32> to vector<1x16xf32>
        tpu.vector_store %arg7[%swap3A_825, %swap3A_826], %swap3A_829 {strides = array<i32>} : memref<4x8192xf32, #tpu.memory_space<vmem>>, vector<1x16xf32>,
        %mul3A_830 = arith.constant 16 : i32
        %mul3A_831 = arith.muli %scan3A_792, %mul3A_830 : i32
        %get3A_832 = arith.constant 2 : i32
        %get3A_833 = arith.index_cast %get3A_832 : i32 to index
        %get3A_834 = arith.index_cast %mul3A_831 : i32 to index
        %get3A_835 = tpu.vector_load %arg7[%get3A_833, %get3A_834] {strides = array<i32>} : memref<4x8192xf32, #tpu.memory_space<vmem>>, vector<1x16xf32>,
        %get3A_836 = vector.shape_cast %get3A_835 : vector<1x16xf32> to vector<16xf32>
        %add3A_837 = arith.addf %get3A_836, %get3A_797 : vector<16xf32>
        %mul3A_838 = arith.constant 16 : i32
        %mul3A_839 = arith.muli %scan3A_792, %mul3A_838 : i32
        %swap3A_840 = arith.constant 2 : i32
        %swap3A_841 = arith.index_cast %swap3A_840 : i32 to index
        %swap3A_842 = arith.index_cast %mul3A_839 : i32 to index
        %swap3A_843 = tpu.vector_load %arg7[%swap3A_841, %swap3A_842] {strides = array<i32>} : memref<4x8192xf32, #tpu.memory_space<vmem>>, vector<1x16xf32>,
        %swap3A_844 = vector.shape_cast %swap3A_843 : vector<1x16xf32> to vector<16xf32>
        %swap3A_845 = vector.shape_cast %add3A_837 : vector<16xf32> to vector<1x16xf32>
        tpu.vector_store %arg7[%swap3A_841, %swap3A_842], %swap3A_845 {strides = array<i32>} : memref<4x8192xf32, #tpu.memory_space<vmem>>, vector<1x16xf32>,
        %mul3A_846 = arith.constant 16 : i32
        %mul3A_847 = arith.muli %scan3A_792, %mul3A_846 : i32
        %get3A_848 = arith.constant 3 : i32
        %get3A_849 = arith.index_cast %get3A_848 : i32 to index
        %get3A_850 = arith.index_cast %mul3A_847 : i32 to index
        %get3A_851 = tpu.vector_load %arg7[%get3A_849, %get3A_850] {strides = array<i32>} : memref<4x8192xf32, #tpu.memory_space<vmem>>, vector<1x16xf32>,
        %get3A_852 = vector.shape_cast %get3A_851 : vector<1x16xf32> to vector<16xf32>
        %add3A_853 = arith.addf %get3A_852, %get3A_797 : vector<16xf32>
        %mul3A_854 = arith.constant 16 : i32
        %mul3A_855 = arith.muli %scan3A_792, %mul3A_854 : i32
        %swap3A_856 = arith.constant 3 : i32
        %swap3A_857 = arith.index_cast %swap3A_856 : i32 to index
        %swap3A_858 = arith.index_cast %mul3A_855 : i32 to index
        %swap3A_859 = tpu.vector_load %arg7[%swap3A_857, %swap3A_858] {strides = array<i32>} : memref<4x8192xf32, #tpu.memory_space<vmem>>, vector<1x16xf32>,
        %swap3A_860 = vector.shape_cast %swap3A_859 : vector<1x16xf32> to vector<16xf32>
        %swap3A_861 = vector.shape_cast %add3A_853 : vector<16xf32> to vector<1x16xf32>
        tpu.vector_store %arg7[%swap3A_857, %swap3A_858], %swap3A_861 {strides = array<i32>} : memref<4x8192xf32, #tpu.memory_space<vmem>>, vector<1x16xf32>,
        %scan3A_862 = arith.constant 6 : i32
        %scan3A_863 = arith.addi %scan3A_439, %scan3A_862 : i32
        %mul3A_864 = arith.constant 16 : i32
        %mul3A_865 = arith.muli %scan3A_863, %mul3A_864 : i32
        %get3A_866 = arith.index_cast %mul3A_865 : i32 to index
        %get3A_867 = tpu.vector_load %arg5[%get3A_866] {strides = array<i32>} : memref<8192xf32, #tpu.memory_space<vmem>>, vector<16xf32>,
        %get3A_868 = vector.shape_cast %get3A_867 : vector<16xf32> to vector<16xf32>
        %mul3A_869 = arith.constant 16 : i32
        %mul3A_870 = arith.muli %scan3A_863, %mul3A_869 : i32
        %get3A_871 = arith.constant 0 : i32
        %get3A_872 = arith.index_cast %get3A_871 : i32 to index
        %get3A_873 = arith.index_cast %mul3A_870 : i32 to index
        %get3A_874 = tpu.vector_load %arg7[%get3A_872, %get3A_873] {strides = array<i32>} : memref<4x8192xf32, #tpu.memory_space<vmem>>, vector<1x16xf32>,
        %get3A_875 = vector.shape_cast %get3A_874 : vector<1x16xf32> to vector<16xf32>
        %add3A_876 = arith.addf %get3A_875, %get3A_868 : vector<16xf32>
        %mul3A_877 = arith.constant 16 : i32
        %mul3A_878 = arith.muli %scan3A_863, %mul3A_877 : i32
        %swap3A_879 = arith.constant 0 : i32
        %swap3A_880 = arith.index_cast %swap3A_879 : i32 to index
        %swap3A_881 = arith.index_cast %mul3A_878 : i32 to index
        %swap3A_882 = tpu.vector_load %arg7[%swap3A_880, %swap3A_881] {strides = array<i32>} : memref<4x8192xf32, #tpu.memory_space<vmem>>, vector<1x16xf32>,
        %swap3A_883 = vector.shape_cast %swap3A_882 : vector<1x16xf32> to vector<16xf32>
        %swap3A_884 = vector.shape_cast %add3A_876 : vector<16xf32> to vector<1x16xf32>
        tpu.vector_store %arg7[%swap3A_880, %swap3A_881], %swap3A_884 {strides = array<i32>} : memref<4x8192xf32, #tpu.memory_space<vmem>>, vector<1x16xf32>,
        %mul3A_885 = arith.constant 16 : i32
        %mul3A_886 = arith.muli %scan3A_863, %mul3A_885 : i32
        %get3A_887 = arith.constant 1 : i32
        %get3A_888 = arith.index_cast %get3A_887 : i32 to index
        %get3A_889 = arith.index_cast %mul3A_886 : i32 to index
        %get3A_890 = tpu.vector_load %arg7[%get3A_888, %get3A_889] {strides = array<i32>} : memref<4x8192xf32, #tpu.memory_space<vmem>>, vector<1x16xf32>,
        %get3A_891 = vector.shape_cast %get3A_890 : vector<1x16xf32> to vector<16xf32>
        %add3A_892 = arith.addf %get3A_891, %get3A_868 : vector<16xf32>
        %mul3A_893 = arith.constant 16 : i32
        %mul3A_894 = arith.muli %scan3A_863, %mul3A_893 : i32
        %swap3A_895 = arith.constant 1 : i32
        %swap3A_896 = arith.index_cast %swap3A_895 : i32 to index
        %swap3A_897 = arith.index_cast %mul3A_894 : i32 to index
        %swap3A_898 = tpu.vector_load %arg7[%swap3A_896, %swap3A_897] {strides = array<i32>} : memref<4x8192xf32, #tpu.memory_space<vmem>>, vector<1x16xf32>,
        %swap3A_899 = vector.shape_cast %swap3A_898 : vector<1x16xf32> to vector<16xf32>
        %swap3A_900 = vector.shape_cast %add3A_892 : vector<16xf32> to vector<1x16xf32>
        tpu.vector_store %arg7[%swap3A_896, %swap3A_897], %swap3A_900 {strides = array<i32>} : memref<4x8192xf32, #tpu.memory_space<vmem>>, vector<1x16xf32>,
        %mul3A_901 = arith.constant 16 : i32
        %mul3A_902 = arith.muli %scan3A_863, %mul3A_901 : i32
        %get3A_903 = arith.constant 2 : i32
        %get3A_904 = arith.index_cast %get3A_903 : i32 to index
        %get3A_905 = arith.index_cast %mul3A_902 : i32 to index
        %get3A_906 = tpu.vector_load %arg7[%get3A_904, %get3A_905] {strides = array<i32>} : memref<4x8192xf32, #tpu.memory_space<vmem>>, vector<1x16xf32>,
        %get3A_907 = vector.shape_cast %get3A_906 : vector<1x16xf32> to vector<16xf32>
        %add3A_908 = arith.addf %get3A_907, %get3A_868 : vector<16xf32>
        %mul3A_909 = arith.constant 16 : i32
        %mul3A_910 = arith.muli %scan3A_863, %mul3A_909 : i32
        %swap3A_911 = arith.constant 2 : i32
        %swap3A_912 = arith.index_cast %swap3A_911 : i32 to index
        %swap3A_913 = arith.index_cast %mul3A_910 : i32 to index
        %swap3A_914 = tpu.vector_load %arg7[%swap3A_912, %swap3A_913] {strides = array<i32>} : memref<4x8192xf32, #tpu.memory_space<vmem>>, vector<1x16xf32>,
        %swap3A_915 = vector.shape_cast %swap3A_914 : vector<1x16xf32> to vector<16xf32>
        %swap3A_916 = vector.shape_cast %add3A_908 : vector<16xf32> to vector<1x16xf32>
        tpu.vector_store %arg7[%swap3A_912, %swap3A_913], %swap3A_916 {strides = array<i32>} : memref<4x8192xf32, #tpu.memory_space<vmem>>, vector<1x16xf32>,
        %mul3A_917 = arith.constant 16 : i32
        %mul3A_918 = arith.muli %scan3A_863, %mul3A_917 : i32
        %get3A_919 = arith.constant 3 : i32
        %get3A_920 = arith.index_cast %get3A_919 : i32 to index
        %get3A_921 = arith.index_cast %mul3A_918 : i32 to index
        %get3A_922 = tpu.vector_load %arg7[%get3A_920, %get3A_921] {strides = array<i32>} : memref<4x8192xf32, #tpu.memory_space<vmem>>, vector<1x16xf32>,
        %get3A_923 = vector.shape_cast %get3A_922 : vector<1x16xf32> to vector<16xf32>
        %add3A_924 = arith.addf %get3A_923, %get3A_868 : vector<16xf32>
        %mul3A_925 = arith.constant 16 : i32
        %mul3A_926 = arith.muli %scan3A_863, %mul3A_925 : i32
        %swap3A_927 = arith.constant 3 : i32
        %swap3A_928 = arith.index_cast %swap3A_927 : i32 to index
        %swap3A_929 = arith.index_cast %mul3A_926 : i32 to index
        %swap3A_930 = tpu.vector_load %arg7[%swap3A_928, %swap3A_929] {strides = array<i32>} : memref<4x8192xf32, #tpu.memory_space<vmem>>, vector<1x16xf32>,
        %swap3A_931 = vector.shape_cast %swap3A_930 : vector<1x16xf32> to vector<16xf32>
        %swap3A_932 = vector.shape_cast %add3A_924 : vector<16xf32> to vector<1x16xf32>
        tpu.vector_store %arg7[%swap3A_928, %swap3A_929], %swap3A_932 {strides = array<i32>} : memref<4x8192xf32, #tpu.memory_space<vmem>>, vector<1x16xf32>,
        %scan3A_933 = arith.constant 7 : i32
        %scan3A_934 = arith.addi %scan3A_439, %scan3A_933 : i32
        %mul3A_935 = arith.constant 16 : i32
        %mul3A_936 = arith.muli %scan3A_934, %mul3A_935 : i32
        %get3A_937 = arith.index_cast %mul3A_936 : i32 to index
        %get3A_938 = tpu.vector_load %arg5[%get3A_937] {strides = array<i32>} : memref<8192xf32, #tpu.memory_space<vmem>>, vector<16xf32>,
        %get3A_939 = vector.shape_cast %get3A_938 : vector<16xf32> to vector<16xf32>
        %mul3A_940 = arith.constant 16 : i32
        %mul3A_941 = arith.muli %scan3A_934, %mul3A_940 : i32
        %get3A_942 = arith.constant 0 : i32
        %get3A_943 = arith.index_cast %get3A_942 : i32 to index
        %get3A_944 = arith.index_cast %mul3A_941 : i32 to index
        %get3A_945 = tpu.vector_load %arg7[%get3A_943, %get3A_944] {strides = array<i32>} : memref<4x8192xf32, #tpu.memory_space<vmem>>, vector<1x16xf32>,
        %get3A_946 = vector.shape_cast %get3A_945 : vector<1x16xf32> to vector<16xf32>
        %add3A_947 = arith.addf %get3A_946, %get3A_939 : vector<16xf32>
        %mul3A_948 = arith.constant 16 : i32
        %mul3A_949 = arith.muli %scan3A_934, %mul3A_948 : i32
        %swap3A_950 = arith.constant 0 : i32
        %swap3A_951 = arith.index_cast %swap3A_950 : i32 to index
        %swap3A_952 = arith.index_cast %mul3A_949 : i32 to index
        %swap3A_953 = tpu.vector_load %arg7[%swap3A_951, %swap3A_952] {strides = array<i32>} : memref<4x8192xf32, #tpu.memory_space<vmem>>, vector<1x16xf32>,
        %swap3A_954 = vector.shape_cast %swap3A_953 : vector<1x16xf32> to vector<16xf32>
        %swap3A_955 = vector.shape_cast %add3A_947 : vector<16xf32> to vector<1x16xf32>
        tpu.vector_store %arg7[%swap3A_951, %swap3A_952], %swap3A_955 {strides = array<i32>} : memref<4x8192xf32, #tpu.memory_space<vmem>>, vector<1x16xf32>,
        %mul3A_956 = arith.constant 16 : i32
        %mul3A_957 = arith.muli %scan3A_934, %mul3A_956 : i32
        %get3A_958 = arith.constant 1 : i32
        %get3A_959 = arith.index_cast %get3A_958 : i32 to index
        %get3A_960 = arith.index_cast %mul3A_957 : i32 to index
        %get3A_961 = tpu.vector_load %arg7[%get3A_959, %get3A_960] {strides = array<i32>} : memref<4x8192xf32, #tpu.memory_space<vmem>>, vector<1x16xf32>,
        %get3A_962 = vector.shape_cast %get3A_961 : vector<1x16xf32> to vector<16xf32>
        %add3A_963 = arith.addf %get3A_962, %get3A_939 : vector<16xf32>
        %mul3A_964 = arith.constant 16 : i32
        %mul3A_965 = arith.muli %scan3A_934, %mul3A_964 : i32
        %swap3A_966 = arith.constant 1 : i32
        %swap3A_967 = arith.index_cast %swap3A_966 : i32 to index
        %swap3A_968 = arith.index_cast %mul3A_965 : i32 to index
        %swap3A_969 = tpu.vector_load %arg7[%swap3A_967, %swap3A_968] {strides = array<i32>} : memref<4x8192xf32, #tpu.memory_space<vmem>>, vector<1x16xf32>,
        %swap3A_970 = vector.shape_cast %swap3A_969 : vector<1x16xf32> to vector<16xf32>
        %swap3A_971 = vector.shape_cast %add3A_963 : vector<16xf32> to vector<1x16xf32>
        tpu.vector_store %arg7[%swap3A_967, %swap3A_968], %swap3A_971 {strides = array<i32>} : memref<4x8192xf32, #tpu.memory_space<vmem>>, vector<1x16xf32>,
        %mul3A_972 = arith.constant 16 : i32
        %mul3A_973 = arith.muli %scan3A_934, %mul3A_972 : i32
        %get3A_974 = arith.constant 2 : i32
        %get3A_975 = arith.index_cast %get3A_974 : i32 to index
        %get3A_976 = arith.index_cast %mul3A_973 : i32 to index
        %get3A_977 = tpu.vector_load %arg7[%get3A_975, %get3A_976] {strides = array<i32>} : memref<4x8192xf32, #tpu.memory_space<vmem>>, vector<1x16xf32>,
        %get3A_978 = vector.shape_cast %get3A_977 : vector<1x16xf32> to vector<16xf32>
        %add3A_979 = arith.addf %get3A_978, %get3A_939 : vector<16xf32>
        %mul3A_980 = arith.constant 16 : i32
        %mul3A_981 = arith.muli %scan3A_934, %mul3A_980 : i32
        %swap3A_982 = arith.constant 2 : i32
        %swap3A_983 = arith.index_cast %swap3A_982 : i32 to index
        %swap3A_984 = arith.index_cast %mul3A_981 : i32 to index
        %swap3A_985 = tpu.vector_load %arg7[%swap3A_983, %swap3A_984] {strides = array<i32>} : memref<4x8192xf32, #tpu.memory_space<vmem>>, vector<1x16xf32>,
        %swap3A_986 = vector.shape_cast %swap3A_985 : vector<1x16xf32> to vector<16xf32>
        %swap3A_987 = vector.shape_cast %add3A_979 : vector<16xf32> to vector<1x16xf32>
        tpu.vector_store %arg7[%swap3A_983, %swap3A_984], %swap3A_987 {strides = array<i32>} : memref<4x8192xf32, #tpu.memory_space<vmem>>, vector<1x16xf32>,
        %mul3A_988 = arith.constant 16 : i32
        %mul3A_989 = arith.muli %scan3A_934, %mul3A_988 : i32
        %get3A_990 = arith.constant 3 : i32
        %get3A_991 = arith.index_cast %get3A_990 : i32 to index
        %get3A_992 = arith.index_cast %mul3A_989 : i32 to index
        %get3A_993 = tpu.vector_load %arg7[%get3A_991, %get3A_992] {strides = array<i32>} : memref<4x8192xf32, #tpu.memory_space<vmem>>, vector<1x16xf32>,
        %get3A_994 = vector.shape_cast %get3A_993 : vector<1x16xf32> to vector<16xf32>
        %add3A_995 = arith.addf %get3A_994, %get3A_939 : vector<16xf32>
        %mul3A_996 = arith.constant 16 : i32
        %mul3A_997 = arith.muli %scan3A_934, %mul3A_996 : i32
        %swap3A_998 = arith.constant 3 : i32
        %swap3A_999 = arith.index_cast %swap3A_998 : i32 to index
        %swap3A_1000 = arith.index_cast %mul3A_997 : i32 to index
        %swap3A_1001 = tpu.vector_load %arg7[%swap3A_999, %swap3A_1000] {strides = array<i32>} : memref<4x8192xf32, #tpu.memory_space<vmem>>, vector<1x16xf32>,
        %swap3A_1002 = vector.shape_cast %swap3A_1001 : vector<1x16xf32> to vector<16xf32>
        %swap3A_1003 = vector.shape_cast %add3A_995 : vector<16xf32> to vector<1x16xf32>
        tpu.vector_store %arg7[%swap3A_999, %swap3A_1000], %swap3A_1003 {strides = array<i32>} : memref<4x8192xf32, #tpu.memory_space<vmem>>, vector<1x16xf32>,
      }
      %scan3A_269 = arith.constant 512 : i32
      %mul3A_270 = arith.constant 8 : i32
      %mul3A_271 = arith.muli %mul3A_153, %mul3A_270 : i32
      %add3A_272 = arith.addi %mul3A_2, %mul3A_271 : i32
      %add3A_273 = arith.constant 0 : i32
      %add3A_274 = arith.addi %add3A_273, %add3A_272 : i32
      %mul3A_275 = arith.constant 1024 : i32
      %mul3A_276 = arith.muli %add3A_274, %mul3A_275 : i32
      %dma_start3A_277 = arith.constant 0 : i32
      %dma_start3A_278 = arith.constant 0 : i32
      %dma_start3A_279 = tpu.memref_slice %arg7[%dma_start3A_277, %dma_start3A_278] : memref<4x8192xf32, #tpu.memory_space<vmem>> -> memref<1x8192xf32, #tpu.memory_space<vmem>>
      %dma_start3A_280 = tpu.memref_squeeze %dma_start3A_279 : memref<1x8192xf32, #tpu.memory_space<vmem>> -> memref<8192xf32, #tpu.memory_space<vmem>>
      %dma_start3A_281 = tpu.memref_slice %arg4[%mul3A_276] : memref<33554432xf32, #tpu.memory_space<hbm>> -> memref<8192xf32, #tpu.memory_space<hbm>>
      %dma_start3A_282 = tpu.memref_slice %arg4[%mul3A_276] : memref<33554432xf32, #tpu.memory_space<hbm>> -> memref<8192xf32, #tpu.memory_space<hbm>>
      %dma_start3A_283 = arith.constant 0 : i32
      %dma_start3A_284 = tpu.memref_slice %arg7[%dma_start3A_277, %dma_start3A_283] : memref<4x8192xf32, #tpu.memory_space<vmem>> -> memref<1x8192xf32, #tpu.memory_space<vmem>>
      %dma_start3A_285 = tpu.memref_squeeze %dma_start3A_284 : memref<1x8192xf32, #tpu.memory_space<vmem>> -> memref<8192xf32, #tpu.memory_space<vmem>>
      tpu.enqueue_dma source(%dma_start3A_285 : memref<8192xf32, #tpu.memory_space<vmem>>) target(%dma_start3A_282 : memref<8192xf32, #tpu.memory_space<hbm>>) target_semaphore(%arg11 : memref<!tpu.dma_semaphore, #tpu.memory_space<semaphore_mem>>)
      %add3A_286 = arith.constant 8192 : i32
      %add3A_287 = arith.addi %add3A_286, %add3A_272 : i32
      %mul3A_288 = arith.constant 1024 : i32
      %mul3A_289 = arith.muli %add3A_287, %mul3A_288 : i32
      %dma_start3A_290 = arith.constant 1 : i32
      %dma_start3A_291 = arith.constant 0 : i32
      %dma_start3A_292 = tpu.memref_slice %arg7[%dma_start3A_290, %dma_start3A_291] : memref<4x8192xf32, #tpu.memory_space<vmem>> -> memref<1x8192xf32, #tpu.memory_space<vmem>>
      %dma_start3A_293 = tpu.memref_squeeze %dma_start3A_292 : memref<1x8192xf32, #tpu.memory_space<vmem>> -> memref<8192xf32, #tpu.memory_space<vmem>>
      %dma_start3A_294 = tpu.memref_slice %arg4[%mul3A_289] : memref<33554432xf32, #tpu.memory_space<hbm>> -> memref<8192xf32, #tpu.memory_space<hbm>>
      %dma_start3A_295 = tpu.memref_slice %arg4[%mul3A_289] : memref<33554432xf32, #tpu.memory_space<hbm>> -> memref<8192xf32, #tpu.memory_space<hbm>>
      %dma_start3A_296 = arith.constant 0 : i32
      %dma_start3A_297 = tpu.memref_slice %arg7[%dma_start3A_290, %dma_start3A_296] : memref<4x8192xf32, #tpu.memory_space<vmem>> -> memref<1x8192xf32, #tpu.memory_space<vmem>>
      %dma_start3A_298 = tpu.memref_squeeze %dma_start3A_297 : memref<1x8192xf32, #tpu.memory_space<vmem>> -> memref<8192xf32, #tpu.memory_space<vmem>>
      tpu.enqueue_dma source(%dma_start3A_298 : memref<8192xf32, #tpu.memory_space<vmem>>) target(%dma_start3A_295 : memref<8192xf32, #tpu.memory_space<hbm>>) target_semaphore(%arg11 : memref<!tpu.dma_semaphore, #tpu.memory_space<semaphore_mem>>)
      %add3A_299 = arith.constant 16384 : i32
      %add3A_300 = arith.addi %add3A_299, %add3A_272 : i32
      %mul3A_301 = arith.constant 1024 : i32
      %mul3A_302 = arith.muli %add3A_300, %mul3A_301 : i32
      %dma_start3A_303 = arith.constant 2 : i32
      %dma_start3A_304 = arith.constant 0 : i32
      %dma_start3A_305 = tpu.memref_slice %arg7[%dma_start3A_303, %dma_start3A_304] : memref<4x8192xf32, #tpu.memory_space<vmem>> -> memref<1x8192xf32, #tpu.memory_space<vmem>>
      %dma_start3A_306 = tpu.memref_squeeze %dma_start3A_305 : memref<1x8192xf32, #tpu.memory_space<vmem>> -> memref<8192xf32, #tpu.memory_space<vmem>>
      %dma_start3A_307 = tpu.memref_slice %arg4[%mul3A_302] : memref<33554432xf32, #tpu.memory_space<hbm>> -> memref<8192xf32, #tpu.memory_space<hbm>>
      %dma_start3A_308 = tpu.memref_slice %arg4[%mul3A_302] : memref<33554432xf32, #tpu.memory_space<hbm>> -> memref<8192xf32, #tpu.memory_space<hbm>>
      %dma_start3A_309 = arith.constant 0 : i32
      %dma_start3A_310 = tpu.memref_slice %arg7[%dma_start3A_303, %dma_start3A_309] : memref<4x8192xf32, #tpu.memory_space<vmem>> -> memref<1x8192xf32, #tpu.memory_space<vmem>>
      %dma_start3A_311 = tpu.memref_squeeze %dma_start3A_310 : memref<1x8192xf32, #tpu.memory_space<vmem>> -> memref<8192xf32, #tpu.memory_space<vmem>>
      tpu.enqueue_dma source(%dma_start3A_311 : memref<8192xf32, #tpu.memory_space<vmem>>) target(%dma_start3A_308 : memref<8192xf32, #tpu.memory_space<hbm>>) target_semaphore(%arg11 : memref<!tpu.dma_semaphore, #tpu.memory_space<semaphore_mem>>)
      %add3A_312 = arith.constant 24576 : i32
      %add3A_313 = arith.addi %add3A_312, %add3A_272 : i32
      %mul3A_314 = arith.constant 1024 : i32
      %mul3A_315 = arith.muli %add3A_313, %mul3A_314 : i32
      %dma_start3A_316 = arith.constant 3 : i32
      %dma_start3A_317 = arith.constant 0 : i32
      %dma_start3A_318 = tpu.memref_slice %arg7[%dma_start3A_316, %dma_start3A_317] : memref<4x8192xf32, #tpu.memory_space<vmem>> -> memref<1x8192xf32, #tpu.memory_space<vmem>>
      %dma_start3A_319 = tpu.memref_squeeze %dma_start3A_318 : memref<1x8192xf32, #tpu.memory_space<vmem>> -> memref<8192xf32, #tpu.memory_space<vmem>>
      %dma_start3A_320 = tpu.memref_slice %arg4[%mul3A_315] : memref<33554432xf32, #tpu.memory_space<hbm>> -> memref<8192xf32, #tpu.memory_space<hbm>>
      %dma_start3A_321 = tpu.memref_slice %arg4[%mul3A_315] : memref<33554432xf32, #tpu.memory_space<hbm>> -> memref<8192xf32, #tpu.memory_space<hbm>>
      %dma_start3A_322 = arith.constant 0 : i32
      %dma_start3A_323 = tpu.memref_slice %arg7[%dma_start3A_316, %dma_start3A_322] : memref<4x8192xf32, #tpu.memory_space<vmem>> -> memref<1x8192xf32, #tpu.memory_space<vmem>>
      %dma_start3A_324 = tpu.memref_squeeze %dma_start3A_323 : memref<1x8192xf32, #tpu.memory_space<vmem>> -> memref<8192xf32, #tpu.memory_space<vmem>>
      tpu.enqueue_dma source(%dma_start3A_324 : memref<8192xf32, #tpu.memory_space<vmem>>) target(%dma_start3A_321 : memref<8192xf32, #tpu.memory_space<hbm>>) target_semaphore(%arg11 : memref<!tpu.dma_semaphore, #tpu.memory_space<semaphore_mem>>)
      %dma_wait3A_325 = arith.constant 0 : i32
      %dma_wait3A_326 = tpu.memref_slice %arg3[%dma_wait3A_325] : memref<8388608xf32, #tpu.memory_space<hbm>> -> memref<8192xf32, #tpu.memory_space<hbm>>
      %dma_wait3A_327 = arith.constant 0 : i32
      %dma_wait3A_328 = tpu.memref_slice %arg3[%dma_wait3A_327] : memref<8388608xf32, #tpu.memory_space<hbm>> -> memref<8192xf32, #tpu.memory_space<hbm>>
      tpu.wait_dma2 semaphore(%arg10 : memref<!tpu.dma_semaphore, #tpu.memory_space<semaphore_mem>>) src(%dma_wait3A_328 : memref<8192xf32, #tpu.memory_space<hbm>>) dst(%arg6 : memref<8192xf32, #tpu.memory_space<vmem>>)
      %dma_wait3A_329 = arith.constant 0 : i32
      %dma_wait3A_330 = arith.constant 0 : i32
      %dma_wait3A_331 = tpu.memref_slice %arg8[%dma_wait3A_329, %dma_wait3A_330] : memref<4x8192xf32, #tpu.memory_space<vmem>> -> memref<1x8192xf32, #tpu.memory_space<vmem>>
      %dma_wait3A_332 = tpu.memref_squeeze %dma_wait3A_331 : memref<1x8192xf32, #tpu.memory_space<vmem>> -> memref<8192xf32, #tpu.memory_space<vmem>>
      %dma_wait3A_333 = arith.constant 0 : i32
      %dma_wait3A_334 = tpu.memref_slice %arg2[%dma_wait3A_333] : memref<33554432xf32, #tpu.memory_space<hbm>> -> memref<8192xf32, #tpu.memory_space<hbm>>
      %dma_wait3A_335 = arith.constant 0 : i32
      %dma_wait3A_336 = tpu.memref_slice %arg8[%dma_wait3A_329, %dma_wait3A_335] : memref<4x8192xf32, #tpu.memory_space<vmem>> -> memref<1x8192xf32, #tpu.memory_space<vmem>>
      %dma_wait3A_337 = tpu.memref_squeeze %dma_wait3A_336 : memref<1x8192xf32, #tpu.memory_space<vmem>> -> memref<8192xf32, #tpu.memory_space<vmem>>
      %dma_wait3A_338 = arith.constant 0 : i32
      %dma_wait3A_339 = tpu.memref_slice %arg2[%dma_wait3A_338] : memref<33554432xf32, #tpu.memory_space<hbm>> -> memref<8192xf32, #tpu.memory_space<hbm>>
      tpu.wait_dma2 semaphore(%arg10 : memref<!tpu.dma_semaphore, #tpu.memory_space<semaphore_mem>>) src(%dma_wait3A_339 : memref<8192xf32, #tpu.memory_space<hbm>>) dst(%dma_wait3A_337 : memref<8192xf32, #tpu.memory_space<vmem>>)
      %dma_wait3A_340 = arith.constant 1 : i32
      %dma_wait3A_341 = arith.constant 0 : i32
      %dma_wait3A_342 = tpu.memref_slice %arg8[%dma_wait3A_340, %dma_wait3A_341] : memref<4x8192xf32, #tpu.memory_space<vmem>> -> memref<1x8192xf32, #tpu.memory_space<vmem>>
      %dma_wait3A_343 = tpu.memref_squeeze %dma_wait3A_342 : memref<1x8192xf32, #tpu.memory_space<vmem>> -> memref<8192xf32, #tpu.memory_space<vmem>>
      %dma_wait3A_344 = arith.constant 0 : i32
      %dma_wait3A_345 = tpu.memref_slice %arg2[%dma_wait3A_344] : memref<33554432xf32, #tpu.memory_space<hbm>> -> memref<8192xf32, #tpu.memory_space<hbm>>
      %dma_wait3A_346 = arith.constant 0 : i32
      %dma_wait3A_347 = tpu.memref_slice %arg8[%dma_wait3A_340, %dma_wait3A_346] : memref<4x8192xf32, #tpu.memory_space<vmem>> -> memref<1x8192xf32, #tpu.memory_space<vmem>>
      %dma_wait3A_348 = tpu.memref_squeeze %dma_wait3A_347 : memref<1x8192xf32, #tpu.memory_space<vmem>> -> memref<8192xf32, #tpu.memory_space<vmem>>
      %dma_wait3A_349 = arith.constant 0 : i32
      %dma_wait3A_350 = tpu.memref_slice %arg2[%dma_wait3A_349] : memref<33554432xf32, #tpu.memory_space<hbm>> -> memref<8192xf32, #tpu.memory_space<hbm>>
      tpu.wait_dma2 semaphore(%arg10 : memref<!tpu.dma_semaphore, #tpu.memory_space<semaphore_mem>>) src(%dma_wait3A_350 : memref<8192xf32, #tpu.memory_space<hbm>>) dst(%dma_wait3A_348 : memref<8192xf32, #tpu.memory_space<vmem>>)
      %dma_wait3A_351 = arith.constant 2 : i32
      %dma_wait3A_352 = arith.constant 0 : i32
      %dma_wait3A_353 = tpu.memref_slice %arg8[%dma_wait3A_351, %dma_wait3A_352] : memref<4x8192xf32, #tpu.memory_space<vmem>> -> memref<1x8192xf32, #tpu.memory_space<vmem>>
      %dma_wait3A_354 = tpu.memref_squeeze %dma_wait3A_353 : memref<1x8192xf32, #tpu.memory_space<vmem>> -> memref<8192xf32, #tpu.memory_space<vmem>>
      %dma_wait3A_355 = arith.constant 0 : i32
      %dma_wait3A_356 = tpu.memref_slice %arg2[%dma_wait3A_355] : memref<33554432xf32, #tpu.memory_space<hbm>> -> memref<8192xf32, #tpu.memory_space<hbm>>
      %dma_wait3A_357 = arith.constant 0 : i32
      %dma_wait3A_358 = tpu.memref_slice %arg8[%dma_wait3A_351, %dma_wait3A_357] : memref<4x8192xf32, #tpu.memory_space<vmem>> -> memref<1x8192xf32, #tpu.memory_space<vmem>>
      %dma_wait3A_359 = tpu.memref_squeeze %dma_wait3A_358 : memref<1x8192xf32, #tpu.memory_space<vmem>> -> memref<8192xf32, #tpu.memory_space<vmem>>
      %dma_wait3A_360 = arith.constant 0 : i32
      %dma_wait3A_361 = tpu.memref_slice %arg2[%dma_wait3A_360] : memref<33554432xf32, #tpu.memory_space<hbm>> -> memref<8192xf32, #tpu.memory_space<hbm>>
      tpu.wait_dma2 semaphore(%arg10 : memref<!tpu.dma_semaphore, #tpu.memory_space<semaphore_mem>>) src(%dma_wait3A_361 : memref<8192xf32, #tpu.memory_space<hbm>>) dst(%dma_wait3A_359 : memref<8192xf32, #tpu.memory_space<vmem>>)
      %dma_wait3A_362 = arith.constant 3 : i32
      %dma_wait3A_363 = arith.constant 0 : i32
      %dma_wait3A_364 = tpu.memref_slice %arg8[%dma_wait3A_362, %dma_wait3A_363] : memref<4x8192xf32, #tpu.memory_space<vmem>> -> memref<1x8192xf32, #tpu.memory_space<vmem>>
      %dma_wait3A_365 = tpu.memref_squeeze %dma_wait3A_364 : memref<1x8192xf32, #tpu.memory_space<vmem>> -> memref<8192xf32, #tpu.memory_space<vmem>>
      %dma_wait3A_366 = arith.constant 0 : i32
      %dma_wait3A_367 = tpu.memref_slice %arg2[%dma_wait3A_366] : memref<33554432xf32, #tpu.memory_space<hbm>> -> memref<8192xf32, #tpu.memory_space<hbm>>
      %dma_wait3A_368 = arith.constant 0 : i32
      %dma_wait3A_369 = tpu.memref_slice %arg8[%dma_wait3A_362, %dma_wait3A_368] : memref<4x8192xf32, #tpu.memory_space<vmem>> -> memref<1x8192xf32, #tpu.memory_space<vmem>>
      %dma_wait3A_370 = tpu.memref_squeeze %dma_wait3A_369 : memref<1x8192xf32, #tpu.memory_space<vmem>> -> memref<8192xf32, #tpu.memory_space<vmem>>
      %dma_wait3A_371 = arith.constant 0 : i32
      %dma_wait3A_372 = tpu.memref_slice %arg2[%dma_wait3A_371] : memref<33554432xf32, #tpu.memory_space<hbm>> -> memref<8192xf32, #tpu.memory_space<hbm>>
      tpu.wait_dma2 semaphore(%arg10 : memref<!tpu.dma_semaphore, #tpu.memory_space<semaphore_mem>>) src(%dma_wait3A_372 : memref<8192xf32, #tpu.memory_space<hbm>>) dst(%dma_wait3A_370 : memref<8192xf32, #tpu.memory_space<vmem>>)
      %lt3A = arith.constant 15 : i32
      %lt3A_373 = arith.cmpi slt, %scan3A_151, %lt3A : i32
      %convert_element_type3A_374 = arith.extui %lt3A_373 : i1 to i32
      %cond3A_375 = arith.constant 0 : i32
      %cond3A_376 = arith.cmpi ne, %convert_element_type3A_374, %cond3A_375 : i32
      scf.if %cond3A_376 {
        %dma_wait3A_439 = arith.constant 0 : i32
        %dma_wait3A_440 = arith.constant 0 : i32
        %dma_wait3A_441 = tpu.memref_slice %arg7[%dma_wait3A_439, %dma_wait3A_440] : memref<4x8192xf32, #tpu.memory_space<vmem>> -> memref<1x8192xf32, #tpu.memory_space<vmem>>
        %dma_wait3A_442 = tpu.memref_squeeze %dma_wait3A_441 : memref<1x8192xf32, #tpu.memory_space<vmem>> -> memref<8192xf32, #tpu.memory_space<vmem>>
        %dma_wait3A_443 = arith.constant 0 : i32
        %dma_wait3A_444 = tpu.memref_slice %arg4[%dma_wait3A_443] : memref<33554432xf32, #tpu.memory_space<hbm>> -> memref<8192xf32, #tpu.memory_space<hbm>>
        %dma_wait3A_445 = arith.constant 0 : i32
        %dma_wait3A_446 = tpu.memref_slice %arg4[%dma_wait3A_445] : memref<33554432xf32, #tpu.memory_space<hbm>> -> memref<8192xf32, #tpu.memory_space<hbm>>
        %dma_wait3A_447 = arith.constant 0 : i32
        %dma_wait3A_448 = tpu.memref_slice %arg7[%dma_wait3A_439, %dma_wait3A_447] : memref<4x8192xf32, #tpu.memory_space<vmem>> -> memref<1x8192xf32, #tpu.memory_space<vmem>>
        %dma_wait3A_449 = tpu.memref_squeeze %dma_wait3A_448 : memref<1x8192xf32, #tpu.memory_space<vmem>> -> memref<8192xf32, #tpu.memory_space<vmem>>
        tpu.wait_dma2 semaphore(%arg11 : memref<!tpu.dma_semaphore, #tpu.memory_space<semaphore_mem>>) src(%dma_wait3A_449 : memref<8192xf32, #tpu.memory_space<vmem>>) dst(%dma_wait3A_446 : memref<8192xf32, #tpu.memory_space<hbm>>)
        %dma_wait3A_450 = arith.constant 1 : i32
        %dma_wait3A_451 = arith.constant 0 : i32
        %dma_wait3A_452 = tpu.memref_slice %arg7[%dma_wait3A_450, %dma_wait3A_451] : memref<4x8192xf32, #tpu.memory_space<vmem>> -> memref<1x8192xf32, #tpu.memory_space<vmem>>
        %dma_wait3A_453 = tpu.memref_squeeze %dma_wait3A_452 : memref<1x8192xf32, #tpu.memory_space<vmem>> -> memref<8192xf32, #tpu.memory_space<vmem>>
        %dma_wait3A_454 = arith.constant 0 : i32
        %dma_wait3A_455 = tpu.memref_slice %arg4[%dma_wait3A_454] : memref<33554432xf32, #tpu.memory_space<hbm>> -> memref<8192xf32, #tpu.memory_space<hbm>>
        %dma_wait3A_456 = arith.constant 0 : i32
        %dma_wait3A_457 = tpu.memref_slice %arg4[%dma_wait3A_456] : memref<33554432xf32, #tpu.memory_space<hbm>> -> memref<8192xf32, #tpu.memory_space<hbm>>
        %dma_wait3A_458 = arith.constant 0 : i32
        %dma_wait3A_459 = tpu.memref_slice %arg7[%dma_wait3A_450, %dma_wait3A_458] : memref<4x8192xf32, #tpu.memory_space<vmem>> -> memref<1x8192xf32, #tpu.memory_space<vmem>>
        %dma_wait3A_460 = tpu.memref_squeeze %dma_wait3A_459 : memref<1x8192xf32, #tpu.memory_space<vmem>> -> memref<8192xf32, #tpu.memory_space<vmem>>
        tpu.wait_dma2 semaphore(%arg11 : memref<!tpu.dma_semaphore, #tpu.memory_space<semaphore_mem>>) src(%dma_wait3A_460 : memref<8192xf32, #tpu.memory_space<vmem>>) dst(%dma_wait3A_457 : memref<8192xf32, #tpu.memory_space<hbm>>)
        %dma_wait3A_461 = arith.constant 2 : i32
        %dma_wait3A_462 = arith.constant 0 : i32
        %dma_wait3A_463 = tpu.memref_slice %arg7[%dma_wait3A_461, %dma_wait3A_462] : memref<4x8192xf32, #tpu.memory_space<vmem>> -> memref<1x8192xf32, #tpu.memory_space<vmem>>
        %dma_wait3A_464 = tpu.memref_squeeze %dma_wait3A_463 : memref<1x8192xf32, #tpu.memory_space<vmem>> -> memref<8192xf32, #tpu.memory_space<vmem>>
        %dma_wait3A_465 = arith.constant 0 : i32
        %dma_wait3A_466 = tpu.memref_slice %arg4[%dma_wait3A_465] : memref<33554432xf32, #tpu.memory_space<hbm>> -> memref<8192xf32, #tpu.memory_space<hbm>>
        %dma_wait3A_467 = arith.constant 0 : i32
        %dma_wait3A_468 = tpu.memref_slice %arg4[%dma_wait3A_467] : memref<33554432xf32, #tpu.memory_space<hbm>> -> memref<8192xf32, #tpu.memory_space<hbm>>
        %dma_wait3A_469 = arith.constant 0 : i32
        %dma_wait3A_470 = tpu.memref_slice %arg7[%dma_wait3A_461, %dma_wait3A_469] : memref<4x8192xf32, #tpu.memory_space<vmem>> -> memref<1x8192xf32, #tpu.memory_space<vmem>>
        %dma_wait3A_471 = tpu.memref_squeeze %dma_wait3A_470 : memref<1x8192xf32, #tpu.memory_space<vmem>> -> memref<8192xf32, #tpu.memory_space<vmem>>
        tpu.wait_dma2 semaphore(%arg11 : memref<!tpu.dma_semaphore, #tpu.memory_space<semaphore_mem>>) src(%dma_wait3A_471 : memref<8192xf32, #tpu.memory_space<vmem>>) dst(%dma_wait3A_468 : memref<8192xf32, #tpu.memory_space<hbm>>)
        %dma_wait3A_472 = arith.constant 3 : i32
        %dma_wait3A_473 = arith.constant 0 : i32
        %dma_wait3A_474 = tpu.memref_slice %arg7[%dma_wait3A_472, %dma_wait3A_473] : memref<4x8192xf32, #tpu.memory_space<vmem>> -> memref<1x8192xf32, #tpu.memory_space<vmem>>
        %dma_wait3A_475 = tpu.memref_squeeze %dma_wait3A_474 : memref<1x8192xf32, #tpu.memory_space<vmem>> -> memref<8192xf32, #tpu.memory_space<vmem>>
        %dma_wait3A_476 = arith.constant 0 : i32
        %dma_wait3A_477 = tpu.memref_slice %arg4[%dma_wait3A_476] : memref<33554432xf32, #tpu.memory_space<hbm>> -> memref<8192xf32, #tpu.memory_space<hbm>>
        %dma_wait3A_478 = arith.constant 0 : i32
        %dma_wait3A_479 = tpu.memref_slice %arg4[%dma_wait3A_478] : memref<33554432xf32, #tpu.memory_space<hbm>> -> memref<8192xf32, #tpu.memory_space<hbm>>
        %dma_wait3A_480 = arith.constant 0 : i32
        %dma_wait3A_481 = tpu.memref_slice %arg7[%dma_wait3A_472, %dma_wait3A_480] : memref<4x8192xf32, #tpu.memory_space<vmem>> -> memref<1x8192xf32, #tpu.memory_space<vmem>>
        %dma_wait3A_482 = tpu.memref_squeeze %dma_wait3A_481 : memref<1x8192xf32, #tpu.memory_space<vmem>> -> memref<8192xf32, #tpu.memory_space<vmem>>
        tpu.wait_dma2 semaphore(%arg11 : memref<!tpu.dma_semaphore, #tpu.memory_space<semaphore_mem>>) src(%dma_wait3A_482 : memref<8192xf32, #tpu.memory_space<vmem>>) dst(%dma_wait3A_479 : memref<8192xf32, #tpu.memory_space<hbm>>)
        %add3A_483 = arith.constant 2 : i32
        %add3A_484 = arith.addi %mul3A_153, %add3A_483 : i32
        %mul3A_485 = arith.constant 8 : i32
        %mul3A_486 = arith.muli %add3A_484, %mul3A_485 : i32
        %add3A_487 = arith.addi %mul3A_2, %mul3A_486 : i32
        %mul3A_488 = arith.constant 1024 : i32
        %mul3A_489 = arith.muli %add3A_487, %mul3A_488 : i32
        %dma_start3A_490 = tpu.memref_slice %arg3[%mul3A_489] : memref<8388608xf32, #tpu.memory_space<hbm>> -> memref<8192xf32, #tpu.memory_space<hbm>>
        %dma_start3A_491 = tpu.memref_slice %arg3[%mul3A_489] : memref<8388608xf32, #tpu.memory_space<hbm>> -> memref<8192xf32, #tpu.memory_space<hbm>>
        tpu.enqueue_dma source(%dma_start3A_491 : memref<8192xf32, #tpu.memory_space<hbm>>) target(%arg5 : memref<8192xf32, #tpu.memory_space<vmem>>) target_semaphore(%arg9 : memref<!tpu.dma_semaphore, #tpu.memory_space<semaphore_mem>>)
        %add3A_492 = arith.constant 0 : i32
        %add3A_493 = arith.addi %add3A_492, %add3A_487 : i32
        %mul3A_494 = arith.constant 1024 : i32
        %mul3A_495 = arith.muli %add3A_493, %mul3A_494 : i32
        %dma_start3A_496 = arith.constant 0 : i32
        %dma_start3A_497 = arith.constant 0 : i32
        %dma_start3A_498 = tpu.memref_slice %arg7[%dma_start3A_496, %dma_start3A_497] : memref<4x8192xf32, #tpu.memory_space<vmem>> -> memref<1x8192xf32, #tpu.memory_space<vmem>>
        %dma_start3A_499 = tpu.memref_squeeze %dma_start3A_498 : memref<1x8192xf32, #tpu.memory_space<vmem>> -> memref<8192xf32, #tpu.memory_space<vmem>>
        %dma_start3A_500 = tpu.memref_slice %arg2[%mul3A_495] : memref<33554432xf32, #tpu.memory_space<hbm>> -> memref<8192xf32, #tpu.memory_space<hbm>>
        %dma_start3A_501 = arith.constant 0 : i32
        %dma_start3A_502 = tpu.memref_slice %arg7[%dma_start3A_496, %dma_start3A_501] : memref<4x8192xf32, #tpu.memory_space<vmem>> -> memref<1x8192xf32, #tpu.memory_space<vmem>>
        %dma_start3A_503 = tpu.memref_squeeze %dma_start3A_502 : memref<1x8192xf32, #tpu.memory_space<vmem>> -> memref<8192xf32, #tpu.memory_space<vmem>>
        %dma_start3A_504 = tpu.memref_slice %arg2[%mul3A_495] : memref<33554432xf32, #tpu.memory_space<hbm>> -> memref<8192xf32, #tpu.memory_space<hbm>>
        tpu.enqueue_dma source(%dma_start3A_504 : memref<8192xf32, #tpu.memory_space<hbm>>) target(%dma_start3A_503 : memref<8192xf32, #tpu.memory_space<vmem>>) target_semaphore(%arg9 : memref<!tpu.dma_semaphore, #tpu.memory_space<semaphore_mem>>)
        %add3A_505 = arith.constant 8192 : i32
        %add3A_506 = arith.addi %add3A_505, %add3A_487 : i32
        %mul3A_507 = arith.constant 1024 : i32
        %mul3A_508 = arith.muli %add3A_506, %mul3A_507 : i32
        %dma_start3A_509 = arith.constant 1 : i32
        %dma_start3A_510 = arith.constant 0 : i32
        %dma_start3A_511 = tpu.memref_slice %arg7[%dma_start3A_509, %dma_start3A_510] : memref<4x8192xf32, #tpu.memory_space<vmem>> -> memref<1x8192xf32, #tpu.memory_space<vmem>>
        %dma_start3A_512 = tpu.memref_squeeze %dma_start3A_511 : memref<1x8192xf32, #tpu.memory_space<vmem>> -> memref<8192xf32, #tpu.memory_space<vmem>>
        %dma_start3A_513 = tpu.memref_slice %arg2[%mul3A_508] : memref<33554432xf32, #tpu.memory_space<hbm>> -> memref<8192xf32, #tpu.memory_space<hbm>>
        %dma_start3A_514 = arith.constant 0 : i32
        %dma_start3A_515 = tpu.memref_slice %arg7[%dma_start3A_509, %dma_start3A_514] : memref<4x8192xf32, #tpu.memory_space<vmem>> -> memref<1x8192xf32, #tpu.memory_space<vmem>>
        %dma_start3A_516 = tpu.memref_squeeze %dma_start3A_515 : memref<1x8192xf32, #tpu.memory_space<vmem>> -> memref<8192xf32, #tpu.memory_space<vmem>>
        %dma_start3A_517 = tpu.memref_slice %arg2[%mul3A_508] : memref<33554432xf32, #tpu.memory_space<hbm>> -> memref<8192xf32, #tpu.memory_space<hbm>>
        tpu.enqueue_dma source(%dma_start3A_517 : memref<8192xf32, #tpu.memory_space<hbm>>) target(%dma_start3A_516 : memref<8192xf32, #tpu.memory_space<vmem>>) target_semaphore(%arg9 : memref<!tpu.dma_semaphore, #tpu.memory_space<semaphore_mem>>)
        %add3A_518 = arith.constant 16384 : i32
        %add3A_519 = arith.addi %add3A_518, %add3A_487 : i32
        %mul3A_520 = arith.constant 1024 : i32
        %mul3A_521 = arith.muli %add3A_519, %mul3A_520 : i32
        %dma_start3A_522 = arith.constant 2 : i32
        %dma_start3A_523 = arith.constant 0 : i32
        %dma_start3A_524 = tpu.memref_slice %arg7[%dma_start3A_522, %dma_start3A_523] : memref<4x8192xf32, #tpu.memory_space<vmem>> -> memref<1x8192xf32, #tpu.memory_space<vmem>>
        %dma_start3A_525 = tpu.memref_squeeze %dma_start3A_524 : memref<1x8192xf32, #tpu.memory_space<vmem>> -> memref<8192xf32, #tpu.memory_space<vmem>>
        %dma_start3A_526 = tpu.memref_slice %arg2[%mul3A_521] : memref<33554432xf32, #tpu.memory_space<hbm>> -> memref<8192xf32, #tpu.memory_space<hbm>>
        %dma_start3A_527 = arith.constant 0 : i32
        %dma_start3A_528 = tpu.memref_slice %arg7[%dma_start3A_522, %dma_start3A_527] : memref<4x8192xf32, #tpu.memory_space<vmem>> -> memref<1x8192xf32, #tpu.memory_space<vmem>>
        %dma_start3A_529 = tpu.memref_squeeze %dma_start3A_528 : memref<1x8192xf32, #tpu.memory_space<vmem>> -> memref<8192xf32, #tpu.memory_space<vmem>>
        %dma_start3A_530 = tpu.memref_slice %arg2[%mul3A_521] : memref<33554432xf32, #tpu.memory_space<hbm>> -> memref<8192xf32, #tpu.memory_space<hbm>>
        tpu.enqueue_dma source(%dma_start3A_530 : memref<8192xf32, #tpu.memory_space<hbm>>) target(%dma_start3A_529 : memref<8192xf32, #tpu.memory_space<vmem>>) target_semaphore(%arg9 : memref<!tpu.dma_semaphore, #tpu.memory_space<semaphore_mem>>)
        %add3A_531 = arith.constant 24576 : i32
        %add3A_532 = arith.addi %add3A_531, %add3A_487 : i32
        %mul3A_533 = arith.constant 1024 : i32
        %mul3A_534 = arith.muli %add3A_532, %mul3A_533 : i32
        %dma_start3A_535 = arith.constant 3 : i32
        %dma_start3A_536 = arith.constant 0 : i32
        %dma_start3A_537 = tpu.memref_slice %arg7[%dma_start3A_535, %dma_start3A_536] : memref<4x8192xf32, #tpu.memory_space<vmem>> -> memref<1x8192xf32, #tpu.memory_space<vmem>>
        %dma_start3A_538 = tpu.memref_squeeze %dma_start3A_537 : memref<1x8192xf32, #tpu.memory_space<vmem>> -> memref<8192xf32, #tpu.memory_space<vmem>>
        %dma_start3A_539 = tpu.memref_slice %arg2[%mul3A_534] : memref<33554432xf32, #tpu.memory_space<hbm>> -> memref<8192xf32, #tpu.memory_space<hbm>>
        %dma_start3A_540 = arith.constant 0 : i32
        %dma_start3A_541 = tpu.memref_slice %arg7[%dma_start3A_535, %dma_start3A_540] : memref<4x8192xf32, #tpu.memory_space<vmem>> -> memref<1x8192xf32, #tpu.memory_space<vmem>>
        %dma_start3A_542 = tpu.memref_squeeze %dma_start3A_541 : memref<1x8192xf32, #tpu.memory_space<vmem>> -> memref<8192xf32, #tpu.memory_space<vmem>>
        %dma_start3A_543 = tpu.memref_slice %arg2[%mul3A_534] : memref<33554432xf32, #tpu.memory_space<hbm>> -> memref<8192xf32, #tpu.memory_space<hbm>>
        tpu.enqueue_dma source(%dma_start3A_543 : memref<8192xf32, #tpu.memory_space<hbm>>) target(%dma_start3A_542 : memref<8192xf32, #tpu.memory_space<vmem>>) target_semaphore(%arg9 : memref<!tpu.dma_semaphore, #tpu.memory_space<semaphore_mem>>)
      } else {
      }
      %scan3A_377 = arith.constant 0 : i32
      %scan3A_378 = arith.constant 512 : i32
      %scan3A_379 = arith.addi %scan3A_377, %scan3A_378 : i32
      %scan3A_380 = arith.constant 8 : i32
      scf.for %scan3A_439 = %scan3A_377 to %scan3A_379 step %scan3A_380  : i32 {
        %mul3A_440 = arith.constant 16 : i32
        %mul3A_441 = arith.muli %scan3A_439, %mul3A_440 : i32
        %get3A = arith.index_cast %mul3A_441 : i32 to index
        %get3A_442 = tpu.vector_load %arg6[%get3A] {strides = array<i32>} : memref<8192xf32, #tpu.memory_space<vmem>>, vector<16xf32>,
        %get3A_443 = vector.shape_cast %get3A_442 : vector<16xf32> to vector<16xf32>
        %mul3A_444 = arith.constant 16 : i32
        %mul3A_445 = arith.muli %scan3A_439, %mul3A_444 : i32
        %get3A_446 = arith.constant 0 : i32
        %get3A_447 = arith.index_cast %get3A_446 : i32 to index
        %get3A_448 = arith.index_cast %mul3A_445 : i32 to index
        %get3A_449 = tpu.vector_load %arg8[%get3A_447, %get3A_448] {strides = array<i32>} : memref<4x8192xf32, #tpu.memory_space<vmem>>, vector<1x16xf32>,
        %get3A_450 = vector.shape_cast %get3A_449 : vector<1x16xf32> to vector<16xf32>
        %add3A_451 = arith.addf %get3A_450, %get3A_443 : vector<16xf32>
        %mul3A_452 = arith.constant 16 : i32
        %mul3A_453 = arith.muli %scan3A_439, %mul3A_452 : i32
        %swap3A = arith.constant 0 : i32
        %swap3A_454 = arith.index_cast %swap3A : i32 to index
        %swap3A_455 = arith.index_cast %mul3A_453 : i32 to index
        %swap3A_456 = tpu.vector_load %arg8[%swap3A_454, %swap3A_455] {strides = array<i32>} : memref<4x8192xf32, #tpu.memory_space<vmem>>, vector<1x16xf32>,
        %swap3A_457 = vector.shape_cast %swap3A_456 : vector<1x16xf32> to vector<16xf32>
        %swap3A_458 = vector.shape_cast %add3A_451 : vector<16xf32> to vector<1x16xf32>
        tpu.vector_store %arg8[%swap3A_454, %swap3A_455], %swap3A_458 {strides = array<i32>} : memref<4x8192xf32, #tpu.memory_space<vmem>>, vector<1x16xf32>,
        %mul3A_459 = arith.constant 16 : i32
        %mul3A_460 = arith.muli %scan3A_439, %mul3A_459 : i32
        %get3A_461 = arith.constant 1 : i32
        %get3A_462 = arith.index_cast %get3A_461 : i32 to index
        %get3A_463 = arith.index_cast %mul3A_460 : i32 to index
        %get3A_464 = tpu.vector_load %arg8[%get3A_462, %get3A_463] {strides = array<i32>} : memref<4x8192xf32, #tpu.memory_space<vmem>>, vector<1x16xf32>,
        %get3A_465 = vector.shape_cast %get3A_464 : vector<1x16xf32> to vector<16xf32>
        %add3A_466 = arith.addf %get3A_465, %get3A_443 : vector<16xf32>
        %mul3A_467 = arith.constant 16 : i32
        %mul3A_468 = arith.muli %scan3A_439, %mul3A_467 : i32
        %swap3A_469 = arith.constant 1 : i32
        %swap3A_470 = arith.index_cast %swap3A_469 : i32 to index
        %swap3A_471 = arith.index_cast %mul3A_468 : i32 to index
        %swap3A_472 = tpu.vector_load %arg8[%swap3A_470, %swap3A_471] {strides = array<i32>} : memref<4x8192xf32, #tpu.memory_space<vmem>>, vector<1x16xf32>,
        %swap3A_473 = vector.shape_cast %swap3A_472 : vector<1x16xf32> to vector<16xf32>
        %swap3A_474 = vector.shape_cast %add3A_466 : vector<16xf32> to vector<1x16xf32>
        tpu.vector_store %arg8[%swap3A_470, %swap3A_471], %swap3A_474 {strides = array<i32>} : memref<4x8192xf32, #tpu.memory_space<vmem>>, vector<1x16xf32>,
        %mul3A_475 = arith.constant 16 : i32
        %mul3A_476 = arith.muli %scan3A_439, %mul3A_475 : i32
        %get3A_477 = arith.constant 2 : i32
        %get3A_478 = arith.index_cast %get3A_477 : i32 to index
        %get3A_479 = arith.index_cast %mul3A_476 : i32 to index
        %get3A_480 = tpu.vector_load %arg8[%get3A_478, %get3A_479] {strides = array<i32>} : memref<4x8192xf32, #tpu.memory_space<vmem>>, vector<1x16xf32>,
        %get3A_481 = vector.shape_cast %get3A_480 : vector<1x16xf32> to vector<16xf32>
        %add3A_482 = arith.addf %get3A_481, %get3A_443 : vector<16xf32>
        %mul3A_483 = arith.constant 16 : i32
        %mul3A_484 = arith.muli %scan3A_439, %mul3A_483 : i32
        %swap3A_485 = arith.constant 2 : i32
        %swap3A_486 = arith.index_cast %swap3A_485 : i32 to index
        %swap3A_487 = arith.index_cast %mul3A_484 : i32 to index
        %swap3A_488 = tpu.vector_load %arg8[%swap3A_486, %swap3A_487] {strides = array<i32>} : memref<4x8192xf32, #tpu.memory_space<vmem>>, vector<1x16xf32>,
        %swap3A_489 = vector.shape_cast %swap3A_488 : vector<1x16xf32> to vector<16xf32>
        %swap3A_490 = vector.shape_cast %add3A_482 : vector<16xf32> to vector<1x16xf32>
        tpu.vector_store %arg8[%swap3A_486, %swap3A_487], %swap3A_490 {strides = array<i32>} : memref<4x8192xf32, #tpu.memory_space<vmem>>, vector<1x16xf32>,
        %mul3A_491 = arith.constant 16 : i32
        %mul3A_492 = arith.muli %scan3A_439, %mul3A_491 : i32
        %get3A_493 = arith.constant 3 : i32
        %get3A_494 = arith.index_cast %get3A_493 : i32 to index
        %get3A_495 = arith.index_cast %mul3A_492 : i32 to index
        %get3A_496 = tpu.vector_load %arg8[%get3A_494, %get3A_495] {strides = array<i32>} : memref<4x8192xf32, #tpu.memory_space<vmem>>, vector<1x16xf32>,
        %get3A_497 = vector.shape_cast %get3A_496 : vector<1x16xf32> to vector<16xf32>
        %add3A_498 = arith.addf %get3A_497, %get3A_443 : vector<16xf32>
        %mul3A_499 = arith.constant 16 : i32
        %mul3A_500 = arith.muli %scan3A_439, %mul3A_499 : i32
        %swap3A_501 = arith.constant 3 : i32
        %swap3A_502 = arith.index_cast %swap3A_501 : i32 to index
        %swap3A_503 = arith.index_cast %mul3A_500 : i32 to index
        %swap3A_504 = tpu.vector_load %arg8[%swap3A_502, %swap3A_503] {strides = array<i32>} : memref<4x8192xf32, #tpu.memory_space<vmem>>, vector<1x16xf32>,
        %swap3A_505 = vector.shape_cast %swap3A_504 : vector<1x16xf32> to vector<16xf32>
        %swap3A_506 = vector.shape_cast %add3A_498 : vector<16xf32> to vector<1x16xf32>
        tpu.vector_store %arg8[%swap3A_502, %swap3A_503], %swap3A_506 {strides = array<i32>} : memref<4x8192xf32, #tpu.memory_space<vmem>>, vector<1x16xf32>,
        %scan3A_507 = arith.constant 1 : i32
        %scan3A_508 = arith.addi %scan3A_439, %scan3A_507 : i32
        %mul3A_509 = arith.constant 16 : i32
        %mul3A_510 = arith.muli %scan3A_508, %mul3A_509 : i32
        %get3A_511 = arith.index_cast %mul3A_510 : i32 to index
        %get3A_512 = tpu.vector_load %arg6[%get3A_511] {strides = array<i32>} : memref<8192xf32, #tpu.memory_space<vmem>>, vector<16xf32>,
        %get3A_513 = vector.shape_cast %get3A_512 : vector<16xf32> to vector<16xf32>
        %mul3A_514 = arith.constant 16 : i32
        %mul3A_515 = arith.muli %scan3A_508, %mul3A_514 : i32
        %get3A_516 = arith.constant 0 : i32
        %get3A_517 = arith.index_cast %get3A_516 : i32 to index
        %get3A_518 = arith.index_cast %mul3A_515 : i32 to index
        %get3A_519 = tpu.vector_load %arg8[%get3A_517, %get3A_518] {strides = array<i32>} : memref<4x8192xf32, #tpu.memory_space<vmem>>, vector<1x16xf32>,
        %get3A_520 = vector.shape_cast %get3A_519 : vector<1x16xf32> to vector<16xf32>
        %add3A_521 = arith.addf %get3A_520, %get3A_513 : vector<16xf32>
        %mul3A_522 = arith.constant 16 : i32
        %mul3A_523 = arith.muli %scan3A_508, %mul3A_522 : i32
        %swap3A_524 = arith.constant 0 : i32
        %swap3A_525 = arith.index_cast %swap3A_524 : i32 to index
        %swap3A_526 = arith.index_cast %mul3A_523 : i32 to index
        %swap3A_527 = tpu.vector_load %arg8[%swap3A_525, %swap3A_526] {strides = array<i32>} : memref<4x8192xf32, #tpu.memory_space<vmem>>, vector<1x16xf32>,
        %swap3A_528 = vector.shape_cast %swap3A_527 : vector<1x16xf32> to vector<16xf32>
        %swap3A_529 = vector.shape_cast %add3A_521 : vector<16xf32> to vector<1x16xf32>
        tpu.vector_store %arg8[%swap3A_525, %swap3A_526], %swap3A_529 {strides = array<i32>} : memref<4x8192xf32, #tpu.memory_space<vmem>>, vector<1x16xf32>,
        %mul3A_530 = arith.constant 16 : i32
        %mul3A_531 = arith.muli %scan3A_508, %mul3A_530 : i32
        %get3A_532 = arith.constant 1 : i32
        %get3A_533 = arith.index_cast %get3A_532 : i32 to index
        %get3A_534 = arith.index_cast %mul3A_531 : i32 to index
        %get3A_535 = tpu.vector_load %arg8[%get3A_533, %get3A_534] {strides = array<i32>} : memref<4x8192xf32, #tpu.memory_space<vmem>>, vector<1x16xf32>,
        %get3A_536 = vector.shape_cast %get3A_535 : vector<1x16xf32> to vector<16xf32>
        %add3A_537 = arith.addf %get3A_536, %get3A_513 : vector<16xf32>
        %mul3A_538 = arith.constant 16 : i32
        %mul3A_539 = arith.muli %scan3A_508, %mul3A_538 : i32
        %swap3A_540 = arith.constant 1 : i32
        %swap3A_541 = arith.index_cast %swap3A_540 : i32 to index
        %swap3A_542 = arith.index_cast %mul3A_539 : i32 to index
        %swap3A_543 = tpu.vector_load %arg8[%swap3A_541, %swap3A_542] {strides = array<i32>} : memref<4x8192xf32, #tpu.memory_space<vmem>>, vector<1x16xf32>,
        %swap3A_544 = vector.shape_cast %swap3A_543 : vector<1x16xf32> to vector<16xf32>
        %swap3A_545 = vector.shape_cast %add3A_537 : vector<16xf32> to vector<1x16xf32>
        tpu.vector_store %arg8[%swap3A_541, %swap3A_542], %swap3A_545 {strides = array<i32>} : memref<4x8192xf32, #tpu.memory_space<vmem>>, vector<1x16xf32>,
        %mul3A_546 = arith.constant 16 : i32
        %mul3A_547 = arith.muli %scan3A_508, %mul3A_546 : i32
        %get3A_548 = arith.constant 2 : i32
        %get3A_549 = arith.index_cast %get3A_548 : i32 to index
        %get3A_550 = arith.index_cast %mul3A_547 : i32 to index
        %get3A_551 = tpu.vector_load %arg8[%get3A_549, %get3A_550] {strides = array<i32>} : memref<4x8192xf32, #tpu.memory_space<vmem>>, vector<1x16xf32>,
        %get3A_552 = vector.shape_cast %get3A_551 : vector<1x16xf32> to vector<16xf32>
        %add3A_553 = arith.addf %get3A_552, %get3A_513 : vector<16xf32>
        %mul3A_554 = arith.constant 16 : i32
        %mul3A_555 = arith.muli %scan3A_508, %mul3A_554 : i32
        %swap3A_556 = arith.constant 2 : i32
        %swap3A_557 = arith.index_cast %swap3A_556 : i32 to index
        %swap3A_558 = arith.index_cast %mul3A_555 : i32 to index
        %swap3A_559 = tpu.vector_load %arg8[%swap3A_557, %swap3A_558] {strides = array<i32>} : memref<4x8192xf32, #tpu.memory_space<vmem>>, vector<1x16xf32>,
        %swap3A_560 = vector.shape_cast %swap3A_559 : vector<1x16xf32> to vector<16xf32>
        %swap3A_561 = vector.shape_cast %add3A_553 : vector<16xf32> to vector<1x16xf32>
        tpu.vector_store %arg8[%swap3A_557, %swap3A_558], %swap3A_561 {strides = array<i32>} : memref<4x8192xf32, #tpu.memory_space<vmem>>, vector<1x16xf32>,
        %mul3A_562 = arith.constant 16 : i32
        %mul3A_563 = arith.muli %scan3A_508, %mul3A_562 : i32
        %get3A_564 = arith.constant 3 : i32
        %get3A_565 = arith.index_cast %get3A_564 : i32 to index
        %get3A_566 = arith.index_cast %mul3A_563 : i32 to index
        %get3A_567 = tpu.vector_load %arg8[%get3A_565, %get3A_566] {strides = array<i32>} : memref<4x8192xf32, #tpu.memory_space<vmem>>, vector<1x16xf32>,
        %get3A_568 = vector.shape_cast %get3A_567 : vector<1x16xf32> to vector<16xf32>
        %add3A_569 = arith.addf %get3A_568, %get3A_513 : vector<16xf32>
        %mul3A_570 = arith.constant 16 : i32
        %mul3A_571 = arith.muli %scan3A_508, %mul3A_570 : i32
        %swap3A_572 = arith.constant 3 : i32
        %swap3A_573 = arith.index_cast %swap3A_572 : i32 to index
        %swap3A_574 = arith.index_cast %mul3A_571 : i32 to index
        %swap3A_575 = tpu.vector_load %arg8[%swap3A_573, %swap3A_574] {strides = array<i32>} : memref<4x8192xf32, #tpu.memory_space<vmem>>, vector<1x16xf32>,
        %swap3A_576 = vector.shape_cast %swap3A_575 : vector<1x16xf32> to vector<16xf32>
        %swap3A_577 = vector.shape_cast %add3A_569 : vector<16xf32> to vector<1x16xf32>
        tpu.vector_store %arg8[%swap3A_573, %swap3A_574], %swap3A_577 {strides = array<i32>} : memref<4x8192xf32, #tpu.memory_space<vmem>>, vector<1x16xf32>,
        %scan3A_578 = arith.constant 2 : i32
        %scan3A_579 = arith.addi %scan3A_439, %scan3A_578 : i32
        %mul3A_580 = arith.constant 16 : i32
        %mul3A_581 = arith.muli %scan3A_579, %mul3A_580 : i32
        %get3A_582 = arith.index_cast %mul3A_581 : i32 to index
        %get3A_583 = tpu.vector_load %arg6[%get3A_582] {strides = array<i32>} : memref<8192xf32, #tpu.memory_space<vmem>>, vector<16xf32>,
        %get3A_584 = vector.shape_cast %get3A_583 : vector<16xf32> to vector<16xf32>
        %mul3A_585 = arith.constant 16 : i32
        %mul3A_586 = arith.muli %scan3A_579, %mul3A_585 : i32
        %get3A_587 = arith.constant 0 : i32
        %get3A_588 = arith.index_cast %get3A_587 : i32 to index
        %get3A_589 = arith.index_cast %mul3A_586 : i32 to index
        %get3A_590 = tpu.vector_load %arg8[%get3A_588, %get3A_589] {strides = array<i32>} : memref<4x8192xf32, #tpu.memory_space<vmem>>, vector<1x16xf32>,
        %get3A_591 = vector.shape_cast %get3A_590 : vector<1x16xf32> to vector<16xf32>
        %add3A_592 = arith.addf %get3A_591, %get3A_584 : vector<16xf32>
        %mul3A_593 = arith.constant 16 : i32
        %mul3A_594 = arith.muli %scan3A_579, %mul3A_593 : i32
        %swap3A_595 = arith.constant 0 : i32
        %swap3A_596 = arith.index_cast %swap3A_595 : i32 to index
        %swap3A_597 = arith.index_cast %mul3A_594 : i32 to index
        %swap3A_598 = tpu.vector_load %arg8[%swap3A_596, %swap3A_597] {strides = array<i32>} : memref<4x8192xf32, #tpu.memory_space<vmem>>, vector<1x16xf32>,
        %swap3A_599 = vector.shape_cast %swap3A_598 : vector<1x16xf32> to vector<16xf32>
        %swap3A_600 = vector.shape_cast %add3A_592 : vector<16xf32> to vector<1x16xf32>
        tpu.vector_store %arg8[%swap3A_596, %swap3A_597], %swap3A_600 {strides = array<i32>} : memref<4x8192xf32, #tpu.memory_space<vmem>>, vector<1x16xf32>,
        %mul3A_601 = arith.constant 16 : i32
        %mul3A_602 = arith.muli %scan3A_579, %mul3A_601 : i32
        %get3A_603 = arith.constant 1 : i32
        %get3A_604 = arith.index_cast %get3A_603 : i32 to index
        %get3A_605 = arith.index_cast %mul3A_602 : i32 to index
        %get3A_606 = tpu.vector_load %arg8[%get3A_604, %get3A_605] {strides = array<i32>} : memref<4x8192xf32, #tpu.memory_space<vmem>>, vector<1x16xf32>,
        %get3A_607 = vector.shape_cast %get3A_606 : vector<1x16xf32> to vector<16xf32>
        %add3A_608 = arith.addf %get3A_607, %get3A_584 : vector<16xf32>
        %mul3A_609 = arith.constant 16 : i32
        %mul3A_610 = arith.muli %scan3A_579, %mul3A_609 : i32
        %swap3A_611 = arith.constant 1 : i32
        %swap3A_612 = arith.index_cast %swap3A_611 : i32 to index
        %swap3A_613 = arith.index_cast %mul3A_610 : i32 to index
        %swap3A_614 = tpu.vector_load %arg8[%swap3A_612, %swap3A_613] {strides = array<i32>} : memref<4x8192xf32, #tpu.memory_space<vmem>>, vector<1x16xf32>,
        %swap3A_615 = vector.shape_cast %swap3A_614 : vector<1x16xf32> to vector<16xf32>
        %swap3A_616 = vector.shape_cast %add3A_608 : vector<16xf32> to vector<1x16xf32>
        tpu.vector_store %arg8[%swap3A_612, %swap3A_613], %swap3A_616 {strides = array<i32>} : memref<4x8192xf32, #tpu.memory_space<vmem>>, vector<1x16xf32>,
        %mul3A_617 = arith.constant 16 : i32
        %mul3A_618 = arith.muli %scan3A_579, %mul3A_617 : i32
        %get3A_619 = arith.constant 2 : i32
        %get3A_620 = arith.index_cast %get3A_619 : i32 to index
        %get3A_621 = arith.index_cast %mul3A_618 : i32 to index
        %get3A_622 = tpu.vector_load %arg8[%get3A_620, %get3A_621] {strides = array<i32>} : memref<4x8192xf32, #tpu.memory_space<vmem>>, vector<1x16xf32>,
        %get3A_623 = vector.shape_cast %get3A_622 : vector<1x16xf32> to vector<16xf32>
        %add3A_624 = arith.addf %get3A_623, %get3A_584 : vector<16xf32>
        %mul3A_625 = arith.constant 16 : i32
        %mul3A_626 = arith.muli %scan3A_579, %mul3A_625 : i32
        %swap3A_627 = arith.constant 2 : i32
        %swap3A_628 = arith.index_cast %swap3A_627 : i32 to index
        %swap3A_629 = arith.index_cast %mul3A_626 : i32 to index
        %swap3A_630 = tpu.vector_load %arg8[%swap3A_628, %swap3A_629] {strides = array<i32>} : memref<4x8192xf32, #tpu.memory_space<vmem>>, vector<1x16xf32>,
        %swap3A_631 = vector.shape_cast %swap3A_630 : vector<1x16xf32> to vector<16xf32>
        %swap3A_632 = vector.shape_cast %add3A_624 : vector<16xf32> to vector<1x16xf32>
        tpu.vector_store %arg8[%swap3A_628, %swap3A_629], %swap3A_632 {strides = array<i32>} : memref<4x8192xf32, #tpu.memory_space<vmem>>, vector<1x16xf32>,
        %mul3A_633 = arith.constant 16 : i32
        %mul3A_634 = arith.muli %scan3A_579, %mul3A_633 : i32
        %get3A_635 = arith.constant 3 : i32
        %get3A_636 = arith.index_cast %get3A_635 : i32 to index
        %get3A_637 = arith.index_cast %mul3A_634 : i32 to index
        %get3A_638 = tpu.vector_load %arg8[%get3A_636, %get3A_637] {strides = array<i32>} : memref<4x8192xf32, #tpu.memory_space<vmem>>, vector<1x16xf32>,
        %get3A_639 = vector.shape_cast %get3A_638 : vector<1x16xf32> to vector<16xf32>
        %add3A_640 = arith.addf %get3A_639, %get3A_584 : vector<16xf32>
        %mul3A_641 = arith.constant 16 : i32
        %mul3A_642 = arith.muli %scan3A_579, %mul3A_641 : i32
        %swap3A_643 = arith.constant 3 : i32
        %swap3A_644 = arith.index_cast %swap3A_643 : i32 to index
        %swap3A_645 = arith.index_cast %mul3A_642 : i32 to index
        %swap3A_646 = tpu.vector_load %arg8[%swap3A_644, %swap3A_645] {strides = array<i32>} : memref<4x8192xf32, #tpu.memory_space<vmem>>, vector<1x16xf32>,
        %swap3A_647 = vector.shape_cast %swap3A_646 : vector<1x16xf32> to vector<16xf32>
        %swap3A_648 = vector.shape_cast %add3A_640 : vector<16xf32> to vector<1x16xf32>
        tpu.vector_store %arg8[%swap3A_644, %swap3A_645], %swap3A_648 {strides = array<i32>} : memref<4x8192xf32, #tpu.memory_space<vmem>>, vector<1x16xf32>,
        %scan3A_649 = arith.constant 3 : i32
        %scan3A_650 = arith.addi %scan3A_439, %scan3A_649 : i32
        %mul3A_651 = arith.constant 16 : i32
        %mul3A_652 = arith.muli %scan3A_650, %mul3A_651 : i32
        %get3A_653 = arith.index_cast %mul3A_652 : i32 to index
        %get3A_654 = tpu.vector_load %arg6[%get3A_653] {strides = array<i32>} : memref<8192xf32, #tpu.memory_space<vmem>>, vector<16xf32>,
        %get3A_655 = vector.shape_cast %get3A_654 : vector<16xf32> to vector<16xf32>
        %mul3A_656 = arith.constant 16 : i32
        %mul3A_657 = arith.muli %scan3A_650, %mul3A_656 : i32
        %get3A_658 = arith.constant 0 : i32
        %get3A_659 = arith.index_cast %get3A_658 : i32 to index
        %get3A_660 = arith.index_cast %mul3A_657 : i32 to index
        %get3A_661 = tpu.vector_load %arg8[%get3A_659, %get3A_660] {strides = array<i32>} : memref<4x8192xf32, #tpu.memory_space<vmem>>, vector<1x16xf32>,
        %get3A_662 = vector.shape_cast %get3A_661 : vector<1x16xf32> to vector<16xf32>
        %add3A_663 = arith.addf %get3A_662, %get3A_655 : vector<16xf32>
        %mul3A_664 = arith.constant 16 : i32
        %mul3A_665 = arith.muli %scan3A_650, %mul3A_664 : i32
        %swap3A_666 = arith.constant 0 : i32
        %swap3A_667 = arith.index_cast %swap3A_666 : i32 to index
        %swap3A_668 = arith.index_cast %mul3A_665 : i32 to index
        %swap3A_669 = tpu.vector_load %arg8[%swap3A_667, %swap3A_668] {strides = array<i32>} : memref<4x8192xf32, #tpu.memory_space<vmem>>, vector<1x16xf32>,
        %swap3A_670 = vector.shape_cast %swap3A_669 : vector<1x16xf32> to vector<16xf32>
        %swap3A_671 = vector.shape_cast %add3A_663 : vector<16xf32> to vector<1x16xf32>
        tpu.vector_store %arg8[%swap3A_667, %swap3A_668], %swap3A_671 {strides = array<i32>} : memref<4x8192xf32, #tpu.memory_space<vmem>>, vector<1x16xf32>,
        %mul3A_672 = arith.constant 16 : i32
        %mul3A_673 = arith.muli %scan3A_650, %mul3A_672 : i32
        %get3A_674 = arith.constant 1 : i32
        %get3A_675 = arith.index_cast %get3A_674 : i32 to index
        %get3A_676 = arith.index_cast %mul3A_673 : i32 to index
        %get3A_677 = tpu.vector_load %arg8[%get3A_675, %get3A_676] {strides = array<i32>} : memref<4x8192xf32, #tpu.memory_space<vmem>>, vector<1x16xf32>,
        %get3A_678 = vector.shape_cast %get3A_677 : vector<1x16xf32> to vector<16xf32>
        %add3A_679 = arith.addf %get3A_678, %get3A_655 : vector<16xf32>
        %mul3A_680 = arith.constant 16 : i32
        %mul3A_681 = arith.muli %scan3A_650, %mul3A_680 : i32
        %swap3A_682 = arith.constant 1 : i32
        %swap3A_683 = arith.index_cast %swap3A_682 : i32 to index
        %swap3A_684 = arith.index_cast %mul3A_681 : i32 to index
        %swap3A_685 = tpu.vector_load %arg8[%swap3A_683, %swap3A_684] {strides = array<i32>} : memref<4x8192xf32, #tpu.memory_space<vmem>>, vector<1x16xf32>,
        %swap3A_686 = vector.shape_cast %swap3A_685 : vector<1x16xf32> to vector<16xf32>
        %swap3A_687 = vector.shape_cast %add3A_679 : vector<16xf32> to vector<1x16xf32>
        tpu.vector_store %arg8[%swap3A_683, %swap3A_684], %swap3A_687 {strides = array<i32>} : memref<4x8192xf32, #tpu.memory_space<vmem>>, vector<1x16xf32>,
        %mul3A_688 = arith.constant 16 : i32
        %mul3A_689 = arith.muli %scan3A_650, %mul3A_688 : i32
        %get3A_690 = arith.constant 2 : i32
        %get3A_691 = arith.index_cast %get3A_690 : i32 to index
        %get3A_692 = arith.index_cast %mul3A_689 : i32 to index
        %get3A_693 = tpu.vector_load %arg8[%get3A_691, %get3A_692] {strides = array<i32>} : memref<4x8192xf32, #tpu.memory_space<vmem>>, vector<1x16xf32>,
        %get3A_694 = vector.shape_cast %get3A_693 : vector<1x16xf32> to vector<16xf32>
        %add3A_695 = arith.addf %get3A_694, %get3A_655 : vector<16xf32>
        %mul3A_696 = arith.constant 16 : i32
        %mul3A_697 = arith.muli %scan3A_650, %mul3A_696 : i32
        %swap3A_698 = arith.constant 2 : i32
        %swap3A_699 = arith.index_cast %swap3A_698 : i32 to index
        %swap3A_700 = arith.index_cast %mul3A_697 : i32 to index
        %swap3A_701 = tpu.vector_load %arg8[%swap3A_699, %swap3A_700] {strides = array<i32>} : memref<4x8192xf32, #tpu.memory_space<vmem>>, vector<1x16xf32>,
        %swap3A_702 = vector.shape_cast %swap3A_701 : vector<1x16xf32> to vector<16xf32>
        %swap3A_703 = vector.shape_cast %add3A_695 : vector<16xf32> to vector<1x16xf32>
        tpu.vector_store %arg8[%swap3A_699, %swap3A_700], %swap3A_703 {strides = array<i32>} : memref<4x8192xf32, #tpu.memory_space<vmem>>, vector<1x16xf32>,
        %mul3A_704 = arith.constant 16 : i32
        %mul3A_705 = arith.muli %scan3A_650, %mul3A_704 : i32
        %get3A_706 = arith.constant 3 : i32
        %get3A_707 = arith.index_cast %get3A_706 : i32 to index
        %get3A_708 = arith.index_cast %mul3A_705 : i32 to index
        %get3A_709 = tpu.vector_load %arg8[%get3A_707, %get3A_708] {strides = array<i32>} : memref<4x8192xf32, #tpu.memory_space<vmem>>, vector<1x16xf32>,
        %get3A_710 = vector.shape_cast %get3A_709 : vector<1x16xf32> to vector<16xf32>
        %add3A_711 = arith.addf %get3A_710, %get3A_655 : vector<16xf32>
        %mul3A_712 = arith.constant 16 : i32
        %mul3A_713 = arith.muli %scan3A_650, %mul3A_712 : i32
        %swap3A_714 = arith.constant 3 : i32
        %swap3A_715 = arith.index_cast %swap3A_714 : i32 to index
        %swap3A_716 = arith.index_cast %mul3A_713 : i32 to index
        %swap3A_717 = tpu.vector_load %arg8[%swap3A_715, %swap3A_716] {strides = array<i32>} : memref<4x8192xf32, #tpu.memory_space<vmem>>, vector<1x16xf32>,
        %swap3A_718 = vector.shape_cast %swap3A_717 : vector<1x16xf32> to vector<16xf32>
        %swap3A_719 = vector.shape_cast %add3A_711 : vector<16xf32> to vector<1x16xf32>
        tpu.vector_store %arg8[%swap3A_715, %swap3A_716], %swap3A_719 {strides = array<i32>} : memref<4x8192xf32, #tpu.memory_space<vmem>>, vector<1x16xf32>,
        %scan3A_720 = arith.constant 4 : i32
        %scan3A_721 = arith.addi %scan3A_439, %scan3A_720 : i32
        %mul3A_722 = arith.constant 16 : i32
        %mul3A_723 = arith.muli %scan3A_721, %mul3A_722 : i32
        %get3A_724 = arith.index_cast %mul3A_723 : i32 to index
        %get3A_725 = tpu.vector_load %arg6[%get3A_724] {strides = array<i32>} : memref<8192xf32, #tpu.memory_space<vmem>>, vector<16xf32>,
        %get3A_726 = vector.shape_cast %get3A_725 : vector<16xf32> to vector<16xf32>
        %mul3A_727 = arith.constant 16 : i32
        %mul3A_728 = arith.muli %scan3A_721, %mul3A_727 : i32
        %get3A_729 = arith.constant 0 : i32
        %get3A_730 = arith.index_cast %get3A_729 : i32 to index
        %get3A_731 = arith.index_cast %mul3A_728 : i32 to index
        %get3A_732 = tpu.vector_load %arg8[%get3A_730, %get3A_731] {strides = array<i32>} : memref<4x8192xf32, #tpu.memory_space<vmem>>, vector<1x16xf32>,
        %get3A_733 = vector.shape_cast %get3A_732 : vector<1x16xf32> to vector<16xf32>
        %add3A_734 = arith.addf %get3A_733, %get3A_726 : vector<16xf32>
        %mul3A_735 = arith.constant 16 : i32
        %mul3A_736 = arith.muli %scan3A_721, %mul3A_735 : i32
        %swap3A_737 = arith.constant 0 : i32
        %swap3A_738 = arith.index_cast %swap3A_737 : i32 to index
        %swap3A_739 = arith.index_cast %mul3A_736 : i32 to index
        %swap3A_740 = tpu.vector_load %arg8[%swap3A_738, %swap3A_739] {strides = array<i32>} : memref<4x8192xf32, #tpu.memory_space<vmem>>, vector<1x16xf32>,
        %swap3A_741 = vector.shape_cast %swap3A_740 : vector<1x16xf32> to vector<16xf32>
        %swap3A_742 = vector.shape_cast %add3A_734 : vector<16xf32> to vector<1x16xf32>
        tpu.vector_store %arg8[%swap3A_738, %swap3A_739], %swap3A_742 {strides = array<i32>} : memref<4x8192xf32, #tpu.memory_space<vmem>>, vector<1x16xf32>,
        %mul3A_743 = arith.constant 16 : i32
        %mul3A_744 = arith.muli %scan3A_721, %mul3A_743 : i32
        %get3A_745 = arith.constant 1 : i32
        %get3A_746 = arith.index_cast %get3A_745 : i32 to index
        %get3A_747 = arith.index_cast %mul3A_744 : i32 to index
        %get3A_748 = tpu.vector_load %arg8[%get3A_746, %get3A_747] {strides = array<i32>} : memref<4x8192xf32, #tpu.memory_space<vmem>>, vector<1x16xf32>,
        %get3A_749 = vector.shape_cast %get3A_748 : vector<1x16xf32> to vector<16xf32>
        %add3A_750 = arith.addf %get3A_749, %get3A_726 : vector<16xf32>
        %mul3A_751 = arith.constant 16 : i32
        %mul3A_752 = arith.muli %scan3A_721, %mul3A_751 : i32
        %swap3A_753 = arith.constant 1 : i32
        %swap3A_754 = arith.index_cast %swap3A_753 : i32 to index
        %swap3A_755 = arith.index_cast %mul3A_752 : i32 to index
        %swap3A_756 = tpu.vector_load %arg8[%swap3A_754, %swap3A_755] {strides = array<i32>} : memref<4x8192xf32, #tpu.memory_space<vmem>>, vector<1x16xf32>,
        %swap3A_757 = vector.shape_cast %swap3A_756 : vector<1x16xf32> to vector<16xf32>
        %swap3A_758 = vector.shape_cast %add3A_750 : vector<16xf32> to vector<1x16xf32>
        tpu.vector_store %arg8[%swap3A_754, %swap3A_755], %swap3A_758 {strides = array<i32>} : memref<4x8192xf32, #tpu.memory_space<vmem>>, vector<1x16xf32>,
        %mul3A_759 = arith.constant 16 : i32
        %mul3A_760 = arith.muli %scan3A_721, %mul3A_759 : i32
        %get3A_761 = arith.constant 2 : i32
        %get3A_762 = arith.index_cast %get3A_761 : i32 to index
        %get3A_763 = arith.index_cast %mul3A_760 : i32 to index
        %get3A_764 = tpu.vector_load %arg8[%get3A_762, %get3A_763] {strides = array<i32>} : memref<4x8192xf32, #tpu.memory_space<vmem>>, vector<1x16xf32>,
        %get3A_765 = vector.shape_cast %get3A_764 : vector<1x16xf32> to vector<16xf32>
        %add3A_766 = arith.addf %get3A_765, %get3A_726 : vector<16xf32>
        %mul3A_767 = arith.constant 16 : i32
        %mul3A_768 = arith.muli %scan3A_721, %mul3A_767 : i32
        %swap3A_769 = arith.constant 2 : i32
        %swap3A_770 = arith.index_cast %swap3A_769 : i32 to index
        %swap3A_771 = arith.index_cast %mul3A_768 : i32 to index
        %swap3A_772 = tpu.vector_load %arg8[%swap3A_770, %swap3A_771] {strides = array<i32>} : memref<4x8192xf32, #tpu.memory_space<vmem>>, vector<1x16xf32>,
        %swap3A_773 = vector.shape_cast %swap3A_772 : vector<1x16xf32> to vector<16xf32>
        %swap3A_774 = vector.shape_cast %add3A_766 : vector<16xf32> to vector<1x16xf32>
        tpu.vector_store %arg8[%swap3A_770, %swap3A_771], %swap3A_774 {strides = array<i32>} : memref<4x8192xf32, #tpu.memory_space<vmem>>, vector<1x16xf32>,
        %mul3A_775 = arith.constant 16 : i32
        %mul3A_776 = arith.muli %scan3A_721, %mul3A_775 : i32
        %get3A_777 = arith.constant 3 : i32
        %get3A_778 = arith.index_cast %get3A_777 : i32 to index
        %get3A_779 = arith.index_cast %mul3A_776 : i32 to index
        %get3A_780 = tpu.vector_load %arg8[%get3A_778, %get3A_779] {strides = array<i32>} : memref<4x8192xf32, #tpu.memory_space<vmem>>, vector<1x16xf32>,
        %get3A_781 = vector.shape_cast %get3A_780 : vector<1x16xf32> to vector<16xf32>
        %add3A_782 = arith.addf %get3A_781, %get3A_726 : vector<16xf32>
        %mul3A_783 = arith.constant 16 : i32
        %mul3A_784 = arith.muli %scan3A_721, %mul3A_783 : i32
        %swap3A_785 = arith.constant 3 : i32
        %swap3A_786 = arith.index_cast %swap3A_785 : i32 to index
        %swap3A_787 = arith.index_cast %mul3A_784 : i32 to index
        %swap3A_788 = tpu.vector_load %arg8[%swap3A_786, %swap3A_787] {strides = array<i32>} : memref<4x8192xf32, #tpu.memory_space<vmem>>, vector<1x16xf32>,
        %swap3A_789 = vector.shape_cast %swap3A_788 : vector<1x16xf32> to vector<16xf32>
        %swap3A_790 = vector.shape_cast %add3A_782 : vector<16xf32> to vector<1x16xf32>
        tpu.vector_store %arg8[%swap3A_786, %swap3A_787], %swap3A_790 {strides = array<i32>} : memref<4x8192xf32, #tpu.memory_space<vmem>>, vector<1x16xf32>,
        %scan3A_791 = arith.constant 5 : i32
        %scan3A_792 = arith.addi %scan3A_439, %scan3A_791 : i32
        %mul3A_793 = arith.constant 16 : i32
        %mul3A_794 = arith.muli %scan3A_792, %mul3A_793 : i32
        %get3A_795 = arith.index_cast %mul3A_794 : i32 to index
        %get3A_796 = tpu.vector_load %arg6[%get3A_795] {strides = array<i32>} : memref<8192xf32, #tpu.memory_space<vmem>>, vector<16xf32>,
        %get3A_797 = vector.shape_cast %get3A_796 : vector<16xf32> to vector<16xf32>
        %mul3A_798 = arith.constant 16 : i32
        %mul3A_799 = arith.muli %scan3A_792, %mul3A_798 : i32
        %get3A_800 = arith.constant 0 : i32
        %get3A_801 = arith.index_cast %get3A_800 : i32 to index
        %get3A_802 = arith.index_cast %mul3A_799 : i32 to index
        %get3A_803 = tpu.vector_load %arg8[%get3A_801, %get3A_802] {strides = array<i32>} : memref<4x8192xf32, #tpu.memory_space<vmem>>, vector<1x16xf32>,
        %get3A_804 = vector.shape_cast %get3A_803 : vector<1x16xf32> to vector<16xf32>
        %add3A_805 = arith.addf %get3A_804, %get3A_797 : vector<16xf32>
        %mul3A_806 = arith.constant 16 : i32
        %mul3A_807 = arith.muli %scan3A_792, %mul3A_806 : i32
        %swap3A_808 = arith.constant 0 : i32
        %swap3A_809 = arith.index_cast %swap3A_808 : i32 to index
        %swap3A_810 = arith.index_cast %mul3A_807 : i32 to index
        %swap3A_811 = tpu.vector_load %arg8[%swap3A_809, %swap3A_810] {strides = array<i32>} : memref<4x8192xf32, #tpu.memory_space<vmem>>, vector<1x16xf32>,
        %swap3A_812 = vector.shape_cast %swap3A_811 : vector<1x16xf32> to vector<16xf32>
        %swap3A_813 = vector.shape_cast %add3A_805 : vector<16xf32> to vector<1x16xf32>
        tpu.vector_store %arg8[%swap3A_809, %swap3A_810], %swap3A_813 {strides = array<i32>} : memref<4x8192xf32, #tpu.memory_space<vmem>>, vector<1x16xf32>,
        %mul3A_814 = arith.constant 16 : i32
        %mul3A_815 = arith.muli %scan3A_792, %mul3A_814 : i32
        %get3A_816 = arith.constant 1 : i32
        %get3A_817 = arith.index_cast %get3A_816 : i32 to index
        %get3A_818 = arith.index_cast %mul3A_815 : i32 to index
        %get3A_819 = tpu.vector_load %arg8[%get3A_817, %get3A_818] {strides = array<i32>} : memref<4x8192xf32, #tpu.memory_space<vmem>>, vector<1x16xf32>,
        %get3A_820 = vector.shape_cast %get3A_819 : vector<1x16xf32> to vector<16xf32>
        %add3A_821 = arith.addf %get3A_820, %get3A_797 : vector<16xf32>
        %mul3A_822 = arith.constant 16 : i32
        %mul3A_823 = arith.muli %scan3A_792, %mul3A_822 : i32
        %swap3A_824 = arith.constant 1 : i32
        %swap3A_825 = arith.index_cast %swap3A_824 : i32 to index
        %swap3A_826 = arith.index_cast %mul3A_823 : i32 to index
        %swap3A_827 = tpu.vector_load %arg8[%swap3A_825, %swap3A_826] {strides = array<i32>} : memref<4x8192xf32, #tpu.memory_space<vmem>>, vector<1x16xf32>,
        %swap3A_828 = vector.shape_cast %swap3A_827 : vector<1x16xf32> to vector<16xf32>
        %swap3A_829 = vector.shape_cast %add3A_821 : vector<16xf32> to vector<1x16xf32>
        tpu.vector_store %arg8[%swap3A_825, %swap3A_826], %swap3A_829 {strides = array<i32>} : memref<4x8192xf32, #tpu.memory_space<vmem>>, vector<1x16xf32>,
        %mul3A_830 = arith.constant 16 : i32
        %mul3A_831 = arith.muli %scan3A_792, %mul3A_830 : i32
        %get3A_832 = arith.constant 2 : i32
        %get3A_833 = arith.index_cast %get3A_832 : i32 to index
        %get3A_834 = arith.index_cast %mul3A_831 : i32 to index
        %get3A_835 = tpu.vector_load %arg8[%get3A_833, %get3A_834] {strides = array<i32>} : memref<4x8192xf32, #tpu.memory_space<vmem>>, vector<1x16xf32>,
        %get3A_836 = vector.shape_cast %get3A_835 : vector<1x16xf32> to vector<16xf32>
        %add3A_837 = arith.addf %get3A_836, %get3A_797 : vector<16xf32>
        %mul3A_838 = arith.constant 16 : i32
        %mul3A_839 = arith.muli %scan3A_792, %mul3A_838 : i32
        %swap3A_840 = arith.constant 2 : i32
        %swap3A_841 = arith.index_cast %swap3A_840 : i32 to index
        %swap3A_842 = arith.index_cast %mul3A_839 : i32 to index
        %swap3A_843 = tpu.vector_load %arg8[%swap3A_841, %swap3A_842] {strides = array<i32>} : memref<4x8192xf32, #tpu.memory_space<vmem>>, vector<1x16xf32>,
        %swap3A_844 = vector.shape_cast %swap3A_843 : vector<1x16xf32> to vector<16xf32>
        %swap3A_845 = vector.shape_cast %add3A_837 : vector<16xf32> to vector<1x16xf32>
        tpu.vector_store %arg8[%swap3A_841, %swap3A_842], %swap3A_845 {strides = array<i32>} : memref<4x8192xf32, #tpu.memory_space<vmem>>, vector<1x16xf32>,
        %mul3A_846 = arith.constant 16 : i32
        %mul3A_847 = arith.muli %scan3A_792, %mul3A_846 : i32
        %get3A_848 = arith.constant 3 : i32
        %get3A_849 = arith.index_cast %get3A_848 : i32 to index
        %get3A_850 = arith.index_cast %mul3A_847 : i32 to index
        %get3A_851 = tpu.vector_load %arg8[%get3A_849, %get3A_850] {strides = array<i32>} : memref<4x8192xf32, #tpu.memory_space<vmem>>, vector<1x16xf32>,
        %get3A_852 = vector.shape_cast %get3A_851 : vector<1x16xf32> to vector<16xf32>
        %add3A_853 = arith.addf %get3A_852, %get3A_797 : vector<16xf32>
        %mul3A_854 = arith.constant 16 : i32
        %mul3A_855 = arith.muli %scan3A_792, %mul3A_854 : i32
        %swap3A_856 = arith.constant 3 : i32
        %swap3A_857 = arith.index_cast %swap3A_856 : i32 to index
        %swap3A_858 = arith.index_cast %mul3A_855 : i32 to index
        %swap3A_859 = tpu.vector_load %arg8[%swap3A_857, %swap3A_858] {strides = array<i32>} : memref<4x8192xf32, #tpu.memory_space<vmem>>, vector<1x16xf32>,
        %swap3A_860 = vector.shape_cast %swap3A_859 : vector<1x16xf32> to vector<16xf32>
        %swap3A_861 = vector.shape_cast %add3A_853 : vector<16xf32> to vector<1x16xf32>
        tpu.vector_store %arg8[%swap3A_857, %swap3A_858], %swap3A_861 {strides = array<i32>} : memref<4x8192xf32, #tpu.memory_space<vmem>>, vector<1x16xf32>,
        %scan3A_862 = arith.constant 6 : i32
        %scan3A_863 = arith.addi %scan3A_439, %scan3A_862 : i32
        %mul3A_864 = arith.constant 16 : i32
        %mul3A_865 = arith.muli %scan3A_863, %mul3A_864 : i32
        %get3A_866 = arith.index_cast %mul3A_865 : i32 to index
        %get3A_867 = tpu.vector_load %arg6[%get3A_866] {strides = array<i32>} : memref<8192xf32, #tpu.memory_space<vmem>>, vector<16xf32>,
        %get3A_868 = vector.shape_cast %get3A_867 : vector<16xf32> to vector<16xf32>
        %mul3A_869 = arith.constant 16 : i32
        %mul3A_870 = arith.muli %scan3A_863, %mul3A_869 : i32
        %get3A_871 = arith.constant 0 : i32
        %get3A_872 = arith.index_cast %get3A_871 : i32 to index
        %get3A_873 = arith.index_cast %mul3A_870 : i32 to index
        %get3A_874 = tpu.vector_load %arg8[%get3A_872, %get3A_873] {strides = array<i32>} : memref<4x8192xf32, #tpu.memory_space<vmem>>, vector<1x16xf32>,
        %get3A_875 = vector.shape_cast %get3A_874 : vector<1x16xf32> to vector<16xf32>
        %add3A_876 = arith.addf %get3A_875, %get3A_868 : vector<16xf32>
        %mul3A_877 = arith.constant 16 : i32
        %mul3A_878 = arith.muli %scan3A_863, %mul3A_877 : i32
        %swap3A_879 = arith.constant 0 : i32
        %swap3A_880 = arith.index_cast %swap3A_879 : i32 to index
        %swap3A_881 = arith.index_cast %mul3A_878 : i32 to index
        %swap3A_882 = tpu.vector_load %arg8[%swap3A_880, %swap3A_881] {strides = array<i32>} : memref<4x8192xf32, #tpu.memory_space<vmem>>, vector<1x16xf32>,
        %swap3A_883 = vector.shape_cast %swap3A_882 : vector<1x16xf32> to vector<16xf32>
        %swap3A_884 = vector.shape_cast %add3A_876 : vector<16xf32> to vector<1x16xf32>
        tpu.vector_store %arg8[%swap3A_880, %swap3A_881], %swap3A_884 {strides = array<i32>} : memref<4x8192xf32, #tpu.memory_space<vmem>>, vector<1x16xf32>,
        %mul3A_885 = arith.constant 16 : i32
        %mul3A_886 = arith.muli %scan3A_863, %mul3A_885 : i32
        %get3A_887 = arith.constant 1 : i32
        %get3A_888 = arith.index_cast %get3A_887 : i32 to index
        %get3A_889 = arith.index_cast %mul3A_886 : i32 to index
        %get3A_890 = tpu.vector_load %arg8[%get3A_888, %get3A_889] {strides = array<i32>} : memref<4x8192xf32, #tpu.memory_space<vmem>>, vector<1x16xf32>,
        %get3A_891 = vector.shape_cast %get3A_890 : vector<1x16xf32> to vector<16xf32>
        %add3A_892 = arith.addf %get3A_891, %get3A_868 : vector<16xf32>
        %mul3A_893 = arith.constant 16 : i32
        %mul3A_894 = arith.muli %scan3A_863, %mul3A_893 : i32
        %swap3A_895 = arith.constant 1 : i32
        %swap3A_896 = arith.index_cast %swap3A_895 : i32 to index
        %swap3A_897 = arith.index_cast %mul3A_894 : i32 to index
        %swap3A_898 = tpu.vector_load %arg8[%swap3A_896, %swap3A_897] {strides = array<i32>} : memref<4x8192xf32, #tpu.memory_space<vmem>>, vector<1x16xf32>,
        %swap3A_899 = vector.shape_cast %swap3A_898 : vector<1x16xf32> to vector<16xf32>
        %swap3A_900 = vector.shape_cast %add3A_892 : vector<16xf32> to vector<1x16xf32>
        tpu.vector_store %arg8[%swap3A_896, %swap3A_897], %swap3A_900 {strides = array<i32>} : memref<4x8192xf32, #tpu.memory_space<vmem>>, vector<1x16xf32>,
        %mul3A_901 = arith.constant 16 : i32
        %mul3A_902 = arith.muli %scan3A_863, %mul3A_901 : i32
        %get3A_903 = arith.constant 2 : i32
        %get3A_904 = arith.index_cast %get3A_903 : i32 to index
        %get3A_905 = arith.index_cast %mul3A_902 : i32 to index
        %get3A_906 = tpu.vector_load %arg8[%get3A_904, %get3A_905] {strides = array<i32>} : memref<4x8192xf32, #tpu.memory_space<vmem>>, vector<1x16xf32>,
        %get3A_907 = vector.shape_cast %get3A_906 : vector<1x16xf32> to vector<16xf32>
        %add3A_908 = arith.addf %get3A_907, %get3A_868 : vector<16xf32>
        %mul3A_909 = arith.constant 16 : i32
        %mul3A_910 = arith.muli %scan3A_863, %mul3A_909 : i32
        %swap3A_911 = arith.constant 2 : i32
        %swap3A_912 = arith.index_cast %swap3A_911 : i32 to index
        %swap3A_913 = arith.index_cast %mul3A_910 : i32 to index
        %swap3A_914 = tpu.vector_load %arg8[%swap3A_912, %swap3A_913] {strides = array<i32>} : memref<4x8192xf32, #tpu.memory_space<vmem>>, vector<1x16xf32>,
        %swap3A_915 = vector.shape_cast %swap3A_914 : vector<1x16xf32> to vector<16xf32>
        %swap3A_916 = vector.shape_cast %add3A_908 : vector<16xf32> to vector<1x16xf32>
        tpu.vector_store %arg8[%swap3A_912, %swap3A_913], %swap3A_916 {strides = array<i32>} : memref<4x8192xf32, #tpu.memory_space<vmem>>, vector<1x16xf32>,
        %mul3A_917 = arith.constant 16 : i32
        %mul3A_918 = arith.muli %scan3A_863, %mul3A_917 : i32
        %get3A_919 = arith.constant 3 : i32
        %get3A_920 = arith.index_cast %get3A_919 : i32 to index
        %get3A_921 = arith.index_cast %mul3A_918 : i32 to index
        %get3A_922 = tpu.vector_load %arg8[%get3A_920, %get3A_921] {strides = array<i32>} : memref<4x8192xf32, #tpu.memory_space<vmem>>, vector<1x16xf32>,
        %get3A_923 = vector.shape_cast %get3A_922 : vector<1x16xf32> to vector<16xf32>
        %add3A_924 = arith.addf %get3A_923, %get3A_868 : vector<16xf32>
        %mul3A_925 = arith.constant 16 : i32
        %mul3A_926 = arith.muli %scan3A_863, %mul3A_925 : i32
        %swap3A_927 = arith.constant 3 : i32
        %swap3A_928 = arith.index_cast %swap3A_927 : i32 to index
        %swap3A_929 = arith.index_cast %mul3A_926 : i32 to index
        %swap3A_930 = tpu.vector_load %arg8[%swap3A_928, %swap3A_929] {strides = array<i32>} : memref<4x8192xf32, #tpu.memory_space<vmem>>, vector<1x16xf32>,
        %swap3A_931 = vector.shape_cast %swap3A_930 : vector<1x16xf32> to vector<16xf32>
        %swap3A_932 = vector.shape_cast %add3A_924 : vector<16xf32> to vector<1x16xf32>
        tpu.vector_store %arg8[%swap3A_928, %swap3A_929], %swap3A_932 {strides = array<i32>} : memref<4x8192xf32, #tpu.memory_space<vmem>>, vector<1x16xf32>,
        %scan3A_933 = arith.constant 7 : i32
        %scan3A_934 = arith.addi %scan3A_439, %scan3A_933 : i32
        %mul3A_935 = arith.constant 16 : i32
        %mul3A_936 = arith.muli %scan3A_934, %mul3A_935 : i32
        %get3A_937 = arith.index_cast %mul3A_936 : i32 to index
        %get3A_938 = tpu.vector_load %arg6[%get3A_937] {strides = array<i32>} : memref<8192xf32, #tpu.memory_space<vmem>>, vector<16xf32>,
        %get3A_939 = vector.shape_cast %get3A_938 : vector<16xf32> to vector<16xf32>
        %mul3A_940 = arith.constant 16 : i32
        %mul3A_941 = arith.muli %scan3A_934, %mul3A_940 : i32
        %get3A_942 = arith.constant 0 : i32
        %get3A_943 = arith.index_cast %get3A_942 : i32 to index
        %get3A_944 = arith.index_cast %mul3A_941 : i32 to index
        %get3A_945 = tpu.vector_load %arg8[%get3A_943, %get3A_944] {strides = array<i32>} : memref<4x8192xf32, #tpu.memory_space<vmem>>, vector<1x16xf32>,
        %get3A_946 = vector.shape_cast %get3A_945 : vector<1x16xf32> to vector<16xf32>
        %add3A_947 = arith.addf %get3A_946, %get3A_939 : vector<16xf32>
        %mul3A_948 = arith.constant 16 : i32
        %mul3A_949 = arith.muli %scan3A_934, %mul3A_948 : i32
        %swap3A_950 = arith.constant 0 : i32
        %swap3A_951 = arith.index_cast %swap3A_950 : i32 to index
        %swap3A_952 = arith.index_cast %mul3A_949 : i32 to index
        %swap3A_953 = tpu.vector_load %arg8[%swap3A_951, %swap3A_952] {strides = array<i32>} : memref<4x8192xf32, #tpu.memory_space<vmem>>, vector<1x16xf32>,
        %swap3A_954 = vector.shape_cast %swap3A_953 : vector<1x16xf32> to vector<16xf32>
        %swap3A_955 = vector.shape_cast %add3A_947 : vector<16xf32> to vector<1x16xf32>
        tpu.vector_store %arg8[%swap3A_951, %swap3A_952], %swap3A_955 {strides = array<i32>} : memref<4x8192xf32, #tpu.memory_space<vmem>>, vector<1x16xf32>,
        %mul3A_956 = arith.constant 16 : i32
        %mul3A_957 = arith.muli %scan3A_934, %mul3A_956 : i32
        %get3A_958 = arith.constant 1 : i32
        %get3A_959 = arith.index_cast %get3A_958 : i32 to index
        %get3A_960 = arith.index_cast %mul3A_957 : i32 to index
        %get3A_961 = tpu.vector_load %arg8[%get3A_959, %get3A_960] {strides = array<i32>} : memref<4x8192xf32, #tpu.memory_space<vmem>>, vector<1x16xf32>,
        %get3A_962 = vector.shape_cast %get3A_961 : vector<1x16xf32> to vector<16xf32>
        %add3A_963 = arith.addf %get3A_962, %get3A_939 : vector<16xf32>
        %mul3A_964 = arith.constant 16 : i32
        %mul3A_965 = arith.muli %scan3A_934, %mul3A_964 : i32
        %swap3A_966 = arith.constant 1 : i32
        %swap3A_967 = arith.index_cast %swap3A_966 : i32 to index
        %swap3A_968 = arith.index_cast %mul3A_965 : i32 to index
        %swap3A_969 = tpu.vector_load %arg8[%swap3A_967, %swap3A_968] {strides = array<i32>} : memref<4x8192xf32, #tpu.memory_space<vmem>>, vector<1x16xf32>,
        %swap3A_970 = vector.shape_cast %swap3A_969 : vector<1x16xf32> to vector<16xf32>
        %swap3A_971 = vector.shape_cast %add3A_963 : vector<16xf32> to vector<1x16xf32>
        tpu.vector_store %arg8[%swap3A_967, %swap3A_968], %swap3A_971 {strides = array<i32>} : memref<4x8192xf32, #tpu.memory_space<vmem>>, vector<1x16xf32>,
        %mul3A_972 = arith.constant 16 : i32
        %mul3A_973 = arith.muli %scan3A_934, %mul3A_972 : i32
        %get3A_974 = arith.constant 2 : i32
        %get3A_975 = arith.index_cast %get3A_974 : i32 to index
        %get3A_976 = arith.index_cast %mul3A_973 : i32 to index
        %get3A_977 = tpu.vector_load %arg8[%get3A_975, %get3A_976] {strides = array<i32>} : memref<4x8192xf32, #tpu.memory_space<vmem>>, vector<1x16xf32>,
        %get3A_978 = vector.shape_cast %get3A_977 : vector<1x16xf32> to vector<16xf32>
        %add3A_979 = arith.addf %get3A_978, %get3A_939 : vector<16xf32>
        %mul3A_980 = arith.constant 16 : i32
        %mul3A_981 = arith.muli %scan3A_934, %mul3A_980 : i32
        %swap3A_982 = arith.constant 2 : i32
        %swap3A_983 = arith.index_cast %swap3A_982 : i32 to index
        %swap3A_984 = arith.index_cast %mul3A_981 : i32 to index
        %swap3A_985 = tpu.vector_load %arg8[%swap3A_983, %swap3A_984] {strides = array<i32>} : memref<4x8192xf32, #tpu.memory_space<vmem>>, vector<1x16xf32>,
        %swap3A_986 = vector.shape_cast %swap3A_985 : vector<1x16xf32> to vector<16xf32>
        %swap3A_987 = vector.shape_cast %add3A_979 : vector<16xf32> to vector<1x16xf32>
        tpu.vector_store %arg8[%swap3A_983, %swap3A_984], %swap3A_987 {strides = array<i32>} : memref<4x8192xf32, #tpu.memory_space<vmem>>, vector<1x16xf32>,
        %mul3A_988 = arith.constant 16 : i32
        %mul3A_989 = arith.muli %scan3A_934, %mul3A_988 : i32
        %get3A_990 = arith.constant 3 : i32
        %get3A_991 = arith.index_cast %get3A_990 : i32 to index
        %get3A_992 = arith.index_cast %mul3A_989 : i32 to index
        %get3A_993 = tpu.vector_load %arg8[%get3A_991, %get3A_992] {strides = array<i32>} : memref<4x8192xf32, #tpu.memory_space<vmem>>, vector<1x16xf32>,
        %get3A_994 = vector.shape_cast %get3A_993 : vector<1x16xf32> to vector<16xf32>
        %add3A_995 = arith.addf %get3A_994, %get3A_939 : vector<16xf32>
        %mul3A_996 = arith.constant 16 : i32
        %mul3A_997 = arith.muli %scan3A_934, %mul3A_996 : i32
        %swap3A_998 = arith.constant 3 : i32
        %swap3A_999 = arith.index_cast %swap3A_998 : i32 to index
        %swap3A_1000 = arith.index_cast %mul3A_997 : i32 to index
        %swap3A_1001 = tpu.vector_load %arg8[%swap3A_999, %swap3A_1000] {strides = array<i32>} : memref<4x8192xf32, #tpu.memory_space<vmem>>, vector<1x16xf32>,
        %swap3A_1002 = vector.shape_cast %swap3A_1001 : vector<1x16xf32> to vector<16xf32>
        %swap3A_1003 = vector.shape_cast %add3A_995 : vector<16xf32> to vector<1x16xf32>
        tpu.vector_store %arg8[%swap3A_999, %swap3A_1000], %swap3A_1003 {strides = array<i32>} : memref<4x8192xf32, #tpu.memory_space<vmem>>, vector<1x16xf32>,
      }
      %scan3A_381 = arith.constant 512 : i32
      %add3A_382 = arith.constant 1 : i32
      %add3A_383 = arith.addi %mul3A_153, %add3A_382 : i32
      %mul3A_384 = arith.constant 8 : i32
      %mul3A_385 = arith.muli %add3A_383, %mul3A_384 : i32
      %add3A_386 = arith.addi %mul3A_2, %mul3A_385 : i32
      %add3A_387 = arith.constant 0 : i32
      %add3A_388 = arith.addi %add3A_387, %add3A_386 : i32
      %mul3A_389 = arith.constant 1024 : i32
      %mul3A_390 = arith.muli %add3A_388, %mul3A_389 : i32
      %dma_start3A_391 = arith.constant 0 : i32
      %dma_start3A_392 = arith.constant 0 : i32
      %dma_start3A_393 = tpu.memref_slice %arg8[%dma_start3A_391, %dma_start3A_392] : memref<4x8192xf32, #tpu.memory_space<vmem>> -> memref<1x8192xf32, #tpu.memory_space<vmem>>
      %dma_start3A_394 = tpu.memref_squeeze %dma_start3A_393 : memref<1x8192xf32, #tpu.memory_space<vmem>> -> memref<8192xf32, #tpu.memory_space<vmem>>
      %dma_start3A_395 = tpu.memref_slice %arg4[%mul3A_390] : memref<33554432xf32, #tpu.memory_space<hbm>> -> memref<8192xf32, #tpu.memory_space<hbm>>
      %dma_start3A_396 = tpu.memref_slice %arg4[%mul3A_390] : memref<33554432xf32, #tpu.memory_space<hbm>> -> memref<8192xf32, #tpu.memory_space<hbm>>
      %dma_start3A_397 = arith.constant 0 : i32
      %dma_start3A_398 = tpu.memref_slice %arg8[%dma_start3A_391, %dma_start3A_397] : memref<4x8192xf32, #tpu.memory_space<vmem>> -> memref<1x8192xf32, #tpu.memory_space<vmem>>
      %dma_start3A_399 = tpu.memref_squeeze %dma_start3A_398 : memref<1x8192xf32, #tpu.memory_space<vmem>> -> memref<8192xf32, #tpu.memory_space<vmem>>
      tpu.enqueue_dma source(%dma_start3A_399 : memref<8192xf32, #tpu.memory_space<vmem>>) target(%dma_start3A_396 : memref<8192xf32, #tpu.memory_space<hbm>>) target_semaphore(%arg12 : memref<!tpu.dma_semaphore, #tpu.memory_space<semaphore_mem>>)
      %add3A_400 = arith.constant 8192 : i32
      %add3A_401 = arith.addi %add3A_400, %add3A_386 : i32
      %mul3A_402 = arith.constant 1024 : i32
      %mul3A_403 = arith.muli %add3A_401, %mul3A_402 : i32
      %dma_start3A_404 = arith.constant 1 : i32
      %dma_start3A_405 = arith.constant 0 : i32
      %dma_start3A_406 = tpu.memref_slice %arg8[%dma_start3A_404, %dma_start3A_405] : memref<4x8192xf32, #tpu.memory_space<vmem>> -> memref<1x8192xf32, #tpu.memory_space<vmem>>
      %dma_start3A_407 = tpu.memref_squeeze %dma_start3A_406 : memref<1x8192xf32, #tpu.memory_space<vmem>> -> memref<8192xf32, #tpu.memory_space<vmem>>
      %dma_start3A_408 = tpu.memref_slice %arg4[%mul3A_403] : memref<33554432xf32, #tpu.memory_space<hbm>> -> memref<8192xf32, #tpu.memory_space<hbm>>
      %dma_start3A_409 = tpu.memref_slice %arg4[%mul3A_403] : memref<33554432xf32, #tpu.memory_space<hbm>> -> memref<8192xf32, #tpu.memory_space<hbm>>
      %dma_start3A_410 = arith.constant 0 : i32
      %dma_start3A_411 = tpu.memref_slice %arg8[%dma_start3A_404, %dma_start3A_410] : memref<4x8192xf32, #tpu.memory_space<vmem>> -> memref<1x8192xf32, #tpu.memory_space<vmem>>
      %dma_start3A_412 = tpu.memref_squeeze %dma_start3A_411 : memref<1x8192xf32, #tpu.memory_space<vmem>> -> memref<8192xf32, #tpu.memory_space<vmem>>
      tpu.enqueue_dma source(%dma_start3A_412 : memref<8192xf32, #tpu.memory_space<vmem>>) target(%dma_start3A_409 : memref<8192xf32, #tpu.memory_space<hbm>>) target_semaphore(%arg12 : memref<!tpu.dma_semaphore, #tpu.memory_space<semaphore_mem>>)
      %add3A_413 = arith.constant 16384 : i32
      %add3A_414 = arith.addi %add3A_413, %add3A_386 : i32
      %mul3A_415 = arith.constant 1024 : i32
      %mul3A_416 = arith.muli %add3A_414, %mul3A_415 : i32
      %dma_start3A_417 = arith.constant 2 : i32
      %dma_start3A_418 = arith.constant 0 : i32
      %dma_start3A_419 = tpu.memref_slice %arg8[%dma_start3A_417, %dma_start3A_418] : memref<4x8192xf32, #tpu.memory_space<vmem>> -> memref<1x8192xf32, #tpu.memory_space<vmem>>
      %dma_start3A_420 = tpu.memref_squeeze %dma_start3A_419 : memref<1x8192xf32, #tpu.memory_space<vmem>> -> memref<8192xf32, #tpu.memory_space<vmem>>
      %dma_start3A_421 = tpu.memref_slice %arg4[%mul3A_416] : memref<33554432xf32, #tpu.memory_space<hbm>> -> memref<8192xf32, #tpu.memory_space<hbm>>
      %dma_start3A_422 = tpu.memref_slice %arg4[%mul3A_416] : memref<33554432xf32, #tpu.memory_space<hbm>> -> memref<8192xf32, #tpu.memory_space<hbm>>
      %dma_start3A_423 = arith.constant 0 : i32
      %dma_start3A_424 = tpu.memref_slice %arg8[%dma_start3A_417, %dma_start3A_423] : memref<4x8192xf32, #tpu.memory_space<vmem>> -> memref<1x8192xf32, #tpu.memory_space<vmem>>
      %dma_start3A_425 = tpu.memref_squeeze %dma_start3A_424 : memref<1x8192xf32, #tpu.memory_space<vmem>> -> memref<8192xf32, #tpu.memory_space<vmem>>
      tpu.enqueue_dma source(%dma_start3A_425 : memref<8192xf32, #tpu.memory_space<vmem>>) target(%dma_start3A_422 : memref<8192xf32, #tpu.memory_space<hbm>>) target_semaphore(%arg12 : memref<!tpu.dma_semaphore, #tpu.memory_space<semaphore_mem>>)
      %add3A_426 = arith.constant 24576 : i32
      %add3A_427 = arith.addi %add3A_426, %add3A_386 : i32
      %mul3A_428 = arith.constant 1024 : i32
      %mul3A_429 = arith.muli %add3A_427, %mul3A_428 : i32
      %dma_start3A_430 = arith.constant 3 : i32
      %dma_start3A_431 = arith.constant 0 : i32
      %dma_start3A_432 = tpu.memref_slice %arg8[%dma_start3A_430, %dma_start3A_431] : memref<4x8192xf32, #tpu.memory_space<vmem>> -> memref<1x8192xf32, #tpu.memory_space<vmem>>
      %dma_start3A_433 = tpu.memref_squeeze %dma_start3A_432 : memref<1x8192xf32, #tpu.memory_space<vmem>> -> memref<8192xf32, #tpu.memory_space<vmem>>
      %dma_start3A_434 = tpu.memref_slice %arg4[%mul3A_429] : memref<33554432xf32, #tpu.memory_space<hbm>> -> memref<8192xf32, #tpu.memory_space<hbm>>
      %dma_start3A_435 = tpu.memref_slice %arg4[%mul3A_429] : memref<33554432xf32, #tpu.memory_space<hbm>> -> memref<8192xf32, #tpu.memory_space<hbm>>
      %dma_start3A_436 = arith.constant 0 : i32
      %dma_start3A_437 = tpu.memref_slice %arg8[%dma_start3A_430, %dma_start3A_436] : memref<4x8192xf32, #tpu.memory_space<vmem>> -> memref<1x8192xf32, #tpu.memory_space<vmem>>
      %dma_start3A_438 = tpu.memref_squeeze %dma_start3A_437 : memref<1x8192xf32, #tpu.memory_space<vmem>> -> memref<8192xf32, #tpu.memory_space<vmem>>
      tpu.enqueue_dma source(%dma_start3A_438 : memref<8192xf32, #tpu.memory_space<vmem>>) target(%dma_start3A_435 : memref<8192xf32, #tpu.memory_space<hbm>>) target_semaphore(%arg12 : memref<!tpu.dma_semaphore, #tpu.memory_space<semaphore_mem>>)
    }
    %scan3A_63 = arith.constant 16 : i32
    %dma_wait3A = arith.constant 0 : i32
    %dma_wait3A_64 = arith.constant 0 : i32
    %dma_wait3A_65 = tpu.memref_slice %arg7[%dma_wait3A, %dma_wait3A_64] : memref<4x8192xf32, #tpu.memory_space<vmem>> -> memref<1x8192xf32, #tpu.memory_space<vmem>>
    %dma_wait3A_66 = tpu.memref_squeeze %dma_wait3A_65 : memref<1x8192xf32, #tpu.memory_space<vmem>> -> memref<8192xf32, #tpu.memory_space<vmem>>
    %dma_wait3A_67 = arith.constant 0 : i32
    %dma_wait3A_68 = tpu.memref_slice %arg4[%dma_wait3A_67] : memref<33554432xf32, #tpu.memory_space<hbm>> -> memref<8192xf32, #tpu.memory_space<hbm>>
    %dma_wait3A_69 = arith.constant 0 : i32
    %dma_wait3A_70 = tpu.memref_slice %arg4[%dma_wait3A_69] : memref<33554432xf32, #tpu.memory_space<hbm>> -> memref<8192xf32, #tpu.memory_space<hbm>>
    %dma_wait3A_71 = arith.constant 0 : i32
    %dma_wait3A_72 = tpu.memref_slice %arg7[%dma_wait3A, %dma_wait3A_71] : memref<4x8192xf32, #tpu.memory_space<vmem>> -> memref<1x8192xf32, #tpu.memory_space<vmem>>
    %dma_wait3A_73 = tpu.memref_squeeze %dma_wait3A_72 : memref<1x8192xf32, #tpu.memory_space<vmem>> -> memref<8192xf32, #tpu.memory_space<vmem>>
    tpu.wait_dma2 semaphore(%arg11 : memref<!tpu.dma_semaphore, #tpu.memory_space<semaphore_mem>>) src(%dma_wait3A_73 : memref<8192xf32, #tpu.memory_space<vmem>>) dst(%dma_wait3A_70 : memref<8192xf32, #tpu.memory_space<hbm>>)
    %dma_wait3A_74 = arith.constant 1 : i32
    %dma_wait3A_75 = arith.constant 0 : i32
    %dma_wait3A_76 = tpu.memref_slice %arg7[%dma_wait3A_74, %dma_wait3A_75] : memref<4x8192xf32, #tpu.memory_space<vmem>> -> memref<1x8192xf32, #tpu.memory_space<vmem>>
    %dma_wait3A_77 = tpu.memref_squeeze %dma_wait3A_76 : memref<1x8192xf32, #tpu.memory_space<vmem>> -> memref<8192xf32, #tpu.memory_space<vmem>>
    %dma_wait3A_78 = arith.constant 0 : i32
    %dma_wait3A_79 = tpu.memref_slice %arg4[%dma_wait3A_78] : memref<33554432xf32, #tpu.memory_space<hbm>> -> memref<8192xf32, #tpu.memory_space<hbm>>
    %dma_wait3A_80 = arith.constant 0 : i32
    %dma_wait3A_81 = tpu.memref_slice %arg4[%dma_wait3A_80] : memref<33554432xf32, #tpu.memory_space<hbm>> -> memref<8192xf32, #tpu.memory_space<hbm>>
    %dma_wait3A_82 = arith.constant 0 : i32
    %dma_wait3A_83 = tpu.memref_slice %arg7[%dma_wait3A_74, %dma_wait3A_82] : memref<4x8192xf32, #tpu.memory_space<vmem>> -> memref<1x8192xf32, #tpu.memory_space<vmem>>
    %dma_wait3A_84 = tpu.memref_squeeze %dma_wait3A_83 : memref<1x8192xf32, #tpu.memory_space<vmem>> -> memref<8192xf32, #tpu.memory_space<vmem>>
    tpu.wait_dma2 semaphore(%arg11 : memref<!tpu.dma_semaphore, #tpu.memory_space<semaphore_mem>>) src(%dma_wait3A_84 : memref<8192xf32, #tpu.memory_space<vmem>>) dst(%dma_wait3A_81 : memref<8192xf32, #tpu.memory_space<hbm>>)
    %dma_wait3A_85 = arith.constant 2 : i32
    %dma_wait3A_86 = arith.constant 0 : i32
    %dma_wait3A_87 = tpu.memref_slice %arg7[%dma_wait3A_85, %dma_wait3A_86] : memref<4x8192xf32, #tpu.memory_space<vmem>> -> memref<1x8192xf32, #tpu.memory_space<vmem>>
    %dma_wait3A_88 = tpu.memref_squeeze %dma_wait3A_87 : memref<1x8192xf32, #tpu.memory_space<vmem>> -> memref<8192xf32, #tpu.memory_space<vmem>>
    %dma_wait3A_89 = arith.constant 0 : i32
    %dma_wait3A_90 = tpu.memref_slice %arg4[%dma_wait3A_89] : memref<33554432xf32, #tpu.memory_space<hbm>> -> memref<8192xf32, #tpu.memory_space<hbm>>
    %dma_wait3A_91 = arith.constant 0 : i32
    %dma_wait3A_92 = tpu.memref_slice %arg4[%dma_wait3A_91] : memref<33554432xf32, #tpu.memory_space<hbm>> -> memref<8192xf32, #tpu.memory_space<hbm>>
    %dma_wait3A_93 = arith.constant 0 : i32
    %dma_wait3A_94 = tpu.memref_slice %arg7[%dma_wait3A_85, %dma_wait3A_93] : memref<4x8192xf32, #tpu.memory_space<vmem>> -> memref<1x8192xf32, #tpu.memory_space<vmem>>
    %dma_wait3A_95 = tpu.memref_squeeze %dma_wait3A_94 : memref<1x8192xf32, #tpu.memory_space<vmem>> -> memref<8192xf32, #tpu.memory_space<vmem>>
    tpu.wait_dma2 semaphore(%arg11 : memref<!tpu.dma_semaphore, #tpu.memory_space<semaphore_mem>>) src(%dma_wait3A_95 : memref<8192xf32, #tpu.memory_space<vmem>>) dst(%dma_wait3A_92 : memref<8192xf32, #tpu.memory_space<hbm>>)
    %dma_wait3A_96 = arith.constant 3 : i32
    %dma_wait3A_97 = arith.constant 0 : i32
    %dma_wait3A_98 = tpu.memref_slice %arg7[%dma_wait3A_96, %dma_wait3A_97] : memref<4x8192xf32, #tpu.memory_space<vmem>> -> memref<1x8192xf32, #tpu.memory_space<vmem>>
    %dma_wait3A_99 = tpu.memref_squeeze %dma_wait3A_98 : memref<1x8192xf32, #tpu.memory_space<vmem>> -> memref<8192xf32, #tpu.memory_space<vmem>>
    %dma_wait3A_100 = arith.constant 0 : i32
    %dma_wait3A_101 = tpu.memref_slice %arg4[%dma_wait3A_100] : memref<33554432xf32, #tpu.memory_space<hbm>> -> memref<8192xf32, #tpu.memory_space<hbm>>
    %dma_wait3A_102 = arith.constant 0 : i32
    %dma_wait3A_103 = tpu.memref_slice %arg4[%dma_wait3A_102] : memref<33554432xf32, #tpu.memory_space<hbm>> -> memref<8192xf32, #tpu.memory_space<hbm>>
    %dma_wait3A_104 = arith.constant 0 : i32
    %dma_wait3A_105 = tpu.memref_slice %arg7[%dma_wait3A_96, %dma_wait3A_104] : memref<4x8192xf32, #tpu.memory_space<vmem>> -> memref<1x8192xf32, #tpu.memory_space<vmem>>
    %dma_wait3A_106 = tpu.memref_squeeze %dma_wait3A_105 : memref<1x8192xf32, #tpu.memory_space<vmem>> -> memref<8192xf32, #tpu.memory_space<vmem>>
    tpu.wait_dma2 semaphore(%arg11 : memref<!tpu.dma_semaphore, #tpu.memory_space<semaphore_mem>>) src(%dma_wait3A_106 : memref<8192xf32, #tpu.memory_space<vmem>>) dst(%dma_wait3A_103 : memref<8192xf32, #tpu.memory_space<hbm>>)
    %dma_wait3A_107 = arith.constant 0 : i32
    %dma_wait3A_108 = arith.constant 0 : i32
    %dma_wait3A_109 = tpu.memref_slice %arg8[%dma_wait3A_107, %dma_wait3A_108] : memref<4x8192xf32, #tpu.memory_space<vmem>> -> memref<1x8192xf32, #tpu.memory_space<vmem>>
    %dma_wait3A_110 = tpu.memref_squeeze %dma_wait3A_109 : memref<1x8192xf32, #tpu.memory_space<vmem>> -> memref<8192xf32, #tpu.memory_space<vmem>>
    %dma_wait3A_111 = arith.constant 0 : i32
    %dma_wait3A_112 = tpu.memref_slice %arg4[%dma_wait3A_111] : memref<33554432xf32, #tpu.memory_space<hbm>> -> memref<8192xf32, #tpu.memory_space<hbm>>
    %dma_wait3A_113 = arith.constant 0 : i32
    %dma_wait3A_114 = tpu.memref_slice %arg4[%dma_wait3A_113] : memref<33554432xf32, #tpu.memory_space<hbm>> -> memref<8192xf32, #tpu.memory_space<hbm>>
    %dma_wait3A_115 = arith.constant 0 : i32
    %dma_wait3A_116 = tpu.memref_slice %arg8[%dma_wait3A_107, %dma_wait3A_115] : memref<4x8192xf32, #tpu.memory_space<vmem>> -> memref<1x8192xf32, #tpu.memory_space<vmem>>
    %dma_wait3A_117 = tpu.memref_squeeze %dma_wait3A_116 : memref<1x8192xf32, #tpu.memory_space<vmem>> -> memref<8192xf32, #tpu.memory_space<vmem>>
    tpu.wait_dma2 semaphore(%arg12 : memref<!tpu.dma_semaphore, #tpu.memory_space<semaphore_mem>>) src(%dma_wait3A_117 : memref<8192xf32, #tpu.memory_space<vmem>>) dst(%dma_wait3A_114 : memref<8192xf32, #tpu.memory_space<hbm>>)
    %dma_wait3A_118 = arith.constant 1 : i32
    %dma_wait3A_119 = arith.constant 0 : i32
    %dma_wait3A_120 = tpu.memref_slice %arg8[%dma_wait3A_118, %dma_wait3A_119] : memref<4x8192xf32, #tpu.memory_space<vmem>> -> memref<1x8192xf32, #tpu.memory_space<vmem>>
    %dma_wait3A_121 = tpu.memref_squeeze %dma_wait3A_120 : memref<1x8192xf32, #tpu.memory_space<vmem>> -> memref<8192xf32, #tpu.memory_space<vmem>>
    %dma_wait3A_122 = arith.constant 0 : i32
    %dma_wait3A_123 = tpu.memref_slice %arg4[%dma_wait3A_122] : memref<33554432xf32, #tpu.memory_space<hbm>> -> memref<8192xf32, #tpu.memory_space<hbm>>
    %dma_wait3A_124 = arith.constant 0 : i32
    %dma_wait3A_125 = tpu.memref_slice %arg4[%dma_wait3A_124] : memref<33554432xf32, #tpu.memory_space<hbm>> -> memref<8192xf32, #tpu.memory_space<hbm>>
    %dma_wait3A_126 = arith.constant 0 : i32
    %dma_wait3A_127 = tpu.memref_slice %arg8[%dma_wait3A_118, %dma_wait3A_126] : memref<4x8192xf32, #tpu.memory_space<vmem>> -> memref<1x8192xf32, #tpu.memory_space<vmem>>
    %dma_wait3A_128 = tpu.memref_squeeze %dma_wait3A_127 : memref<1x8192xf32, #tpu.memory_space<vmem>> -> memref<8192xf32, #tpu.memory_space<vmem>>
    tpu.wait_dma2 semaphore(%arg12 : memref<!tpu.dma_semaphore, #tpu.memory_space<semaphore_mem>>) src(%dma_wait3A_128 : memref<8192xf32, #tpu.memory_space<vmem>>) dst(%dma_wait3A_125 : memref<8192xf32, #tpu.memory_space<hbm>>)
    %dma_wait3A_129 = arith.constant 2 : i32
    %dma_wait3A_130 = arith.constant 0 : i32
    %dma_wait3A_131 = tpu.memref_slice %arg8[%dma_wait3A_129, %dma_wait3A_130] : memref<4x8192xf32, #tpu.memory_space<vmem>> -> memref<1x8192xf32, #tpu.memory_space<vmem>>
    %dma_wait3A_132 = tpu.memref_squeeze %dma_wait3A_131 : memref<1x8192xf32, #tpu.memory_space<vmem>> -> memref<8192xf32, #tpu.memory_space<vmem>>
    %dma_wait3A_133 = arith.constant 0 : i32
    %dma_wait3A_134 = tpu.memref_slice %arg4[%dma_wait3A_133] : memref<33554432xf32, #tpu.memory_space<hbm>> -> memref<8192xf32, #tpu.memory_space<hbm>>
    %dma_wait3A_135 = arith.constant 0 : i32
    %dma_wait3A_136 = tpu.memref_slice %arg4[%dma_wait3A_135] : memref<33554432xf32, #tpu.memory_space<hbm>> -> memref<8192xf32, #tpu.memory_space<hbm>>
    %dma_wait3A_137 = arith.constant 0 : i32
    %dma_wait3A_138 = tpu.memref_slice %arg8[%dma_wait3A_129, %dma_wait3A_137] : memref<4x8192xf32, #tpu.memory_space<vmem>> -> memref<1x8192xf32, #tpu.memory_space<vmem>>
    %dma_wait3A_139 = tpu.memref_squeeze %dma_wait3A_138 : memref<1x8192xf32, #tpu.memory_space<vmem>> -> memref<8192xf32, #tpu.memory_space<vmem>>
    tpu.wait_dma2 semaphore(%arg12 : memref<!tpu.dma_semaphore, #tpu.memory_space<semaphore_mem>>) src(%dma_wait3A_139 : memref<8192xf32, #tpu.memory_space<vmem>>) dst(%dma_wait3A_136 : memref<8192xf32, #tpu.memory_space<hbm>>)
    %dma_wait3A_140 = arith.constant 3 : i32
    %dma_wait3A_141 = arith.constant 0 : i32
    %dma_wait3A_142 = tpu.memref_slice %arg8[%dma_wait3A_140, %dma_wait3A_141] : memref<4x8192xf32, #tpu.memory_space<vmem>> -> memref<1x8192xf32, #tpu.memory_space<vmem>>
    %dma_wait3A_143 = tpu.memref_squeeze %dma_wait3A_142 : memref<1x8192xf32, #tpu.memory_space<vmem>> -> memref<8192xf32, #tpu.memory_space<vmem>>
    %dma_wait3A_144 = arith.constant 0 : i32
    %dma_wait3A_145 = tpu.memref_slice %arg4[%dma_wait3A_144] : memref<33554432xf32, #tpu.memory_space<hbm>> -> memref<8192xf32, #tpu.memory_space<hbm>>
    %dma_wait3A_146 = arith.constant 0 : i32
    %dma_wait3A_147 = tpu.memref_slice %arg4[%dma_wait3A_146] : memref<33554432xf32, #tpu.memory_space<hbm>> -> memref<8192xf32, #tpu.memory_space<hbm>>
    %dma_wait3A_148 = arith.constant 0 : i32
    %dma_wait3A_149 = tpu.memref_slice %arg8[%dma_wait3A_140, %dma_wait3A_148] : memref<4x8192xf32, #tpu.memory_space<vmem>> -> memref<1x8192xf32, #tpu.memory_space<vmem>>
    %dma_wait3A_150 = tpu.memref_squeeze %dma_wait3A_149 : memref<1x8192xf32, #tpu.memory_space<vmem>> -> memref<8192xf32, #tpu.memory_space<vmem>>
    tpu.wait_dma2 semaphore(%arg12 : memref<!tpu.dma_semaphore, #tpu.memory_space<semaphore_mem>>) src(%dma_wait3A_150 : memref<8192xf32, #tpu.memory_space<vmem>>) dst(%dma_wait3A_147 : memref<8192xf32, #tpu.memory_space<hbm>>)
    return
  }
}

</mosaic_0001>

<sc_bundles>
// kernel: kernel.3.cloned.1.call-start
scs
__scs_entry_jumppad:
0x0: {  	(pc) =	sbr.rel $0x88, $3  }
0x1: {  	(tag) =	ssettag $0x0;
	lr =	simm.s32 $0x1  }
0x2: {  	[smem:$0x3F9F] =	sst lr;
	_ =	strace $0xD0000000  }
0x3: {  	_ = 	snop  }
0x4: {  	_ = 	snop  }
0x5: {  	_ = 	snop  }
0x6: {  	_ = 	snop  }
0x7: {  	_ = 	snop  }
__scs_overlays_trampoline_lowered:
0x8: {  	[smem:$0x3FAE] =	sst s0  }
0x9: {  	[smem:$0x3FAF] =	sst s1  }
0xa: {  	[smem:$0x3FB0] =	sst s2  }
0xb: {  	[smem:$0x3FB1] =	sst s3  }
0xc: {  	[smem:$0x3FB2] =	sst s4  }
0xd: {  	[smem:$0x3FB3] =	sst s5  }
0xe: {  	[smem:$0x3FB4] =	sst s6  }
0xf: {  	[smem:$0x3FB5] =	sst s7  }
0x10: {  	[smem:$0x3FB6] =	sst s8  }
0x11: {  	[smem:$0x3FB7] =	sst s9;
	s0 =	simm.s32 @!p0 $0x0  }
0x12: {  	s1 =	sld [smem:$0x3F9D];
	s0 =	simm.s32 @p0 $0x1  }
0x13: {  	[smem:$0x3FB8] =	sst s0;
	s0 =	simm.s32 @!p1 $0x0  }
0x14: {  	s2 =	sld [smem:$0x3F9C];
	s0 =	simm.s32 @p1 $0x1  }
0x15: {  	[smem:$0x3FB9] =	sst s0;
	s0 =	simm.s32 @!p2 $0x0  }
0x16: {  	s3 =	sld [smem:$0x3FDB];
	s0 =	simm.s32 @p2 $0x1  }
0x17: {  	s4 =	simm.s32 $0x1BF5;
	[smem:$0x3FBB] =	sst s0  }
0x18: {  	s0 =	sld [smem:$0x3F9E];
	_ =	swait.ge [sflag:s4], $0x0  }
0x19: {  	s7 =	sld [smem:$0x3F9F]  }
0x1a: {  	s8 =	sadd.s32 $0xFFFFE003, lr  }
0x1b: {  	s9 =	sadd.s32 $0xFFFFFEF7, lr;
	s5 =	simm.s32 $0xFFFFFFFF;
	p2 =	slt.u32 s8, $0xFFFFF086  }
0x1c: {  	p1 =	slt.u32 s9, $0xF7A;
	s5 =	simm.s32 @!p2 $0x0  }
0x1d: {  	s5 =	simm.s32 @p1 $0x1;
	p0 =	seq.s32 s7, s2  }
0x1e: {  	s7 =	smul.u32 @!p0 $0xF7A, s2;
	p2 =	seq.s32 @!p0 s5, $0x0  }
0x1f: {  	s9 =	smul.u32 $0xF7A, s1;
	s8 =	simm.s32 @!p0 $0x1BF5;
	p2 =	por !p2, p0  }
0x20: {  	[sflag:s8] =	ssyncset.s32 @!p0 $0xFFFFF086;
	s6 =	sadd.s32 @!p0 s3, s7;
	s7 =	simm.s32 @!p0 $0x108  }
0x21: {  	s3 =	sadd.s32 s3, s9;
	s6 =	sadd.s32 @!p0 $0x88, s6;
	s7 =	simm.s32 @p2 $0x1082  }
0x22: {  	[simem:s7], [sflag:s8] =	dma.local @!p0 [hbm:s6], $0xF7A  }
0x23: {  	s9 =	sor.u32 $0xD0000000, s2;
	s6 =	simm.s32 $0x108;
	_ =	swait.ge @!p0 [sflag:s8], $0x0  }
0x24: {  	s3 =	sadd.s32 $0x88, s3;
	s6 =	simm.s32 @!p1 $0x1082;
	[sflag:s4] =	ssyncset.s32 $0xFFFFF086  }
0x25: {  	[simem:s6], [sflag:s4] =	dma.local [hbm:s3], $0xF7A  }
0x26: {  	[smem:$0x3F9F] =	sst s1;
	(tag) =	ssettag s2;
	_ =	strace s9  }
0x27: {  	s1 =	sld [smem:$0x3FAF]  }
0x28: {  	s2 =	sld [smem:$0x3FB0]  }
0x29: {  	s4 =	sld [smem:$0x3FB2]  }
0x2a: {  	p0 =	seq.s32 s5, $0x0;
	s5 =	sld [smem:$0x3FB3]  }
0x2b: {  	s6 =	sld [smem:$0x3FB4]  }
0x2c: {  	s7 =	sld [smem:$0x3FB5]  }
0x2d: {  	s3 =	simm.s32 $0x108;
	s8 =	sld [smem:$0x3FB6]  }
0x2e: {  	s3 =	simm.s32 @!p0 $0x1082;
	s9 =	sld [smem:$0x3FB7]  }
0x2f: {  	lr =	sadd.s32 s0, s3;
	s0 =	sld [smem:$0x3FAE]  }
0x30: {  	s3 =	sld [smem:$0x3FB1]  }
0x31: {  	[smem:$0x3FBA] =	sst s10  }
0x32: {  	s10 =	sld [smem:$0x3FB8];
	_ =	sdelay $0x3  }
0x33: {  	p0 =	seq.s32 s10, $0x1;
	s10 =	sld [smem:$0x3FBA];
	_ =	sdelay $0x3  }
0x34: {  	[smem:$0x3FBA] =	sst s10  }
0x35: {  	s10 =	sld [smem:$0x3FB9];
	_ =	sdelay $0x3  }
0x36: {  	p1 =	seq.s32 s10, $0x1;
	s10 =	sld [smem:$0x3FBA];
	_ =	sdelay $0x3  }
0x37: {  	[smem:$0x3FBA] =	sst s10  }
0x38: {  	s10 =	sld [smem:$0x3FBB]  }
0x39: {  	_ = 	snop;
	(pc) =	sbr.ind lr, $3  }
0x3a: {  	_ = 	snop  }
0x3b: {  	_ = 	snop  }
0x3c: {  	p2 =	seq.s32 s10, $0x1;
	s10 =	sld [smem:$0x3FBA]  }
0x3d: {  	_ =	shalt  }
0x3e: {  	_ =	shalt  }
0x3f: {  	_ =	shalt  }
0x40: {  	_ =	shalt  }
0x41: {  	_ =	shalt  }
0x42: {  	_ =	shalt  }
0x43: {  	_ =	shalt  }
0x44: {  	_ =	shalt  }
0x45: {  	_ =	shalt  }
0x46: {  	_ =	shalt  }
0x47: {  	_ =	shalt  }
0x48: {  	_ =	shalt  }
0x49: {  	_ =	shalt  }
0x4a: {  	_ =	shalt  }
0x4b: {  	_ =	shalt  }
0x4c: {  	_ =	shalt  }
0x4d: {  	_ =	shalt  }
0x4e: {  	_ =	shalt  }
0x4f: {  	_ =	shalt  }
0x50: {  	_ =	shalt  }
0x51: {  	_ =	shalt  }
0x52: {  	_ =	shalt  }
0x53: {  	_ =	shalt  }
0x54: {  	_ =	shalt  }
0x55: {  	_ =	shalt  }
0x56: {  	_ =	shalt  }
0x57: {  	_ =	shalt  }
0x58: {  	_ =	shalt  }
0x59: {  	_ =	shalt  }
0x5a: {  	_ =	shalt  }
0x5b: {  	_ =	shalt  }
0x5c: {  	_ =	shalt  }
0x5d: {  	_ =	shalt  }
0x5e: {  	_ =	shalt  }
0x5f: {  	_ =	shalt  }
0x60: {  	_ =	shalt  }
0x61: {  	_ =	shalt  }
0x62: {  	_ =	shalt  }
0x63: {  	_ =	shalt  }
0x64: {  	_ =	shalt  }
0x65: {  	_ =	shalt  }
0x66: {  	_ =	shalt  }
0x67: {  	_ =	shalt  }
0x68: {  	_ =	shalt  }
0x69: {  	_ =	shalt  }
0x6a: {  	_ =	shalt  }
0x6b: {  	_ =	shalt  }
0x6c: {  	_ =	shalt  }
0x6d: {  	_ =	shalt  }
0x6e: {  	_ =	shalt  }
0x6f: {  	_ =	shalt  }
0x70: {  	_ =	shalt  }
0x71: {  	_ =	shalt  }
0x72: {  	_ =	shalt  }
0x73: {  	_ =	shalt  }
0x74: {  	_ =	shalt  }
0x75: {  	_ =	shalt  }
0x76: {  	_ =	shalt  }
0x77: {  	_ =	shalt  }
0x78: {  	_ =	shalt  }
0x79: {  	_ =	shalt  }
0x7a: {  	_ =	shalt  }
0x7b: {  	_ =	shalt  }
0x7c: {  	_ =	shalt  }
0x7d: {  	_ =	shalt  }
0x7e: {  	_ =	shalt  }
0x7f: {  	_ =	shalt  }
0x80: {  	_ =	shalt  }
0x81: {  	_ =	shalt  }
0x82: {  	_ =	shalt  }
0x83: {  	_ =	shalt  }
0x84: {  	_ =	shalt  }
0x85: {  	_ =	shalt  }
0x86: {  	_ =	shalt  }
0x87: {  	_ =	shalt  }
.Lfunc_end0:
.L_simem_size_0:
called_computation.2_lowered:
.L_overlay_start_0:
0x88: {  	s2 =	sld [smem:$0x3FD9]  }
0x89: {  	s3 =	sld [smem:$0x3FFE];
	_ =	sdelay $0x1  }
0x8a: {  	s1 =	srdreg.scid  }
0x8b: {  	s0 =	sand.u32 $0x1, s1  }
0x8c: {  	s17 =	sshll.u32 s0, $0xA;
	s2 =	sadd.s32 s3, s2  }
0x8d: {  	s2 =	sadd.s32 s2, s17  }
0x8e: {  	[smem:$0x3FC6] =	sst s2  }
0x8f: {  	_ = 	snop  }
0x90: {  	s2 =	sld [smem:$0x3FD0];
	(tm) =	ssettm $0x1  }
0x91: {  	s18 =	sld [smem:$0x3FFB];
	_ =	sdelay $0x3  }
0x92: {  	_ =	strace s18  }
0x93: {  	s3 =	sld [smem:$0x3FFC];
	_ =	sdelay $0x3  }
0x94: {  	_ =	strace s3  }
0x95: {  	s3 =	sld [smem:$0x3FFD];
	_ =	sdelay $0x3  }
0x96: {  	_ =	strace s3  }
0x97: {  	_ =	strace $0x8FFFFFFF  }
0x98: {  	s19 =	sld [smem:$0x3FDB];
	_ =	sdelay $0x1  }
0x99: {  	s4 =	simm.s32 $_scs_section_size  }
0x9a: {  	s5 =	simm.s32 $_size__tile_overlayer_lowered;
	s6 =	simm.s32 $_tile_overlayer_lowered  }
0x9b: {  	s22 =	simm.s32 $0x1BFF;
	s21 =	sshll.u32 s6, $0x1;
	s3 =	sadd.s32 s4, s19  }
0x9c: {  	s7 =	simm.s32 $0x0;
	s20 =	sshll.u32 s5, $0x1;
	s5 =	sadd.s32 s21, s3  }
0x9d: {  	[timem:s7], [sflag:s22] =	dma.local [hbm:s5], s20  }
0x9e: {  	_ =	swait.ge [sflag:s22], s20  }
0x9f: {  	s4 =	ssub.s32 $0x0, s20;
	[sflag:s22] =	ssyncset.done $0x0  }
0xa0: {  	[sflag:s22] =	ssyncadd.s32 s4;
	_ =	sdelay $0x1  }
0xa1: {  	s23 =	simm.s32 $0x1B8B  }
0xa2: {  	_ =	swait.ge [sflag:s23], $0x1  }
0xa3: {  	[sflag:s23] =	ssyncset.done $0x0  }
0xa4: {  	s25 =	simm.s32 $0x1B8E;
	s24 =	sld [smem:$0x3FFE];
	[sflag:s23] =	ssyncadd.s32 $0xFFFFFFFF  }
0xa5: {  	s26 =	simm.s32 $execute0_lowered;
	[smem:$0x3FD2] =	sst s25  }
0xa6: {  	s5 =	sshll.u32 s26, $0x1;
	_ =	strace $0x8000004C;
	[dreg:$0x1] =	wrdreg $0xFFFFFFFF  }
0xa7: {  	s28 =	simm.s32 $_size_execute0_lowered;
	s3 =	sadd.s32 s3, s5;
	[dreg:$0x0] =	wrdreg $0x0  }
0xa8: {  	s5 =	sshll.u32 s28, $0x1;
	[dreg:$0x2] =	wrdreg s3  }
0xa9: {  	[dreg:$0x3] =	wrdreg s5  }
0xaa: {  	[dreg:$0x4] =	wrdreg $0xC0  }
0xab: {  	_ =	task [dreg:s7], $0x5FFFF  }
0xac: {  	[dreg:$0x1] =	wrdreg $0xFFFFFFFF  }
0xad: {  	[dreg:$0x0] =	wrdreg $0x60  }
0xae: {  	[dreg:$0x2] =	wrdreg s2  }
0xaf: {  	[dreg:$0x3] =	wrdreg s24  }
0xb0: {  	[dreg:$0x4] =	wrdreg $0x9  }
0xb1: {  	_ =	task.clear_ibuf [dreg:s7], $0x5FFFF;
	_ =	strace $0x9000004C  }
0xb2: {  	s29 =	simm.s32 $0x9;
	_ =	strace $0x8000004E  }
0xb3: {  	_ =	swait.ge [sflag:s29], $0x1  }
0xb4: {  	[sflag:s29] =	ssyncadd.s32 $0xFFFFFFFF  }
0xb5: {  	_ =	strace $0x9000004E  }
0xb6: {  	_ =	sfence  }
0xb7: {  	s30 =	sld [smem:$0x0];
	_ =	sdelay $0x2  }
0xb8: {  	s31 =	sshll.u32 s1, $0xD;
	s1 =	sshrl.u32 s1, $0x2  }
0xb9: {  	s3 =	sand.u32 $0x4000, s31;
	s1 =	sadd.s32 s1, s30  }
0xba: {  	s0 =	sor.u32 s3, s0;
	s1 =	sshll.u32 s1, $0x11  }
0xbb: {  	s0 =	sor.u32 s1, s0  }
0xbc: {  	s0 =	sadd.s32 $0x8F2B, s0  }
0xbd: {  	[sflag:s0] =	ssyncadd.remote.s32 $0x1  }
0xbe: {  	_ =	sfence.sel $0xFFFF  }
0xbf: {  	[dreg:$0x0] =	wrdreg $0xFFFFFFFF;
	(pc) =	sbr.abs _section_cstart, $3  }
0xc0: {  	[dreg:$0x1] =	wrdreg $0xFFFFFFFF  }
0xc1: {  	_ =	task.clear_ibuf [dreg:s7], $0x2FFFF;
	_ =	strace $0x9FFFFFFF  }
0xc2: {  	(tm) =	ssettm $0x7FFFFFFF  }
0xc3: {  	_ =	shalt  }
tec
execute0_lowered:
.L_overlay_start_1:
0x0: {  	(tag) =	ssettag $0x1  }
0x1: {  	s1 =	rddreg [dreg:$0x0]  }
0x2: {  	s0 =	rddreg [dreg:$0x1]  }
0x3: {  	s3 =	simm.s32 $0x0;
	s2 =	srdreg.scid;
	s4 =	stileid.u32  }
0x4: {  	s20 =	simm.s32 $0x2000;
	s21 =	simm.s32 $0x1;
	s22 =	simm.s32 $0x2  }
0x5: {  	s23 =	simm.s32 $0x3;
	[smem:$0x7FF] =	sst s3;
	s2 =	sand.u32 $0x1, s2  }
0x6: {  	s28 =	sadd.s32 $0x100000, s1;
	s12 =	sadd.s32 $0x200000, s1;
	s29 =	sadd.s32 $0x300000, s1  }
0x7: {  	s5 =	sshll.u32 s4, $0x1;
	s15 =	sadd.s32 $0x200C00, s0;
	s16 =	sadd.s32 $0x300C00, s0  }
0x8: {  	s4 =	sadd.s32 $0xC00, s0;
	s17 =	sadd.s32 $0x400C00, s0;
	_ =	strace $0x8000004D  }
0x9: {  	s6 =	ssub.s32 $0x2, s2;
	s2 =	sor.u32 s2, s5;
	s5 =	sadd.s32 $0x100C00, s0  }
0xa: {  	s10 =	smov.u32 s28;
	s13 =	smov.u32 s12;
	s7 =	sshrl.u32 s6, $0x1  }
0xb: {  	s18 =	smov.u32 s29;
	s9 =	sshll.u32 s2, $0xF;
	s7 =	ssub.s32 s6, s7  }
0xc: {  	s6 =	sshll.u32 s2, $0x8;
	s26 =	sadd.s32 s4, s9;
	s8 =	sadd.s32 s1, s9  }
0xd: {  	s11 =	sadd.s32 s9, s28;
	[dreg:$0x3] =	wrdreg s26;
	s30 =	sor.u32 $0x10, s6  }
0xe: {  	s12 =	sadd.s32 s9, s12;
	s31 =	smax.u32 s7, $0x1;
	[dreg:$0x4] =	wrdreg s30  }
0xf: {  	s14 =	sadd.s32 s9, s29;
	s7 =	simm.s32 $0x0;
	[dreg:$0x5] =	wrdreg s31  }
.LBB2_1:
0x10: {  	[dreg:$0x6] =	wrdreg s7  }
0x11: {  	s0 =	rddreg [dreg:$0x3];
	s2 =	simm.s32 $0x10  }
0x12: {  	[tilespmem:s3], [sflag:$0x1] =	stream.linear.gather [hbm4b:s0+s3], $0x2000, $0x38;
	[tilespmem:$0x14000] =	vst v63  }
0x13: {  	s9 =	sadd.s32 $0x0, s8;
	s7 =	simm.s32 $0x4200;
	s0 =	simm.s32 $0x4000  }
.LBB2_2:
0x14: {  	[tilespmem:s0], [sflag:$0x1] =	stream.linear.gather [hbm4b:s9+s3], $0x80, $0x38;
	[tilespmem:$0x14000] =	vst v63  }
0x15: {  	s9 =	smov.u32 s2;
	s0 =	smov.u32 s7;
	p0 =	sne.s32 s2, $0x3F0  }
.Ltmp0:
0x16: {  	s2 =	sadd.s32 $0x10, s2;
	(pc) =	sbr.rel @p0 .LBB2_2-.Ltmp0, $2  }
0x17: {  	_ =	sdelay $0x2  }
0x18: {  	s7 =	sadd.s32 $0x200, s7;
	s9 =	sadd.s32 s9, s8  }
0x19: {  	[tilespmem:s0], [sflag:$0x1] =	stream.linear.gather [hbm4b:s9+s3], $0x80, $0x38;
	[tilespmem:$0x14000] =	vst v63  }
0x1a: {  	s0 =	simm.s32 $0x4080  }
0x1b: {  	s2 =	simm.s32 $0x10;
	s9 =	sadd.s32 $0x0, s11;
	s7 =	simm.s32 $0x4280  }
.LBB2_4:
0x1c: {  	[tilespmem:s0], [sflag:$0x1] =	stream.linear.gather [hbm4b:s9+s3], $0x80, $0x38;
	[tilespmem:$0x14000] =	vst v63  }
0x1d: {  	s9 =	smov.u32 s2;
	s0 =	smov.u32 s7;
	p0 =	sne.s32 s2, $0x3F0  }
.Ltmp1:
0x1e: {  	s2 =	sadd.s32 $0x10, s2;
	(pc) =	sbr.rel @p0 .LBB2_4-.Ltmp1, $2  }
0x1f: {  	_ =	sdelay $0x2  }
0x20: {  	s7 =	sadd.s32 $0x200, s7;
	s9 =	sadd.s32 s9, s11  }
0x21: {  	[tilespmem:s0], [sflag:$0x1] =	stream.linear.gather [hbm4b:s9+s3], $0x80, $0x38;
	[tilespmem:$0x14000] =	vst v63  }
0x22: {  	s0 =	simm.s32 $0x4100  }
0x23: {  	s2 =	simm.s32 $0x10;
	s9 =	sadd.s32 $0x0, s12;
	s7 =	simm.s32 $0x4300  }
.LBB2_6:
0x24: {  	[tilespmem:s0], [sflag:$0x1] =	stream.linear.gather [hbm4b:s9+s3], $0x80, $0x38;
	[tilespmem:$0x14000] =	vst v63  }
0x25: {  	s9 =	smov.u32 s2;
	s0 =	smov.u32 s7;
	p0 =	sne.s32 s2, $0x3F0  }
.Ltmp2:
0x26: {  	s2 =	sadd.s32 $0x10, s2;
	(pc) =	sbr.rel @p0 .LBB2_6-.Ltmp2, $2  }
0x27: {  	_ =	sdelay $0x2  }
0x28: {  	s7 =	sadd.s32 $0x200, s7;
	s9 =	sadd.s32 s9, s12  }
0x29: {  	[tilespmem:s0], [sflag:$0x1] =	stream.linear.gather [hbm4b:s9+s3], $0x80, $0x38;
	[tilespmem:$0x14000] =	vst v63  }
0x2a: {  	s26 =	simm.s32 $0x0;
	s0 =	simm.s32 $0x4180  }
0x2b: {  	s2 =	simm.s32 $0x10;
	s9 =	sadd.s32 $0x0, s14;
	s7 =	simm.s32 $0x4380  }
.LBB2_8:
0x2c: {  	[tilespmem:s0], [sflag:$0x1] =	stream.linear.gather [hbm4b:s9+s26], $0x80, $0x38;
	[tilespmem:$0x14000] =	vst v63  }
0x2d: {  	s9 =	smov.u32 s2;
	s0 =	smov.u32 s7;
	p0 =	sne.s32 s2, $0x3F0  }
.Ltmp3:
0x2e: {  	s2 =	sadd.s32 $0x10, s2;
	(pc) =	sbr.rel @p0 .LBB2_8-.Ltmp3, $2  }
0x2f: {  	_ =	sdelay $0x2  }
0x30: {  	s7 =	sadd.s32 $0x200, s7;
	s9 =	sadd.s32 s9, s14  }
0x31: {  	[tilespmem:s0], [sflag:$0x1] =	stream.linear.gather [hbm4b:s9+s26], $0x80, $0x38;
	[tilespmem:$0x14000] =	vst v63  }
.LBB2_10:
0x32: {  	p0 =	seq.s32 s26, $0x0  }
0x33: {  	s7 =	simm.s32 @!p0 $0x4  }
0x34: {  	_ =	swait.ge @!p0 [sflag:s7], $0x2000  }
0x35: {  	[sflag:s7] =	ssyncset.done @!p0 $0x0  }
0x36: {  	[sflag:s7] =	ssyncadd.s32 @!p0 $0xFFFFE000  }
0x37: {  	_ =	swait.ge @!p0 [sflag:s7], $0x2000  }
0x38: {  	[sflag:s7] =	ssyncset.done @!p0 $0x0  }
0x39: {  	[sflag:s7] =	ssyncadd.s32 @!p0 $0xFFFFE000  }
0x3a: {  	_ =	swait.ge @!p0 [sflag:s7], $0x2000  }
0x3b: {  	s0 =	sshll.u32 s26, $0x4;
	[sflag:s7] =	ssyncset.done @!p0 $0x0  }
0x3c: {  	s2 =	sor.u32 s0, s6;
	[sflag:s7] =	ssyncadd.s32 @!p0 $0xFFFFE000  }
0x3d: {  	s9 =	simm.s32 $0x0;
	s2 =	sshll.u32 s2, $0x7;
	_ =	swait.ge @!p0 [sflag:s7], $0x2000  }
0x3e: {  	s19 =	simm.s32 $0x10;
	s28 =	sor.u32 $0x400, s2;
	[sflag:s7] =	ssyncset.done @!p0 $0x0  }
0x3f: {  	s31 =	sadd.s32 s4, s28;
	[sflag:s7] =	ssyncadd.s32 @!p0 $0xFFFFE000;
	s7 =	sadd.s32 s1, s28  }
0x40: {  	[tilespmem:s20], [sflag:$0x2] =	stream.linear.gather [hbm4b:s31+s9], $0x2000, $0x38;
	[tilespmem:$0x14000] =	vst v63  }
0x41: {  	s24 =	simm.s32 $0xC200;
	s9 =	simm.s32 $0xC000;
	s25 =	sadd.s32 $0x0, s7  }
.LBB2_11:
0x42: {  	[tilespmem:s9], [sflag:$0x2] =	stream.linear.gather [hbm4b:s25+s3], $0x80, $0x38;
	[tilespmem:$0x14000] =	vst v63  }
0x43: {  	s25 =	smov.u32 s19;
	s9 =	smov.u32 s24;
	p0 =	sne.s32 s19, $0x3F0  }
.Ltmp4:
0x44: {  	s19 =	sadd.s32 $0x10, s19;
	(pc) =	sbr.rel @p0 .LBB2_11-.Ltmp4, $2  }
0x45: {  	_ =	sdelay $0x2  }
0x46: {  	s24 =	sadd.s32 $0x200, s24;
	s25 =	sadd.s32 s25, s7  }
0x47: {  	[tilespmem:s9], [sflag:$0x2] =	stream.linear.gather [hbm4b:s25+s3], $0x80, $0x38;
	[tilespmem:$0x14000] =	vst v63  }
0x48: {  	s29 =	sor.u32 $0x100400, s2  }
0x49: {  	s9 =	simm.s32 $0xC080;
	s7 =	sadd.s32 s1, s29  }
0x4a: {  	s19 =	simm.s32 $0x10;
	s24 =	simm.s32 $0xC280;
	s25 =	sadd.s32 $0x0, s7  }
.LBB2_13:
0x4b: {  	[tilespmem:s9], [sflag:$0x2] =	stream.linear.gather [hbm4b:s25+s3], $0x80, $0x38;
	[tilespmem:$0x14000] =	vst v63  }
0x4c: {  	s25 =	smov.u32 s19;
	s9 =	smov.u32 s24;
	p0 =	sne.s32 s19, $0x3F0  }
.Ltmp5:
0x4d: {  	s19 =	sadd.s32 $0x10, s19;
	(pc) =	sbr.rel @p0 .LBB2_13-.Ltmp5, $2  }
0x4e: {  	_ =	sdelay $0x2  }
0x4f: {  	s24 =	sadd.s32 $0x200, s24;
	s25 =	sadd.s32 s25, s7  }
0x50: {  	[tilespmem:s9], [sflag:$0x2] =	stream.linear.gather [hbm4b:s25+s3], $0x80, $0x38;
	[tilespmem:$0x14000] =	vst v63  }
0x51: {  	s30 =	sor.u32 $0x200400, s2  }
0x52: {  	s9 =	simm.s32 $0xC100;
	s7 =	sadd.s32 s1, s30  }
0x53: {  	s19 =	simm.s32 $0x10;
	s24 =	simm.s32 $0xC300;
	s25 =	sadd.s32 $0x0, s7  }
.LBB2_15:
0x54: {  	[tilespmem:s9], [sflag:$0x2] =	stream.linear.gather [hbm4b:s25+s3], $0x80, $0x38;
	[tilespmem:$0x14000] =	vst v63  }
0x55: {  	s25 =	smov.u32 s19;
	s9 =	smov.u32 s24;
	p0 =	sne.s32 s19, $0x3F0  }
.Ltmp6:
0x56: {  	s19 =	sadd.s32 $0x10, s19;
	(pc) =	sbr.rel @p0 .LBB2_15-.Ltmp6, $2  }
0x57: {  	_ =	sdelay $0x2  }
0x58: {  	s24 =	sadd.s32 $0x200, s24;
	s25 =	sadd.s32 s25, s7  }
0x59: {  	[tilespmem:s9], [sflag:$0x2] =	stream.linear.gather [hbm4b:s25+s3], $0x80, $0x38;
	[tilespmem:$0x14000] =	vst v63  }
0x5a: {  	s31 =	sor.u32 $0x300400, s2  }
0x5b: {  	s9 =	simm.s32 $0xC180;
	s7 =	sadd.s32 s1, s31  }
0x5c: {  	s19 =	simm.s32 $0x10;
	s24 =	simm.s32 $0xC380;
	s25 =	sadd.s32 $0x0, s7  }
.LBB2_17:
0x5d: {  	[tilespmem:s9], [sflag:$0x2] =	stream.linear.gather [hbm4b:s25+s3], $0x80, $0x38;
	[tilespmem:$0x14000] =	vst v63  }
0x5e: {  	s25 =	smov.u32 s19;
	s9 =	smov.u32 s24;
	p0 =	sne.s32 s19, $0x3F0  }
.Ltmp7:
0x5f: {  	s19 =	sadd.s32 $0x10, s19;
	(pc) =	sbr.rel @p0 .LBB2_17-.Ltmp7, $2  }
0x60: {  	_ =	sdelay $0x2  }
0x61: {  	s24 =	sadd.s32 $0x200, s24;
	s25 =	sadd.s32 s25, s7  }
0x62: {  	[tilespmem:s9], [sflag:$0x2] =	stream.linear.gather [hbm4b:s25+s3], $0x80, $0x38;
	[tilespmem:$0x14000] =	vst v63  }
0x63: {  	_ =	swait.ge [sflag:s21], $0x2000  }
0x64: {  	[sflag:s21] =	ssyncset.done $0x0  }
0x65: {  	[sflag:s21] =	ssyncadd.s32 $0xFFFFE000  }
0x66: {  	_ =	swait.ge [sflag:s21], $0x2000  }
0x67: {  	[sflag:s21] =	ssyncset.done $0x0  }
0x68: {  	[sflag:s21] =	ssyncadd.s32 $0xFFFFE000  }
0x69: {  	_ =	swait.ge [sflag:s21], $0x2000  }
0x6a: {  	[sflag:s21] =	ssyncset.done $0x0  }
0x6b: {  	[sflag:s21] =	ssyncadd.s32 $0xFFFFE000  }
0x6c: {  	_ =	swait.ge [sflag:s21], $0x2000  }
0x6d: {  	[sflag:s21] =	ssyncset.done $0x0  }
0x6e: {  	[sflag:s21] =	ssyncadd.s32 $0xFFFFE000  }
0x6f: {  	_ =	swait.ge [sflag:s21], $0x2000  }
0x70: {  	[sflag:s21] =	ssyncset.done $0x0  }
0x71: {  	s7 =	simm.s32 $0x4100;
	[sflag:s21] =	ssyncadd.s32 $0xFFFFE000  }
0x72: {  	s19 =	simm.s32 $0x40;
	v0 =	vld [tilespmem:s7+$0xFFFFFF80]  }
0x73: {  	v1 =	vld [tilespmem:s19+$0xFFFFFFC0]  }
0x74: {  	v2 =	vld [tilespmem:s7+$0x0]  }
0x75: {  	v3 =	vld [tilespmem:s7+$0xFFFFFF00]  }
0x76: {  	v4 =	vld [tilespmem:s7+$0x80];
	_ =	sdelay $0x1  }
0x77: {  	v0 =	vadd.f32 v0, v1  }
0x78: {  	v2 =	vadd.f32 v2, v1  }
0x79: {  	v3 =	vadd.f32 v3, v1;
	[tilespmem:s7+$0xFFFFFF80] =	vst v0  }
0x7a: {  	v0 =	vadd.f32 v4, v1;
	[tilespmem:s7+$0x0] =	vst v2  }
0x7b: {  	[tilespmem:s7+$0xFFFFFF00] =	vst v3  }
0x7c: {  	v2 =	vld [tilespmem:s7+$0xFFFFFF90];
	[tilespmem:s7+$0x80] =	vst v0  }
0x7d: {  	v0 =	vld [tilespmem:s19+$0xFFFFFFD0]  }
0x7e: {  	v3 =	vld [tilespmem:s7+$0x10]  }
0x7f: {  	v59 =	vld [tilespmem:s7+$0xFFFFFF10]  }
0x80: {  	v1 =	vld [tilespmem:s7+$0x90];
	_ =	sdelay $0x1  }
0x81: {  	v2 =	vadd.f32 v2, v0  }
0x82: {  	v3 =	vadd.f32 v3, v0  }
0x83: {  	v4 =	vadd.f32 v59, v0;
	[tilespmem:s7+$0xFFFFFF90] =	vst v2  }
0x84: {  	v0 =	vadd.f32 v1, v0;
	[tilespmem:s7+$0x10] =	vst v3  }
0x85: {  	[tilespmem:s7+$0xFFFFFF10] =	vst v4  }
0x86: {  	v2 =	vld [tilespmem:s7+$0xFFFFFFA0];
	[tilespmem:s7+$0x90] =	vst v0  }
0x87: {  	v0 =	vld [tilespmem:s19+$0xFFFFFFE0]  }
0x88: {  	v3 =	vld [tilespmem:s7+$0xFFFFFF20]  }
0x89: {  	v60 =	vld [tilespmem:s7+$0x20]  }
0x8a: {  	v1 =	vld [tilespmem:s7+$0xA0];
	_ =	sdelay $0x1  }
0x8b: {  	v2 =	vadd.f32 v2, v0  }
0x8c: {  	v3 =	vadd.f32 v3, v0  }
0x8d: {  	v4 =	vadd.f32 v60, v0;
	[tilespmem:s7+$0xFFFFFFA0] =	vst v2  }
0x8e: {  	v0 =	vadd.f32 v1, v0;
	[tilespmem:s7+$0xFFFFFF20] =	vst v3  }
0x8f: {  	[tilespmem:s7+$0x20] =	vst v4  }
0x90: {  	[tilespmem:s7+$0xA0] =	vst v0;
	v0 =	vld [tilespmem:s7+$0xFFFFFF30]  }
0x91: {  	v2 =	vld [tilespmem:s19+$0xFFFFFFF0]  }
0x92: {  	v3 =	vld [tilespmem:s7+$0xFFFFFFB0]  }
0x93: {  	v1 =	vld [tilespmem:s7+$0xB0]  }
0x94: {  	v61 =	vld [tilespmem:s7+$0x30];
	_ =	sdelay $0x1  }
0x95: {  	v0 =	vadd.f32 v0, v2  }
0x96: {  	v3 =	vadd.f32 v3, v2  }
0x97: {  	v1 =	vadd.f32 v1, v2;
	[tilespmem:s7+$0xFFFFFF30] =	vst v0  }
0x98: {  	v0 =	vadd.f32 v61, v2;
	[tilespmem:s7+$0xFFFFFFB0] =	vst v3  }
0x99: {  	[tilespmem:s7+$0xB0] =	vst v1  }
0x9a: {  	[tilespmem:s7+$0x30] =	vst v0;
	v0 =	vld [tilespmem:s7+$0xFFFFFF40]  }
0x9b: {  	v1 =	vld [tilespmem:s19+$0x0]  }
0x9c: {  	v3 =	vld [tilespmem:s7+$0xFFFFFFC0]  }
0x9d: {  	v62 =	vld [tilespmem:s7+$0x40]  }
0x9e: {  	v2 =	vld [tilespmem:s7+$0xC0];
	_ =	sdelay $0x1  }
0x9f: {  	v0 =	vadd.f32 v0, v1  }
0xa0: {  	v3 =	vadd.f32 v3, v1  }
0xa1: {  	v4 =	vadd.f32 v62, v1;
	[tilespmem:s7+$0xFFFFFF40] =	vst v0  }
0xa2: {  	v0 =	vadd.f32 v2, v1;
	[tilespmem:s7+$0xFFFFFFC0] =	vst v3  }
0xa3: {  	[tilespmem:s7+$0x40] =	vst v4  }
0xa4: {  	v1 =	vld [tilespmem:s7+$0x50];
	[tilespmem:s7+$0xC0] =	vst v0  }
0xa5: {  	v0 =	vld [tilespmem:s19+$0x10]  }
0xa6: {  	v2 =	vld [tilespmem:s7+$0xFFFFFF50]  }
0xa7: {  	v3 =	vld [tilespmem:s7+$0xFFFFFFD0]  }
0xa8: {  	v63 =	vld [tilespmem:s7+$0xD0];
	_ =	sdelay $0x1  }
0xa9: {  	v1 =	vadd.f32 v1, v0  }
0xaa: {  	v5 =	vadd.f32 v2, v0  }
0xab: {  	v2 =	vadd.f32 v3, v0;
	[tilespmem:s7+$0x50] =	vst v1  }
0xac: {  	s25 =	simm.s32 $0x0;
	s9 =	simm.s32 $0x4100;
	s24 =	simm.s32 $0x40;
	v1 =	vadd.f32 v63, v0;
	[tilespmem:s7+$0xFFFFFF50] =	vst v5;
	v0 =	vld [tilespmem:s7+$0x60]  }
.LBB2_19:
0xad: {  	s25 =	sadd.s32 $0x8, s25;
	[tilespmem:s7+$0xFFFFFFD0] =	vst v2;
	v2 =	vld [tilespmem:s7+$0xFFFFFF60];
	s19 =	sadd.s32 $0x80, s19;
	s9 =	sadd.s32 $0x200, s9  }
0xae: {  	p0 =	slt.u32 s25, $0x1F8;
	[tilespmem:s7+$0xD0] =	vst v1;
	v1 =	vld [tilespmem:s7+$0xFFFFFFE0]  }
0xaf: {  	v3 =	vld [tilespmem:s24+$0x20]  }
0xb0: {  	v4 =	vld [tilespmem:s7+$0xE0];
	_ =	sdelay $0x3  }
0xb1: {  	v2 =	vadd.f32 v2, v3;
	v1 =	vadd.f32 v1, v3  }
0xb2: {  	v0 =	vadd.f32 v0, v3;
	v3 =	vadd.f32 v4, v3  }
0xb3: {  	[tilespmem:s7+$0xFFFFFF60] =	vst v2  }
0xb4: {  	[tilespmem:s7+$0x60] =	vst v0;
	v0 =	vld [tilespmem:s7+$0xFFFFFFF0]  }
0xb5: {  	[tilespmem:s7+$0xE0] =	vst v3;
	v2 =	vld [tilespmem:s7+$0xFFFFFF70]  }
0xb6: {  	[tilespmem:s7+$0xFFFFFFE0] =	vst v1;
	v1 =	vld [tilespmem:s7+$0xF0]  }
0xb7: {  	v3 =	vld [tilespmem:s24+$0x30];
	s24 =	smov.u32 s19  }
0xb8: {  	v4 =	vld [tilespmem:s7+$0x70];
	_ =	sdelay $0x3  }
0xb9: {  	v2 =	vadd.f32 v2, v3;
	v0 =	vadd.f32 v0, v3  }
0xba: {  	v1 =	vadd.f32 v1, v3;
	v4 =	vadd.f32 v4, v3  }
0xbb: {  	[tilespmem:s7+$0xFFFFFF70] =	vst v2  }
0xbc: {  	v2 =	vld [tilespmem:s9+$0x80];
	[tilespmem:s7+$0xFFFFFFF0] =	vst v0  }
0xbd: {  	v0 =	vld [tilespmem:s9+$0x0];
	[tilespmem:s7+$0xF0] =	vst v1  }
0xbe: {  	v1 =	vld [tilespmem:s9+$0xFFFFFF80];
	[tilespmem:s7+$0x70] =	vst v4;
	s7 =	smov.u32 s9  }
0xbf: {  	v3 =	vld [tilespmem:s19+$0xFFFFFFC0]  }
0xc0: {  	v4 =	vld [tilespmem:s9+$0xFFFFFF00];
	_ =	sdelay $0x3  }
0xc1: {  	v1 =	vadd.f32 v1, v3;
	v0 =	vadd.f32 v0, v3  }
0xc2: {  	v2 =	vadd.f32 v2, v3;
	v4 =	vadd.f32 v4, v3  }
0xc3: {  	[tilespmem:s9+$0xFFFFFF80] =	vst v1  }
0xc4: {  	[tilespmem:s9+$0x0] =	vst v0;
	v0 =	vld [tilespmem:s9+$0x90]  }
0xc5: {  	[tilespmem:s9+$0xFFFFFF00] =	vst v4;
	v1 =	vld [tilespmem:s9+$0xFFFFFF90]  }
0xc6: {  	[tilespmem:s9+$0x80] =	vst v2;
	v2 =	vld [tilespmem:s9+$0xFFFFFF10]  }
0xc7: {  	v3 =	vld [tilespmem:s19+$0xFFFFFFD0]  }
0xc8: {  	v4 =	vld [tilespmem:s9+$0x10];
	_ =	sdelay $0x3  }
0xc9: {  	v2 =	vadd.f32 v2, v3;
	v1 =	vadd.f32 v1, v3  }
0xca: {  	v0 =	vadd.f32 v0, v3;
	v4 =	vadd.f32 v4, v3  }
0xcb: {  	[tilespmem:s9+$0xFFFFFF90] =	vst v1  }
0xcc: {  	[tilespmem:s9+$0x10] =	vst v4;
	v1 =	vld [tilespmem:s9+$0xA0]  }
0xcd: {  	[tilespmem:s9+$0xFFFFFF10] =	vst v2;
	v2 =	vld [tilespmem:s9+$0xFFFFFFA0]  }
0xce: {  	[tilespmem:s9+$0x90] =	vst v0;
	v0 =	vld [tilespmem:s9+$0xFFFFFF20]  }
0xcf: {  	v3 =	vld [tilespmem:s19+$0xFFFFFFE0]  }
0xd0: {  	v4 =	vld [tilespmem:s9+$0x20];
	_ =	sdelay $0x3  }
0xd1: {  	v0 =	vadd.f32 v0, v3;
	v2 =	vadd.f32 v2, v3  }
0xd2: {  	v1 =	vadd.f32 v1, v3;
	v4 =	vadd.f32 v4, v3  }
0xd3: {  	[tilespmem:s9+$0xFFFFFFA0] =	vst v2  }
0xd4: {  	[tilespmem:s9+$0xFFFFFF20] =	vst v0;
	v0 =	vld [tilespmem:s9+$0xB0]  }
0xd5: {  	[tilespmem:s9+$0x20] =	vst v4;
	v2 =	vld [tilespmem:s9+$0xFFFFFFB0]  }
0xd6: {  	[tilespmem:s9+$0xA0] =	vst v1;
	v1 =	vld [tilespmem:s9+$0xFFFFFF30]  }
0xd7: {  	v3 =	vld [tilespmem:s19+$0xFFFFFFF0]  }
0xd8: {  	v4 =	vld [tilespmem:s9+$0x30];
	_ =	sdelay $0x3  }
0xd9: {  	v1 =	vadd.f32 v1, v3;
	v2 =	vadd.f32 v2, v3  }
0xda: {  	v0 =	vadd.f32 v0, v3;
	v4 =	vadd.f32 v4, v3  }
0xdb: {  	[tilespmem:s9+$0xFFFFFF30] =	vst v1  }
0xdc: {  	[tilespmem:s9+$0xFFFFFFB0] =	vst v2;
	v1 =	vld [tilespmem:s9+$0xC0]  }
0xdd: {  	[tilespmem:s9+$0xB0] =	vst v0;
	v0 =	vld [tilespmem:s9+$0xFFFFFFC0]  }
0xde: {  	[tilespmem:s9+$0x30] =	vst v4;
	v2 =	vld [tilespmem:s9+$0xFFFFFF40]  }
0xdf: {  	v3 =	vld [tilespmem:s19+$0x0]  }
0xe0: {  	v4 =	vld [tilespmem:s9+$0x40];
	_ =	sdelay $0x3  }
0xe1: {  	v2 =	vadd.f32 v2, v3;
	v0 =	vadd.f32 v0, v3  }
0xe2: {  	v1 =	vadd.f32 v1, v3;
	v4 =	vadd.f32 v4, v3  }
0xe3: {  	[tilespmem:s9+$0xFFFFFF40] =	vst v2  }
0xe4: {  	[tilespmem:s9+$0xFFFFFFC0] =	vst v0;
	v0 =	vld [tilespmem:s9+$0x50]  }
0xe5: {  	[tilespmem:s9+$0x40] =	vst v4;
	v2 =	vld [tilespmem:s9+$0xFFFFFF50]  }
0xe6: {  	[tilespmem:s9+$0xC0] =	vst v1;
	v1 =	vld [tilespmem:s9+$0xFFFFFFD0]  }
0xe7: {  	v3 =	vld [tilespmem:s19+$0x10]  }
0xe8: {  	v4 =	vld [tilespmem:s9+$0xD0];
	_ =	sdelay $0x2  }
.Ltmp8:
0xe9: {  	(pc) =	sbr.rel @p0 .LBB2_19-.Ltmp8, $4  }
0xea: {  	v5 =	vadd.f32 v2, v3;
	v2 =	vadd.f32 v1, v3  }
0xeb: {  	v0 =	vadd.f32 v0, v3;
	v1 =	vadd.f32 v4, v3  }
0xec: {  	[tilespmem:s9+$0xFFFFFF50] =	vst v5  }
0xed: {  	[tilespmem:s9+$0x50] =	vst v0;
	v0 =	vld [tilespmem:s9+$0x60]  }
0xee: {  	[tilespmem:s7+$0xFFFFFFD0] =	vst v2  }
0xef: {  	v59 =	vld [tilespmem:s7+$0xFFFFFF60];
	[tilespmem:s7+$0xD0] =	vst v1  }
0xf0: {  	v1 =	vld [tilespmem:s24+$0x20];
	_ =	sdelay $0x1  }
0xf1: {  	v3 =	vld [tilespmem:s7+$0xE0]  }
0xf2: {  	v4 =	vld [tilespmem:s7+$0xFFFFFFE0];
	_ =	sdelay $0x1  }
0xf3: {  	v2 =	vadd.f32 v59, v1  }
0xf4: {  	v0 =	vadd.f32 v0, v1  }
0xf5: {  	v3 =	vadd.f32 v3, v1;
	[tilespmem:s7+$0xFFFFFF60] =	vst v2  }
0xf6: {  	v1 =	vadd.f32 v4, v1;
	[tilespmem:s7+$0x60] =	vst v0  }
0xf7: {  	[tilespmem:s7+$0xE0] =	vst v3  }
0xf8: {  	v61 =	vld [tilespmem:s7+$0xFFFFFF70];
	[tilespmem:s7+$0xFFFFFFE0] =	vst v1  }
0xf9: {  	v1 =	vld [tilespmem:s24+$0x30]  }
0xfa: {  	v60 =	vld [tilespmem:s7+$0xFFFFFFF0]  }
0xfb: {  	v62 =	vld [tilespmem:s7+$0xF0]  }
0xfc: {  	v63 =	vld [tilespmem:s7+$0x70];
	_ =	sdelay $0x1  }
0xfd: {  	v2 =	vadd.f32 v61, v1  }
0xfe: {  	v0 =	vadd.f32 v60, v1  }
0xff: {  	v3 =	vadd.f32 v62, v1;
	[tilespmem:s7+$0xFFFFFF70] =	vst v2  }
0x100: {  	v1 =	vadd.f32 v63, v1;
	[tilespmem:s7+$0xFFFFFFF0] =	vst v0  }
0x101: {  	s9 =	sadd.s32 s5, s2;
	s19 =	simm.s32 $0x4000;
	[tilespmem:s7+$0xF0] =	vst v3  }
0x102: {  	s25 =	sadd.s32 $0x0, s9;
	s24 =	simm.s32 $0x4200;
	[tilespmem:s7+$0x70] =	vst v1;
	s7 =	simm.s32 $0x10  }
.LBB2_21:
0x103: {  	[hbm4b:s25+s3] =	stream.linear.scatter [tilespmem:s19], [sflag:$0x3], $0x80, $0x38;
	[tilespmem:$0x14000] =	vst v63  }
0x104: {  	s25 =	smov.u32 s7;
	s19 =	smov.u32 s24;
	p0 =	sne.s32 s7, $0x3F0  }
.Ltmp9:
0x105: {  	s7 =	sadd.s32 $0x10, s7;
	(pc) =	sbr.rel @p0 .LBB2_21-.Ltmp9, $2  }
0x106: {  	_ =	sdelay $0x2  }
0x107: {  	s24 =	sadd.s32 $0x200, s24;
	s25 =	sadd.s32 s25, s9  }
0x108: {  	[hbm4b:s25+s3] =	stream.linear.scatter [tilespmem:s19], [sflag:$0x3], $0x80, $0x38;
	[tilespmem:$0x14000] =	vst v63  }
0x109: {  	s7 =	sadd.s32 s2, s15;
	s9 =	simm.s32 $0x4080  }
0x10a: {  	s19 =	simm.s32 $0x10;
	s24 =	simm.s32 $0x4280;
	s25 =	sadd.s32 $0x0, s7  }
.LBB2_23:
0x10b: {  	[hbm4b:s25+s3] =	stream.linear.scatter [tilespmem:s9], [sflag:$0x3], $0x80, $0x38;
	[tilespmem:$0x14000] =	vst v63  }
0x10c: {  	s25 =	smov.u32 s19;
	s9 =	smov.u32 s24;
	p0 =	sne.s32 s19, $0x3F0  }
.Ltmp10:
0x10d: {  	s19 =	sadd.s32 $0x10, s19;
	(pc) =	sbr.rel @p0 .LBB2_23-.Ltmp10, $2  }
0x10e: {  	_ =	sdelay $0x2  }
0x10f: {  	s24 =	sadd.s32 $0x200, s24;
	s25 =	sadd.s32 s25, s7  }
0x110: {  	[hbm4b:s25+s3] =	stream.linear.scatter [tilespmem:s9], [sflag:$0x3], $0x80, $0x38;
	[tilespmem:$0x14000] =	vst v63  }
0x111: {  	s7 =	sadd.s32 s2, s16;
	s9 =	simm.s32 $0x4100  }
0x112: {  	s19 =	simm.s32 $0x10;
	s24 =	simm.s32 $0x4300;
	s25 =	sadd.s32 $0x0, s7  }
.LBB2_25:
0x113: {  	[hbm4b:s25+s3] =	stream.linear.scatter [tilespmem:s9], [sflag:$0x3], $0x80, $0x38;
	[tilespmem:$0x14000] =	vst v63  }
0x114: {  	s25 =	smov.u32 s19;
	s9 =	smov.u32 s24;
	p0 =	sne.s32 s19, $0x3F0  }
.Ltmp11:
0x115: {  	s19 =	sadd.s32 $0x10, s19;
	(pc) =	sbr.rel @p0 .LBB2_25-.Ltmp11, $2  }
0x116: {  	_ =	sdelay $0x2  }
0x117: {  	s24 =	sadd.s32 $0x200, s24;
	s25 =	sadd.s32 s25, s7  }
0x118: {  	[hbm4b:s25+s3] =	stream.linear.scatter [tilespmem:s9], [sflag:$0x3], $0x80, $0x38;
	[tilespmem:$0x14000] =	vst v63  }
0x119: {  	s2 =	sadd.s32 s2, s17;
	s7 =	simm.s32 $0x4180  }
0x11a: {  	s9 =	simm.s32 $0x10;
	s19 =	simm.s32 $0x4380;
	s24 =	sadd.s32 $0x0, s2  }
.LBB2_27:
0x11b: {  	[hbm4b:s24+s3] =	stream.linear.scatter [tilespmem:s7], [sflag:$0x3], $0x80, $0x38;
	[tilespmem:$0x14000] =	vst v63  }
0x11c: {  	s24 =	smov.u32 s9;
	s7 =	smov.u32 s19;
	p0 =	sne.s32 s9, $0x3F0  }
.Ltmp12:
0x11d: {  	s9 =	sadd.s32 $0x10, s9;
	(pc) =	sbr.rel @p0 .LBB2_27-.Ltmp12, $2  }
0x11e: {  	_ =	sdelay $0x2  }
0x11f: {  	s19 =	sadd.s32 $0x200, s19;
	s24 =	sadd.s32 s24, s2  }
0x120: {  	[hbm4b:s24+s3] =	stream.linear.scatter [tilespmem:s7], [sflag:$0x3], $0x80, $0x38;
	[tilespmem:$0x14000] =	vst v63  }
0x121: {  	_ =	swait.ge [sflag:s22], $0x2000  }
0x122: {  	[sflag:s22] =	ssyncset.done $0x0  }
0x123: {  	[sflag:s22] =	ssyncadd.s32 $0xFFFFE000  }
0x124: {  	_ =	swait.ge [sflag:s22], $0x2000  }
0x125: {  	[sflag:s22] =	ssyncset.done $0x0  }
0x126: {  	[sflag:s22] =	ssyncadd.s32 $0xFFFFE000  }
0x127: {  	_ =	swait.ge [sflag:s22], $0x2000  }
0x128: {  	[sflag:s22] =	ssyncset.done $0x0  }
0x129: {  	[sflag:s22] =	ssyncadd.s32 $0xFFFFE000  }
0x12a: {  	p0 =	seq.s32 s26, $0xF;
	_ =	swait.ge [sflag:s22], $0x2000  }
.Ltmp13:
0x12b: {  	[sflag:s22] =	ssyncset.done $0x0;
	(pc) =	sbr.rel @p0 .LBB2_38-.Ltmp13, $4  }
0x12c: {  	[sflag:s22] =	ssyncadd.s32 $0xFFFFE000  }
0x12d: {  	_ =	swait.ge [sflag:s22], $0x2000  }
0x12e: {  	[sflag:s22] =	ssyncset.done $0x0  }
0x12f: {  	[sflag:s22] =	ssyncadd.s32 $0xFFFFE000  }
0x130: {  	_ =	swait.ge [sflag:s23], $0x2000  }
0x131: {  	[sflag:s23] =	ssyncset.done $0x0  }
0x132: {  	[sflag:s23] =	ssyncadd.s32 $0xFFFFE000  }
0x133: {  	_ =	swait.ge [sflag:s23], $0x2000  }
0x134: {  	[sflag:s23] =	ssyncset.done $0x0  }
0x135: {  	[sflag:s23] =	ssyncadd.s32 $0xFFFFE000  }
0x136: {  	_ =	swait.ge [sflag:s23], $0x2000  }
0x137: {  	[sflag:s23] =	ssyncset.done $0x0;
	s2 =	rddreg [dreg:$0x4]  }
0x138: {  	[sflag:s23] =	ssyncadd.s32 $0xFFFFE000;
	s0 =	sadd.s32 s0, s2  }
0x139: {  	s9 =	simm.s32 $0x0;
	_ =	swait.ge [sflag:s23], $0x2000;
	s0 =	sshll.u32 s0, $0x7  }
0x13a: {  	s19 =	simm.s32 $0x4200;
	[sflag:s23] =	ssyncset.done $0x0;
	s25 =	sand.u32 $0x1FFFF800, s0  }
0x13b: {  	[sflag:s23] =	ssyncadd.s32 $0xFFFFE000;
	s7 =	sadd.s32 s4, s25;
	s2 =	sadd.s32 s1, s25  }
0x13c: {  	[tilespmem:s9], [sflag:$0x1] =	stream.linear.gather [hbm4b:s7+s9], $0x2000, $0x38;
	[tilespmem:$0x14000] =	vst v63  }
0x13d: {  	s7 =	simm.s32 $0x4000;
	s9 =	simm.s32 $0x10;
	s24 =	sadd.s32 $0x0, s2  }
.LBB2_30:
0x13e: {  	[tilespmem:s7], [sflag:$0x1] =	stream.linear.gather [hbm4b:s24+s3], $0x80, $0x38;
	[tilespmem:$0x14000] =	vst v63  }
0x13f: {  	s24 =	smov.u32 s9;
	s7 =	smov.u32 s19;
	p0 =	sne.s32 s9, $0x3F0  }
.Ltmp14:
0x140: {  	s9 =	sadd.s32 $0x10, s9;
	(pc) =	sbr.rel @p0 .LBB2_30-.Ltmp14, $2  }
0x141: {  	_ =	sdelay $0x2  }
0x142: {  	s19 =	sadd.s32 $0x200, s19;
	s24 =	sadd.s32 s24, s2  }
0x143: {  	[tilespmem:s7], [sflag:$0x1] =	stream.linear.gather [hbm4b:s24+s3], $0x80, $0x38;
	[tilespmem:$0x14000] =	vst v63  }
0x144: {  	s2 =	sadd.s32 s0, s10;
	s7 =	simm.s32 $0x4080  }
0x145: {  	s9 =	simm.s32 $0x10;
	s19 =	simm.s32 $0x4280;
	s24 =	sadd.s32 $0x0, s2  }
.LBB2_32:
0x146: {  	[tilespmem:s7], [sflag:$0x1] =	stream.linear.gather [hbm4b:s24+s3], $0x80, $0x38;
	[tilespmem:$0x14000] =	vst v63  }
0x147: {  	s24 =	smov.u32 s9;
	s7 =	smov.u32 s19;
	p0 =	sne.s32 s9, $0x3F0  }
.Ltmp15:
0x148: {  	s9 =	sadd.s32 $0x10, s9;
	(pc) =	sbr.rel @p0 .LBB2_32-.Ltmp15, $2  }
0x149: {  	_ =	sdelay $0x2  }
0x14a: {  	s19 =	sadd.s32 $0x200, s19;
	s24 =	sadd.s32 s24, s2  }
0x14b: {  	[tilespmem:s7], [sflag:$0x1] =	stream.linear.gather [hbm4b:s24+s3], $0x80, $0x38;
	[tilespmem:$0x14000] =	vst v63  }
0x14c: {  	s2 =	sadd.s32 s0, s13;
	s7 =	simm.s32 $0x4100  }
0x14d: {  	s9 =	simm.s32 $0x10;
	s19 =	simm.s32 $0x4300;
	s24 =	sadd.s32 $0x0, s2  }
.LBB2_34:
0x14e: {  	[tilespmem:s7], [sflag:$0x1] =	stream.linear.gather [hbm4b:s24+s3], $0x80, $0x38;
	[tilespmem:$0x14000] =	vst v63  }
0x14f: {  	s24 =	smov.u32 s9;
	s7 =	smov.u32 s19;
	p0 =	sne.s32 s9, $0x3F0  }
.Ltmp16:
0x150: {  	s9 =	sadd.s32 $0x10, s9;
	(pc) =	sbr.rel @p0 .LBB2_34-.Ltmp16, $2  }
0x151: {  	_ =	sdelay $0x2  }
0x152: {  	s19 =	sadd.s32 $0x200, s19;
	s24 =	sadd.s32 s24, s2  }
0x153: {  	[tilespmem:s7], [sflag:$0x1] =	stream.linear.gather [hbm4b:s24+s3], $0x80, $0x38;
	[tilespmem:$0x14000] =	vst v63  }
0x154: {  	s0 =	sadd.s32 s0, s18;
	s2 =	simm.s32 $0x4180  }
0x155: {  	s7 =	simm.s32 $0x10;
	s9 =	simm.s32 $0x4380;
	s19 =	sadd.s32 $0x0, s0  }
.LBB2_36:
0x156: {  	[tilespmem:s2], [sflag:$0x1] =	stream.linear.gather [hbm4b:s19+s3], $0x80, $0x38;
	[tilespmem:$0x14000] =	vst v63  }
0x157: {  	s19 =	smov.u32 s7;
	s2 =	smov.u32 s9;
	p0 =	sne.s32 s7, $0x3F0  }
.Ltmp17:
0x158: {  	s7 =	sadd.s32 $0x10, s7;
	(pc) =	sbr.rel @p0 .LBB2_36-.Ltmp17, $2  }
0x159: {  	_ =	sdelay $0x2  }
0x15a: {  	s9 =	sadd.s32 $0x200, s9;
	s19 =	sadd.s32 s19, s0  }
0x15b: {  	[tilespmem:s2], [sflag:$0x1] =	stream.linear.gather [hbm4b:s19+s3], $0x80, $0x38;
	[tilespmem:$0x14000] =	vst v63  }
.LBB2_38:
0x15c: {  	s0 =	simm.s32 $0xC100  }
0x15d: {  	s2 =	simm.s32 $0x2040;
	v0 =	vld [tilespmem:s0+$0xFFFFFF80]  }
0x15e: {  	v1 =	vld [tilespmem:s2+$0xFFFFFFC0]  }
0x15f: {  	v2 =	vld [tilespmem:s0+$0x0]  }
0x160: {  	v3 =	vld [tilespmem:s0+$0xFFFFFF00]  }
0x161: {  	v4 =	vld [tilespmem:s0+$0x80];
	_ =	sdelay $0x1  }
0x162: {  	v0 =	vadd.f32 v0, v1  }
0x163: {  	v2 =	vadd.f32 v2, v1  }
0x164: {  	v3 =	vadd.f32 v3, v1;
	[tilespmem:s0+$0xFFFFFF80] =	vst v0  }
0x165: {  	v0 =	vadd.f32 v4, v1;
	[tilespmem:s0+$0x0] =	vst v2  }
0x166: {  	[tilespmem:s0+$0xFFFFFF00] =	vst v3  }
0x167: {  	v2 =	vld [tilespmem:s0+$0xFFFFFF90];
	[tilespmem:s0+$0x80] =	vst v0  }
0x168: {  	v0 =	vld [tilespmem:s2+$0xFFFFFFD0]  }
0x169: {  	v3 =	vld [tilespmem:s0+$0x10]  }
0x16a: {  	v59 =	vld [tilespmem:s0+$0xFFFFFF10]  }
0x16b: {  	v1 =	vld [tilespmem:s0+$0x90];
	_ =	sdelay $0x1  }
0x16c: {  	v2 =	vadd.f32 v2, v0  }
0x16d: {  	v3 =	vadd.f32 v3, v0  }
0x16e: {  	v4 =	vadd.f32 v59, v0;
	[tilespmem:s0+$0xFFFFFF90] =	vst v2  }
0x16f: {  	v0 =	vadd.f32 v1, v0;
	[tilespmem:s0+$0x10] =	vst v3  }
0x170: {  	[tilespmem:s0+$0xFFFFFF10] =	vst v4  }
0x171: {  	v2 =	vld [tilespmem:s0+$0xFFFFFFA0];
	[tilespmem:s0+$0x90] =	vst v0  }
0x172: {  	v0 =	vld [tilespmem:s2+$0xFFFFFFE0]  }
0x173: {  	v3 =	vld [tilespmem:s0+$0xFFFFFF20]  }
0x174: {  	v60 =	vld [tilespmem:s0+$0x20]  }
0x175: {  	v1 =	vld [tilespmem:s0+$0xA0];
	_ =	sdelay $0x1  }
0x176: {  	v2 =	vadd.f32 v2, v0  }
0x177: {  	v3 =	vadd.f32 v3, v0  }
0x178: {  	v4 =	vadd.f32 v60, v0;
	[tilespmem:s0+$0xFFFFFFA0] =	vst v2  }
0x179: {  	v0 =	vadd.f32 v1, v0;
	[tilespmem:s0+$0xFFFFFF20] =	vst v3  }
0x17a: {  	[tilespmem:s0+$0x20] =	vst v4  }
0x17b: {  	[tilespmem:s0+$0xA0] =	vst v0;
	v0 =	vld [tilespmem:s0+$0xFFFFFF30]  }
0x17c: {  	v2 =	vld [tilespmem:s2+$0xFFFFFFF0]  }
0x17d: {  	v3 =	vld [tilespmem:s0+$0xFFFFFFB0]  }
0x17e: {  	v1 =	vld [tilespmem:s0+$0xB0]  }
0x17f: {  	v61 =	vld [tilespmem:s0+$0x30];
	_ =	sdelay $0x1  }
0x180: {  	v0 =	vadd.f32 v0, v2  }
0x181: {  	v3 =	vadd.f32 v3, v2  }
0x182: {  	v1 =	vadd.f32 v1, v2;
	[tilespmem:s0+$0xFFFFFF30] =	vst v0  }
0x183: {  	v0 =	vadd.f32 v61, v2;
	[tilespmem:s0+$0xFFFFFFB0] =	vst v3  }
0x184: {  	[tilespmem:s0+$0xB0] =	vst v1  }
0x185: {  	[tilespmem:s0+$0x30] =	vst v0;
	v0 =	vld [tilespmem:s0+$0xFFFFFF40]  }
0x186: {  	v1 =	vld [tilespmem:s2+$0x0]  }
0x187: {  	v3 =	vld [tilespmem:s0+$0xFFFFFFC0]  }
0x188: {  	v62 =	vld [tilespmem:s0+$0x40]  }
0x189: {  	v2 =	vld [tilespmem:s0+$0xC0];
	_ =	sdelay $0x1  }
0x18a: {  	v0 =	vadd.f32 v0, v1  }
0x18b: {  	v3 =	vadd.f32 v3, v1  }
0x18c: {  	v4 =	vadd.f32 v62, v1;
	[tilespmem:s0+$0xFFFFFF40] =	vst v0  }
0x18d: {  	v0 =	vadd.f32 v2, v1;
	[tilespmem:s0+$0xFFFFFFC0] =	vst v3  }
0x18e: {  	[tilespmem:s0+$0x40] =	vst v4  }
0x18f: {  	v1 =	vld [tilespmem:s0+$0x50];
	[tilespmem:s0+$0xC0] =	vst v0  }
0x190: {  	v0 =	vld [tilespmem:s2+$0x10]  }
0x191: {  	v2 =	vld [tilespmem:s0+$0xFFFFFF50]  }
0x192: {  	v3 =	vld [tilespmem:s0+$0xFFFFFFD0]  }
0x193: {  	v63 =	vld [tilespmem:s0+$0xD0];
	_ =	sdelay $0x1  }
0x194: {  	v1 =	vadd.f32 v1, v0  }
0x195: {  	v5 =	vadd.f32 v2, v0  }
0x196: {  	v2 =	vadd.f32 v3, v0;
	[tilespmem:s0+$0x50] =	vst v1  }
0x197: {  	s19 =	simm.s32 $0x0;
	s9 =	simm.s32 $0xC100;
	s7 =	simm.s32 $0x2040;
	v1 =	vadd.f32 v63, v0;
	[tilespmem:s0+$0xFFFFFF50] =	vst v5;
	v0 =	vld [tilespmem:s0+$0x60]  }
.LBB2_39:
0x198: {  	s19 =	sadd.s32 $0x8, s19;
	[tilespmem:s0+$0xFFFFFFD0] =	vst v2;
	v2 =	vld [tilespmem:s0+$0xFFFFFF60];
	s2 =	sadd.s32 $0x80, s2;
	s9 =	sadd.s32 $0x200, s9  }
0x199: {  	p0 =	slt.u32 s19, $0x1F8;
	[tilespmem:s0+$0xD0] =	vst v1;
	v1 =	vld [tilespmem:s0+$0xFFFFFFE0]  }
0x19a: {  	v3 =	vld [tilespmem:s7+$0x20]  }
0x19b: {  	v4 =	vld [tilespmem:s0+$0xE0];
	_ =	sdelay $0x3  }
0x19c: {  	v2 =	vadd.f32 v2, v3;
	v1 =	vadd.f32 v1, v3  }
0x19d: {  	v0 =	vadd.f32 v0, v3;
	v3 =	vadd.f32 v4, v3  }
0x19e: {  	[tilespmem:s0+$0xFFFFFF60] =	vst v2  }
0x19f: {  	[tilespmem:s0+$0x60] =	vst v0;
	v0 =	vld [tilespmem:s0+$0xFFFFFFF0]  }
0x1a0: {  	[tilespmem:s0+$0xE0] =	vst v3;
	v2 =	vld [tilespmem:s0+$0xFFFFFF70]  }
0x1a1: {  	[tilespmem:s0+$0xFFFFFFE0] =	vst v1;
	v1 =	vld [tilespmem:s0+$0xF0]  }
0x1a2: {  	v3 =	vld [tilespmem:s7+$0x30];
	s7 =	smov.u32 s2  }
0x1a3: {  	v4 =	vld [tilespmem:s0+$0x70];
	_ =	sdelay $0x3  }
0x1a4: {  	v2 =	vadd.f32 v2, v3;
	v0 =	vadd.f32 v0, v3  }
0x1a5: {  	v1 =	vadd.f32 v1, v3;
	v4 =	vadd.f32 v4, v3  }
0x1a6: {  	[tilespmem:s0+$0xFFFFFF70] =	vst v2  }
0x1a7: {  	v2 =	vld [tilespmem:s9+$0x80];
	[tilespmem:s0+$0xFFFFFFF0] =	vst v0  }
0x1a8: {  	v0 =	vld [tilespmem:s9+$0x0];
	[tilespmem:s0+$0xF0] =	vst v1  }
0x1a9: {  	v1 =	vld [tilespmem:s9+$0xFFFFFF80];
	[tilespmem:s0+$0x70] =	vst v4;
	s0 =	smov.u32 s9  }
0x1aa: {  	v3 =	vld [tilespmem:s2+$0xFFFFFFC0]  }
0x1ab: {  	v4 =	vld [tilespmem:s9+$0xFFFFFF00];
	_ =	sdelay $0x3  }
0x1ac: {  	v1 =	vadd.f32 v1, v3;
	v0 =	vadd.f32 v0, v3  }
0x1ad: {  	v2 =	vadd.f32 v2, v3;
	v4 =	vadd.f32 v4, v3  }
0x1ae: {  	[tilespmem:s9+$0xFFFFFF80] =	vst v1  }
0x1af: {  	[tilespmem:s9+$0x0] =	vst v0;
	v0 =	vld [tilespmem:s9+$0x90]  }
0x1b0: {  	[tilespmem:s9+$0xFFFFFF00] =	vst v4;
	v1 =	vld [tilespmem:s9+$0xFFFFFF90]  }
0x1b1: {  	[tilespmem:s9+$0x80] =	vst v2;
	v2 =	vld [tilespmem:s9+$0xFFFFFF10]  }
0x1b2: {  	v3 =	vld [tilespmem:s2+$0xFFFFFFD0]  }
0x1b3: {  	v4 =	vld [tilespmem:s9+$0x10];
	_ =	sdelay $0x3  }
0x1b4: {  	v2 =	vadd.f32 v2, v3;
	v1 =	vadd.f32 v1, v3  }
0x1b5: {  	v0 =	vadd.f32 v0, v3;
	v4 =	vadd.f32 v4, v3  }
0x1b6: {  	[tilespmem:s9+$0xFFFFFF90] =	vst v1  }
0x1b7: {  	[tilespmem:s9+$0x10] =	vst v4;
	v1 =	vld [tilespmem:s9+$0xA0]  }
0x1b8: {  	[tilespmem:s9+$0xFFFFFF10] =	vst v2;
	v2 =	vld [tilespmem:s9+$0xFFFFFFA0]  }
0x1b9: {  	[tilespmem:s9+$0x90] =	vst v0;
	v0 =	vld [tilespmem:s9+$0xFFFFFF20]  }
0x1ba: {  	v3 =	vld [tilespmem:s2+$0xFFFFFFE0]  }
0x1bb: {  	v4 =	vld [tilespmem:s9+$0x20];
	_ =	sdelay $0x3  }
0x1bc: {  	v0 =	vadd.f32 v0, v3;
	v2 =	vadd.f32 v2, v3  }
0x1bd: {  	v1 =	vadd.f32 v1, v3;
	v4 =	vadd.f32 v4, v3  }
0x1be: {  	[tilespmem:s9+$0xFFFFFFA0] =	vst v2  }
0x1bf: {  	[tilespmem:s9+$0xFFFFFF20] =	vst v0;
	v0 =	vld [tilespmem:s9+$0xB0]  }
0x1c0: {  	[tilespmem:s9+$0x20] =	vst v4;
	v2 =	vld [tilespmem:s9+$0xFFFFFFB0]  }
0x1c1: {  	[tilespmem:s9+$0xA0] =	vst v1;
	v1 =	vld [tilespmem:s9+$0xFFFFFF30]  }
0x1c2: {  	v3 =	vld [tilespmem:s2+$0xFFFFFFF0]  }
0x1c3: {  	v4 =	vld [tilespmem:s9+$0x30];
	_ =	sdelay $0x3  }
0x1c4: {  	v1 =	vadd.f32 v1, v3;
	v2 =	vadd.f32 v2, v3  }
0x1c5: {  	v0 =	vadd.f32 v0, v3;
	v4 =	vadd.f32 v4, v3  }
0x1c6: {  	[tilespmem:s9+$0xFFFFFF30] =	vst v1  }
0x1c7: {  	[tilespmem:s9+$0xFFFFFFB0] =	vst v2;
	v1 =	vld [tilespmem:s9+$0xC0]  }
0x1c8: {  	[tilespmem:s9+$0xB0] =	vst v0;
	v0 =	vld [tilespmem:s9+$0xFFFFFFC0]  }
0x1c9: {  	[tilespmem:s9+$0x30] =	vst v4;
	v2 =	vld [tilespmem:s9+$0xFFFFFF40]  }
0x1ca: {  	v3 =	vld [tilespmem:s2+$0x0]  }
0x1cb: {  	v4 =	vld [tilespmem:s9+$0x40];
	_ =	sdelay $0x3  }
0x1cc: {  	v2 =	vadd.f32 v2, v3;
	v0 =	vadd.f32 v0, v3  }
0x1cd: {  	v1 =	vadd.f32 v1, v3;
	v4 =	vadd.f32 v4, v3  }
0x1ce: {  	[tilespmem:s9+$0xFFFFFF40] =	vst v2  }
0x1cf: {  	[tilespmem:s9+$0xFFFFFFC0] =	vst v0;
	v0 =	vld [tilespmem:s9+$0x50]  }
0x1d0: {  	[tilespmem:s9+$0x40] =	vst v4;
	v2 =	vld [tilespmem:s9+$0xFFFFFF50]  }
0x1d1: {  	[tilespmem:s9+$0xC0] =	vst v1;
	v1 =	vld [tilespmem:s9+$0xFFFFFFD0]  }
0x1d2: {  	v3 =	vld [tilespmem:s2+$0x10]  }
0x1d3: {  	v4 =	vld [tilespmem:s9+$0xD0];
	_ =	sdelay $0x2  }
.Ltmp18:
0x1d4: {  	(pc) =	sbr.rel @p0 .LBB2_39-.Ltmp18, $4  }
0x1d5: {  	v5 =	vadd.f32 v2, v3;
	v2 =	vadd.f32 v1, v3  }
0x1d6: {  	v0 =	vadd.f32 v0, v3;
	v1 =	vadd.f32 v4, v3  }
0x1d7: {  	[tilespmem:s9+$0xFFFFFF50] =	vst v5  }
0x1d8: {  	[tilespmem:s9+$0x50] =	vst v0;
	v0 =	vld [tilespmem:s9+$0x60]  }
0x1d9: {  	[tilespmem:s0+$0xFFFFFFD0] =	vst v2  }
0x1da: {  	v59 =	vld [tilespmem:s0+$0xFFFFFF60];
	[tilespmem:s0+$0xD0] =	vst v1  }
0x1db: {  	v1 =	vld [tilespmem:s7+$0x20];
	_ =	sdelay $0x1  }
0x1dc: {  	v3 =	vld [tilespmem:s0+$0xE0]  }
0x1dd: {  	v4 =	vld [tilespmem:s0+$0xFFFFFFE0];
	_ =	sdelay $0x1  }
0x1de: {  	v2 =	vadd.f32 v59, v1  }
0x1df: {  	v0 =	vadd.f32 v0, v1  }
0x1e0: {  	v3 =	vadd.f32 v3, v1;
	[tilespmem:s0+$0xFFFFFF60] =	vst v2  }
0x1e1: {  	v1 =	vadd.f32 v4, v1;
	[tilespmem:s0+$0x60] =	vst v0  }
0x1e2: {  	[tilespmem:s0+$0xE0] =	vst v3  }
0x1e3: {  	v61 =	vld [tilespmem:s0+$0xFFFFFF70];
	[tilespmem:s0+$0xFFFFFFE0] =	vst v1  }
0x1e4: {  	v1 =	vld [tilespmem:s7+$0x30]  }
0x1e5: {  	v60 =	vld [tilespmem:s0+$0xFFFFFFF0]  }
0x1e6: {  	v62 =	vld [tilespmem:s0+$0xF0]  }
0x1e7: {  	v63 =	vld [tilespmem:s0+$0x70];
	_ =	sdelay $0x1  }
0x1e8: {  	v2 =	vadd.f32 v61, v1  }
0x1e9: {  	v0 =	vadd.f32 v60, v1  }
0x1ea: {  	v3 =	vadd.f32 v62, v1;
	[tilespmem:s0+$0xFFFFFF70] =	vst v2  }
0x1eb: {  	v1 =	vadd.f32 v63, v1;
	[tilespmem:s0+$0xFFFFFFF0] =	vst v0  }
0x1ec: {  	s2 =	sadd.s32 s5, s28;
	s9 =	simm.s32 $0xC200;
	[tilespmem:s0+$0xF0] =	vst v3  }
0x1ed: {  	s19 =	sadd.s32 $0x0, s2;
	s7 =	simm.s32 $0xC000;
	[tilespmem:s0+$0x70] =	vst v1;
	s0 =	simm.s32 $0x10  }
.LBB2_41:
0x1ee: {  	[hbm4b:s19+s3] =	stream.linear.scatter [tilespmem:s7], [sflag:$0x4], $0x80, $0x38;
	[tilespmem:$0x14000] =	vst v63  }
0x1ef: {  	s19 =	smov.u32 s0;
	s7 =	smov.u32 s9;
	p0 =	sne.s32 s0, $0x3F0  }
.Ltmp19:
0x1f0: {  	s0 =	sadd.s32 $0x10, s0;
	(pc) =	sbr.rel @p0 .LBB2_41-.Ltmp19, $2  }
0x1f1: {  	_ =	sdelay $0x2  }
0x1f2: {  	s9 =	sadd.s32 $0x200, s9;
	s19 =	sadd.s32 s19, s2  }
0x1f3: {  	[hbm4b:s19+s3] =	stream.linear.scatter [tilespmem:s7], [sflag:$0x4], $0x80, $0x38;
	[tilespmem:$0x14000] =	vst v63  }
0x1f4: {  	s0 =	sadd.s32 s5, s29;
	s2 =	simm.s32 $0xC080  }
0x1f5: {  	s7 =	simm.s32 $0x10;
	s9 =	simm.s32 $0xC280;
	s19 =	sadd.s32 $0x0, s0  }
.LBB2_43:
0x1f6: {  	[hbm4b:s19+s3] =	stream.linear.scatter [tilespmem:s2], [sflag:$0x4], $0x80, $0x38;
	[tilespmem:$0x14000] =	vst v63  }
0x1f7: {  	s19 =	smov.u32 s7;
	s2 =	smov.u32 s9;
	p0 =	sne.s32 s7, $0x3F0  }
.Ltmp20:
0x1f8: {  	s7 =	sadd.s32 $0x10, s7;
	(pc) =	sbr.rel @p0 .LBB2_43-.Ltmp20, $2  }
0x1f9: {  	_ =	sdelay $0x2  }
0x1fa: {  	s9 =	sadd.s32 $0x200, s9;
	s19 =	sadd.s32 s19, s0  }
0x1fb: {  	[hbm4b:s19+s3] =	stream.linear.scatter [tilespmem:s2], [sflag:$0x4], $0x80, $0x38;
	[tilespmem:$0x14000] =	vst v63  }
0x1fc: {  	s0 =	sadd.s32 s5, s30;
	s2 =	simm.s32 $0xC100  }
0x1fd: {  	s7 =	simm.s32 $0x10;
	s9 =	simm.s32 $0xC300;
	s19 =	sadd.s32 $0x0, s0  }
.LBB2_45:
0x1fe: {  	[hbm4b:s19+s3] =	stream.linear.scatter [tilespmem:s2], [sflag:$0x4], $0x80, $0x38;
	[tilespmem:$0x14000] =	vst v63  }
0x1ff: {  	s19 =	smov.u32 s7;
	s2 =	smov.u32 s9;
	p0 =	sne.s32 s7, $0x3F0  }
.Ltmp21:
0x200: {  	s7 =	sadd.s32 $0x10, s7;
	(pc) =	sbr.rel @p0 .LBB2_45-.Ltmp21, $2  }
0x201: {  	_ =	sdelay $0x2  }
0x202: {  	s9 =	sadd.s32 $0x200, s9;
	s19 =	sadd.s32 s19, s0  }
0x203: {  	[hbm4b:s19+s3] =	stream.linear.scatter [tilespmem:s2], [sflag:$0x4], $0x80, $0x38;
	[tilespmem:$0x14000] =	vst v63  }
0x204: {  	s0 =	sadd.s32 s5, s31;
	s2 =	simm.s32 $0xC180  }
0x205: {  	s7 =	simm.s32 $0x10;
	s9 =	simm.s32 $0xC380;
	s19 =	sadd.s32 $0x0, s0  }
.LBB2_47:
0x206: {  	[hbm4b:s19+s3] =	stream.linear.scatter [tilespmem:s2], [sflag:$0x4], $0x80, $0x38;
	[tilespmem:$0x14000] =	vst v63  }
0x207: {  	s19 =	smov.u32 s7;
	s2 =	smov.u32 s9;
	p0 =	sne.s32 s7, $0x3F0  }
.Ltmp22:
0x208: {  	s7 =	sadd.s32 $0x10, s7;
	(pc) =	sbr.rel @p0 .LBB2_47-.Ltmp22, $2  }
0x209: {  	_ =	sdelay $0x2  }
0x20a: {  	s9 =	sadd.s32 $0x200, s9;
	s19 =	sadd.s32 s19, s0  }
0x20b: {  	s26 =	sadd.s32 $0x1, s26  }
0x20c: {  	p0 =	sne.s32 s26, $0x10  }
.Ltmp23:
0x20d: {  	_ = 	snop;
	(pc) =	sbr.rel @p0 .LBB2_10-.Ltmp23, $2  }
0x20e: {  	_ =	sdelay $0x2  }
0x20f: {  	[hbm4b:s19+s3] =	stream.linear.scatter [tilespmem:s2], [sflag:$0x4], $0x80, $0x38;
	[tilespmem:$0x14000] =	vst v63  }
0x210: {  	_ =	swait.ge [sflag:s23], $0x2000  }
0x211: {  	[sflag:s23] =	ssyncset.done $0x0  }
0x212: {  	[sflag:s23] =	ssyncadd.s32 $0xFFFFE000  }
0x213: {  	_ =	swait.ge [sflag:s23], $0x2000  }
0x214: {  	[sflag:s23] =	ssyncset.done $0x0  }
0x215: {  	[sflag:s23] =	ssyncadd.s32 $0xFFFFE000  }
0x216: {  	_ =	swait.ge [sflag:s23], $0x2000  }
0x217: {  	[sflag:s23] =	ssyncset.done $0x0  }
0x218: {  	[sflag:s23] =	ssyncadd.s32 $0xFFFFE000  }
0x219: {  	_ =	swait.ge [sflag:s23], $0x2000  }
0x21a: {  	[sflag:s23] =	ssyncset.done $0x0  }
0x21b: {  	s2 =	simm.s32 $0x4;
	[sflag:s23] =	ssyncadd.s32 $0xFFFFE000  }
0x21c: {  	_ =	swait.ge [sflag:s2], $0x2000  }
0x21d: {  	[sflag:s2] =	ssyncset.done $0x0  }
0x21e: {  	[sflag:s2] =	ssyncadd.s32 $0xFFFFE000  }
0x21f: {  	_ =	swait.ge [sflag:s2], $0x2000  }
0x220: {  	[sflag:s2] =	ssyncset.done $0x0  }
0x221: {  	[sflag:s2] =	ssyncadd.s32 $0xFFFFE000  }
0x222: {  	_ =	swait.ge [sflag:s2], $0x2000  }
0x223: {  	[sflag:s2] =	ssyncset.done $0x0  }
0x224: {  	[sflag:s2] =	ssyncadd.s32 $0xFFFFE000  }
0x225: {  	_ =	swait.ge [sflag:s2], $0x2000  }
0x226: {  	s7 =	rddreg [dreg:$0x6]  }
0x227: {  	s0 =	rddreg [dreg:$0x5];
	s7 =	sadd.s32 $0x1, s7  }
0x228: {  	p0 =	sne.s32 s7, s0  }
.Ltmp24:
0x229: {  	_ = 	snop;
	(pc) =	sbr.rel @p0 .LBB2_1-.Ltmp24, $3  }
0x22a: {  	_ =	sdelay $0x1  }
0x22b: {  	[sflag:s2] =	ssyncset.done $0x0  }
0x22c: {  	[sflag:s2] =	ssyncadd.s32 $0xFFFFE000  }
0x22d: {  	_ =	sfence.sel $0x180000  }
0x22e: {  	[bflag:$0x0] =	sbarrier.arrive $0xFFFF  }
0x22f: {  	_ =	strace $0x9000004D  }
0x230: {  	s0 =	stileid.u32;
	[bflag:$0x2] =	sbarrier.arrive $0xFFFF  }
0x231: {  	p0 =	sne.s32 s0, $0x0;
	s0 =	rddreg [dreg:$0x2]  }
0x232: {  	s0 =	sadd.s32 @!p0 $0x100000, s0  }
0x233: {  	[sflag:s0] =	ssyncadd.tile.s32 @!p0 $0x1;
	_ =	shalt  }
.Lfunc_end2:
_tile_overlayer_lowered:
.L_overlay_start_2:
0x234: {  	(tag) =	ssettag $0x2  }
0x235: {  	s0 =	rddreg [dreg:$0x0];
	s2 =	stileid.u32  }
0x236: {  	s1 =	rddreg [dreg:$0x1];
	p0 =	sne.s32 s2, $0x0  }
0x237: {  	s3 =	rddreg [dreg:$0x2];
	[bflag:$0x3] =	sbarrier.arrive $0xFFFF;
	s2 =	simm.s32 @!p0 $0x1C05  }
0x238: {  	[timem:s3], [sflag:s2] =	dma.local @!p0 [hbm:s0], s1  }
0x239: {  	s0 =	simm.s32 @!p0 $0x5  }
0x23a: {  	_ =	swait.ge @!p0 [sflag:s0], s1  }
0x23b: {  	s1 =	ssub.s32 @!p0 $0x0, s1;
	[sflag:s0] =	ssyncset.done @!p0 $0x0  }
0x23c: {  	[sflag:s0] =	ssyncadd.s32 @!p0 s1  }
0x23d: {  	[bflag:$0x3] =	sbarrier.arrive $0xFFFF  }
0x23e: {  	_ =	shalt  }

// kernel: sparse-core-data-format-call.1.cloned.1.call-start
scs
called_computation.1_lowered:
.L_overlay_start_0:
0x0: {  	s2 =	sld [smem:$0x3FD9]  }
0x1: {  	s3 =	sld [smem:$0x3FFE];
	_ =	sdelay $0x1  }
0x2: {  	s1 =	srdreg.scid  }
0x3: {  	s0 =	sand.u32 $0x1, s1  }
0x4: {  	s19 =	sshll.u32 s0, $0xA;
	s2 =	sadd.s32 s3, s2  }
0x5: {  	s2 =	sadd.s32 s2, s19  }
0x6: {  	[smem:$0x3FC6] =	sst s2  }
0x7: {  	_ = 	snop  }
0x8: {  	s20 =	sld [smem:$0x3FC9]  }
0x9: {  	s4 =	sld [smem:$0x3FD0];
	(tm) =	ssettm $0x1  }
0xa: {  	s21 =	sld [smem:$0x3FFB];
	_ =	sdelay $0x3  }
0xb: {  	_ =	strace s21  }
0xc: {  	s2 =	sld [smem:$0x3FFC];
	_ =	sdelay $0x3  }
0xd: {  	_ =	strace s2  }
0xe: {  	s2 =	sld [smem:$0x3FFD];
	_ =	sdelay $0x3  }
0xf: {  	_ =	strace s2  }
0x10: {  	_ =	strace $0x8FFFFFFF  }
0x11: {  	s22 =	sld [smem:$0x3FDB];
	_ =	sdelay $0x1  }
0x12: {  	s5 =	simm.s32 $_scs_section_size  }
0x13: {  	s6 =	simm.s32 $_size__tile_overlayer_lowered;
	s7 =	simm.s32 $_tile_overlayer_lowered  }
0x14: {  	s8 =	simm.s32 $0x1BFF;
	s23 =	sshll.u32 s7, $0x1;
	s5 =	sadd.s32 s5, s22  }
0x15: {  	s24 =	simm.s32 $0x0;
	s6 =	sshll.u32 s6, $0x1;
	s7 =	sadd.s32 s23, s5  }
0x16: {  	[timem:s24], [sflag:s8] =	dma.local [hbm:s7], s6  }
0x17: {  	_ =	swait.ge [sflag:s8], s6  }
0x18: {  	s6 =	ssub.s32 $0x0, s6;
	[sflag:s8] =	ssyncset.done $0x0  }
0x19: {  	[sflag:s8] =	ssyncadd.s32 s6;
	_ =	sdelay $0x1  }
0x1a: {  	s25 =	simm.s32 $0x1B8B  }
0x1b: {  	_ =	swait.ge [sflag:s25], $0x1  }
0x1c: {  	[sflag:s25] =	ssyncset.done $0x0  }
0x1d: {  	[sflag:s25] =	ssyncadd.s32 $0xFFFFFFFF  }
0x1e: {  	s6 =	sld [smem:$0x0]  }
0x1f: {  	s7 =	sand.u32 $0xFFFFFFFE, s1  }
0x20: {  	p0 =	sne.s32 s1, s7  }
0x21: {  	s7 =	sshll.u32 @p0 s7, $0xE  }
0x22: {  	s7 =	sadd.s32 @p0 $0x11B8D, s7;
	s8 =	sshll.u32 @p0 s6, $0x11  }
0x23: {  	s7 =	sor.u32 @p0 s8, s7  }
0x24: {  	[sflag:s7] =	ssyncadd.remote.s32 @p0 $0x1;
	_ =	sdelay $0x1  }
0x25: {  	s7 =	simm.s32 @p0 $0x1B8D  }
0x26: {  	_ =	swait.eq @p0 [sflag:s7], $0x1  }
0x27: {  	[sflag:s7] =	ssyncadd.s32 @p0 $0xFFFFFFFF  }
0x28: {  	s8 =	sshll.u32 @!p0 s1, $0xE  }
0x29: {  	s8 =	sor.u32 @!p0 $0x4000, s8;
	s7 =	simm.s32 @!p0 $0x1B8D  }
0x2a: {  	s6 =	sshll.u32 @!p0 s6, $0x11;
	s8 =	sadd.s32 @!p0 $0x11B8D, s8;
	_ =	swait.eq @!p0 [sflag:s7], $0x1  }
0x2b: {  	s6 =	sor.u32 @!p0 s6, s8;
	[sflag:s7] =	ssyncadd.s32 @!p0 $0xFFFFFFFF  }
0x2c: {  	s26 =	simm.s32 $0x1B8E;
	[sflag:s6] =	ssyncadd.remote.s32 @!p0 $0x1  }
0x2d: {  	s27 =	simm.s32 $execute0_lowered;
	[smem:$0x3FD2] =	sst s26  }
0x2e: {  	s6 =	sshll.u32 s27, $0x1;
	_ =	strace $0x80000049;
	[dreg:$0x1] =	wrdreg $0xFFFFFFFF  }
0x2f: {  	s28 =	simm.s32 $_size_execute0_lowered;
	s5 =	sadd.s32 s5, s6;
	[dreg:$0x0] =	wrdreg $0x0  }
0x30: {  	s6 =	sshll.u32 s28, $0x1;
	[dreg:$0x2] =	wrdreg s5  }
0x31: {  	[dreg:$0x3] =	wrdreg s6  }
0x32: {  	[dreg:$0x4] =	wrdreg $0xC0  }
0x33: {  	_ =	task [dreg:s24], $0x5FFFF  }
0x34: {  	[dreg:$0x1] =	wrdreg $0xFFFFFFFF  }
0x35: {  	[dreg:$0x0] =	wrdreg $0x60  }
0x36: {  	[dreg:$0x2] =	wrdreg s20  }
0x37: {  	[dreg:$0x3] =	wrdreg s4  }
0x38: {  	[dreg:$0x4] =	wrdreg $0xA  }
0x39: {  	_ =	task.clear_ibuf [dreg:s24], $0x5FFFF;
	_ =	strace $0x90000049  }
0x3a: {  	s29 =	simm.s32 $0xA;
	_ =	strace $0x8000004B  }
0x3b: {  	_ =	swait.ge [sflag:s29], $0x1  }
0x3c: {  	[sflag:s29] =	ssyncadd.s32 $0xFFFFFFFF  }
0x3d: {  	_ =	strace $0x9000004B  }
0x3e: {  	_ =	sfence  }
0x3f: {  	s30 =	sld [smem:$0x0];
	_ =	sdelay $0x2  }
0x40: {  	s31 =	sshll.u32 s1, $0xD;
	s1 =	sshrl.u32 s1, $0x2  }
0x41: {  	s4 =	sand.u32 $0x4000, s31;
	s1 =	sadd.s32 s1, s30  }
0x42: {  	s0 =	sor.u32 s4, s0;
	s1 =	sshll.u32 s1, $0x11  }
0x43: {  	s0 =	sor.u32 s1, s0  }
0x44: {  	s0 =	sadd.s32 $0x8F2B, s0  }
0x45: {  	[sflag:s0] =	ssyncadd.remote.s32 $0x1  }
0x46: {  	_ =	sfence.sel $0xFFFF  }
0x47: {  	[dreg:$0x0] =	wrdreg $0xFFFFFFFF;
	(pc) =	sbr.abs _section_cstart, $3  }
0x48: {  	[dreg:$0x1] =	wrdreg $0xFFFFFFFF  }
0x49: {  	_ =	task.clear_ibuf [dreg:s24], $0x2FFFF;
	_ =	strace $0x9FFFFFFF  }
0x4a: {  	(tm) =	ssettm $0x7FFFFFFF  }
0x4b: {  	_ =	shalt  }
tec
execute0_lowered:
.L_overlay_start_1:
0x0: {  	(tag) =	ssettag $0x1  }
0x1: {  	s0 =	srdreg.scid  }
0x2: {  	s1 =	sshll.u32 s0, $0x4  }
0x3: {  	s2 =	rddreg [dreg:$0x0];
	s0 =	stileid.u32;
	s1 =	sand.u32 $0x10, s1  }
0x4: {  	s4 =	rddreg [dreg:$0x1];
	s1 =	sor.u32 s0, s1  }
0x5: {  	s7 =	simm.s32 $0x1;
	s8 =	simm.s32 $0x2;
	s3 =	sshll.u32 s1, $0x1  }
0x6: {  	s9 =	simm.s32 $0x0;
	s12 =	simm.s32 $0x0;
	s6 =	ssub.s32 $0x1000, s3  }
.Ltmp0:
0x7: {  	s11 =	simm.s32 $0x0;
	s5 =	sand.u32 $0x3E, s6;
	(pc) =	sbr.rel .LBB1_1-.Ltmp0, $4  }
0x8: {  	s1 =	rddreg [dreg:$0x2];
	_ =	strace $0x8000004A;
	p0 =	sne.s32 s5, $0x0  }
0x9: {  	s6 =	sshrl.u32 s6, $0x6;
	s5 =	simm.s32 $0x1;
	s7 =	simm.s32 @!p0 $0x0  }
0xa: {  	s10 =	smov.u32 s3;
	[sflag:s5] =	ssyncpa.u1 $0x0;
	s6 =	sadd.s32 s7, s6  }
0xb: {  	[sflag:s8] =	ssyncpa.u1 $0x0;
	s8 =	simm.s32 $0x0;
	s7 =	sadd.s32 $0x1, s6  }
.LBB1_9:
0xc: {  	s14 =	sadd.s32 $0x40, s10  }
0xd: {  	p1 =	sgt.s32 s14, $0xFFF  }
0xe: {  	s14 =	smov.u32 @p1 s3;
	p1 =	sne.s32 s11, s7  }
.Ltmp1:
0xf: {  	p0 =	slt.u32 s11, $0x2;
	(pc) =	sbr.rel @!p1 .LBB1_10-.Ltmp1, $4  }
0x10: {  	s13 =	simm.s32 @!p0 $0x2  }
0x11: {  	s15 =	sadd.s32 $0x1, s11;
	_ =	swait.ge @!p0 [sflag:s13], $0x4000  }
0x12: {  	s12 =	smov.u32 s10;
	s9 =	sadd.s32 $0x4000, s9;
	[sflag:s13] =	ssyncset.done @!p0 $0x0  }
0x13: {  	s11 =	smov.u32 s15;
	s10 =	smov.u32 s14;
	[sflag:s13] =	ssyncadd.s32 @!p0 $0xFFFFC000  }
.LBB1_1:
0x14: {  	p0 =	sge.u32 s11, s6  }
0x15: {  	s13 =	sxor.u32 @!p0 $0xFFFFFFFF, s11  }
0x16: {  	s31 =	sadd.s32 $0xFFFFFFFF, s11;
	s14 =	sshll.u32 @!p0 s10, $0xA;
	s13 =	sshll.u32 @!p0 s13, $0xE  }
0x17: {  	s15 =	simm.s32 @!p0 $0x0;
	s14 =	sadd.s32 @!p0 s2, s14;
	s13 =	sand.u32 @!p0 $0x4000, s13  }
0x18: {  	[tilespmem:s13], [sflag:$0x1] =	stream.linear.gather @!p0 [hbm4b:s14+s15], $0x4000, $0x38;
	[tilespmem:$0x10000] =	vst v63  }
0x19: {  	p0 =	sge.u32 s31, s6  }
.Ltmp2:
0x1a: {  	_ = 	snop;
	(pc) =	sbr.rel @p0 .LBB1_9-.Ltmp2, $1  }
0x1b: {  	_ =	sdelay $0x3  }
0x1c: {  	s13 =	sshll.u32 s9, $0x2  }
0x1d: {  	_ =	swait.ge [sflag:s5], $0x4000;
	s14 =	sshll.u32 s11, $0xE;
	s16 =	simm.s32 $0x0  }
0x1e: {  	p1 =	por $0x1, $0x1;
	s13 =	sand.u32 $0x10000, s13;
	[sflag:s5] =	ssyncset.done $0x0  }
0x1f: {  	s14 =	sand.u32 $0x4000, s14;
	s15 =	sshrl.u32 s13, $0x2;
	[sflag:s5] =	ssyncadd.s32 $0xFFFFC000  }
0x20: {  	s13 =	sor.u32 $0x8000, s14;
	s14 =	sadd.s32 $0x8040, s15;
	s15 =	sadd.s32 $0x40, s15  }
.LBB1_3:
0x21: {  	s16 =	sshll.u32 s16, $0x2  }
0x22: {  	p0 =	por p1, p1;
	s17 =	sshra.s32 s16, $0x2  }
0x23: {  	s18 =	simm.s32 $0x0;
	s16 =	sadd.s32 s17, s14;
	s17 =	sadd.s32 s17, s15  }
.LBB1_4:
0x24: {  	v0 =	vmov s17;
	_ =	sdelay $0x3  }
0x25: {  	s20 =	simm.s32 $0x0  }
0x26: {  	v6 =	vld.idx.msk [tilespmem:v0+s20+$0x30 ss:$0x1], $0xffff  }
0x27: {  	v7 =	vld.idx.msk [tilespmem:v0+s20+$0xFFFFFFC0 ss:$0x1], $0xffff  }
0x28: {  	v5 =	vld.idx.msk [tilespmem:v0+s20+$0xFFFFFFD0 ss:$0x1], $0xffff  }
0x29: {  	v4 =	vld.idx.msk [tilespmem:v0+s20+$0xFFFFFFE0 ss:$0x1], $0xffff  }
0x2a: {  	v3 =	vld.idx.msk [tilespmem:v0+s20+$0xFFFFFFF0 ss:$0x1], $0xffff  }
0x2b: {  	v1 =	vld.idx.msk [tilespmem:v0+s20+$0x0 ss:$0x1], $0xffff  }
0x2c: {  	v2 =	vld.idx.msk [tilespmem:v0+s20+$0x10 ss:$0x1], $0xffff;
	[tilespmem:s16+$0x30] =	vst v6  }
0x2d: {  	s19 =	simm.s32 $0x80;
	s21 =	simm.s32 $0x400;
	[tilespmem:s16+$0xFFFFFFC0] =	vst v7;
	v6 =	vld.idx.msk [tilespmem:v0+s20+$0x20 ss:$0x1], $0xffff;
	s20 =	smov.u32 s16  }
.LBB1_5:
0x2e: {  	p1 =	sne.s32 s21, $0xE00;
	v7 =	vld.idx.msk [tilespmem:v0+s19+$0x30 ss:$0x1], $0xffff;
	[tilespmem:s20+$0xFFFFFFD0] =	vst v5  }
0x2f: {  	v8 =	vld.idx.msk [tilespmem:v0+s19+$0xFFFFFFC0 ss:$0x1], $0xffff;
	[tilespmem:s20+$0xFFFFFFE0] =	vst v4  }
0x30: {  	v5 =	vld.idx.msk [tilespmem:v0+s19+$0xFFFFFFD0 ss:$0x1], $0xffff;
	[tilespmem:s20+$0xFFFFFFF0] =	vst v3  }
.Ltmp3:
0x31: {  	v4 =	vld.idx.msk [tilespmem:v0+s19+$0xFFFFFFE0 ss:$0x1], $0xffff;
	[tilespmem:s20+$0x0] =	vst v1;
	(pc) =	sbr.rel @p1 .LBB1_5-.Ltmp3, $4  }
0x32: {  	v3 =	vld.idx.msk [tilespmem:v0+s19+$0xFFFFFFF0 ss:$0x1], $0xffff;
	[tilespmem:s20+$0x10] =	vst v2  }
0x33: {  	v1 =	vld.idx.msk [tilespmem:v0+s19+$0x0 ss:$0x1], $0xffff;
	[tilespmem:s20+$0x20] =	vst v6;
	s20 =	sadd.s32 $0x400, s20  }
0x34: {  	v2 =	vld.idx.msk [tilespmem:v0+s19+$0x10 ss:$0x1], $0xffff;
	[tilespmem:s20+$0x30] =	vst v7  }
0x35: {  	[tilespmem:s20+$0xFFFFFFC0] =	vst v8;
	v6 =	vld.idx.msk [tilespmem:v0+s19+$0x20 ss:$0x1], $0xffff;
	s19 =	sshra.s32 s21, $0x2;
	s21 =	sadd.s32 $0x200, s21  }
0x36: {  	_ =	sdelay $0x2  }
0x37: {  	[tilespmem:s20+$0xFFFFFFD0] =	vst v5  }
0x38: {  	v56 =	vld.idx.msk [tilespmem:v0+s19+$0x30 ss:$0x1], $0xffff;
	[tilespmem:s20+$0xFFFFFFE0] =	vst v4  }
0x39: {  	v57 =	vld.idx.msk [tilespmem:v0+s19+$0xFFFFFFC0 ss:$0x1], $0xffff;
	[tilespmem:s20+$0xFFFFFFF0] =	vst v3  }
0x3a: {  	v58 =	vld.idx.msk [tilespmem:v0+s19+$0xFFFFFFD0 ss:$0x1], $0xffff;
	[tilespmem:s20+$0x0] =	vst v1  }
0x3b: {  	v59 =	vld.idx.msk [tilespmem:v0+s19+$0xFFFFFFE0 ss:$0x1], $0xffff;
	[tilespmem:s20+$0x10] =	vst v2  }
0x3c: {  	v60 =	vld.idx.msk [tilespmem:v0+s19+$0xFFFFFFF0 ss:$0x1], $0xffff;
	s31 =	sadd.s32 $0x400, s20;
	[tilespmem:s20+$0x20] =	vst v6  }
0x3d: {  	v61 =	vld.idx.msk [tilespmem:v0+s19+$0x0 ss:$0x1], $0xffff;
	[tilespmem:s31+$0x30] =	vst v56  }
0x3e: {  	v62 =	vld.idx.msk [tilespmem:v0+s19+$0x10 ss:$0x1], $0xffff;
	s18 =	sadd.s32 $0x1, s18;
	[tilespmem:s31+$0xFFFFFFC0] =	vst v57  }
0x3f: {  	v63 =	vld.idx.msk [tilespmem:v0+s19+$0x20 ss:$0x1], $0xffff;
	p1 =	sne.s32 s18, $0x8;
	[tilespmem:s31+$0xFFFFFFD0] =	vst v58  }
.Ltmp4:
0x40: {  	[tilespmem:s31+$0xFFFFFFE0] =	vst v59;
	(pc) =	sbr.rel @p1 .LBB1_4-.Ltmp4, $4  }
0x41: {  	[tilespmem:s31+$0xFFFFFFF0] =	vst v60  }
0x42: {  	[tilespmem:s31+$0x0] =	vst v61  }
0x43: {  	[tilespmem:s31+$0x10] =	vst v62  }
0x44: {  	s16 =	sadd.s32 $0x80, s16;
	s17 =	sadd.s32 $0x400, s17;
	[tilespmem:s31+$0x20] =	vst v63  }
.Ltmp5:
0x45: {  	(pc) =	sbr.rel @p0 .LBB1_3-.Ltmp5, $2  }
0x46: {  	_ =	sdelay $0x2  }
0x47: {  	s16 =	simm.s32 $0x2000;
	p1 =	por $0x0, $0x0  }
.Ltmp6:
0x48: {  	(pc) =	sbr.rel .LBB1_9-.Ltmp6, $4  }
0x49: {  	_ = 	snop  }
0x4a: {  	s12 =	sshll.u32 s12, $0xA  }
0x4b: {  	s12 =	sadd.s32 s4, s12  }
0x4c: {  	[hbm4b:s12+s8] =	stream.linear.scatter [tilespmem:s13], [sflag:$0x2], $0x4000, $0x38;
	[tilespmem:$0x10000] =	vst v63  }
.LBB1_10:
0x4d: {  	_ =	sfence.sel $0x180000  }
0x4e: {  	s2 =	simm.s32 $0x1;
	[bflag:$0x0] =	sbarrier.arrive $0xFFFF  }
0x4f: {  	s31 =	simm.s32 $0x2;
	[sflag:s2] =	ssyncpa.u1 $0x1  }
0x50: {  	[sflag:s31] =	ssyncpa.u1 $0x1  }
0x51: {  	p0 =	sne.s32 s0, $0x0;
	_ =	strace $0x9000004A  }
0x52: {  	s0 =	sadd.s32 @!p0 $0x100000, s1;
	[bflag:$0x2] =	sbarrier.arrive $0xFFFF  }
0x53: {  	[sflag:s0] =	ssyncadd.tile.s32 @!p0 $0x1;
	_ =	shalt  }
.Lfunc_end1:
_tile_overlayer_lowered:
.L_overlay_start_2:
0x54: {  	(tag) =	ssettag $0x2  }
0x55: {  	s0 =	rddreg [dreg:$0x0];
	s2 =	stileid.u32  }
0x56: {  	s1 =	rddreg [dreg:$0x1];
	p0 =	sne.s32 s2, $0x0  }
0x57: {  	s3 =	rddreg [dreg:$0x2];
	[bflag:$0x3] =	sbarrier.arrive $0xFFFF;
	s2 =	simm.s32 @!p0 $0x1C01  }
0x58: {  	[timem:s3], [sflag:s2] =	dma.local @!p0 [hbm:s0], s1  }
0x59: {  	s0 =	simm.s32 @!p0 $0x1  }
0x5a: {  	_ =	swait.ge @!p0 [sflag:s0], s1  }
0x5b: {  	s1 =	ssub.s32 @!p0 $0x0, s1;
	[sflag:s0] =	ssyncset.done @!p0 $0x0  }
0x5c: {  	[sflag:s0] =	ssyncadd.s32 @!p0 s1  }
0x5d: {  	[bflag:$0x3] =	sbarrier.arrive $0xFFFF  }
0x5e: {  	_ =	shalt  }

// kernel: sparse-core-data-format-call.cloned.1.call-start
scs
called_computation_lowered:
.L_overlay_start_0:
0x0: {  	s2 =	sld [smem:$0x3FD9]  }
0x1: {  	s3 =	sld [smem:$0x3FFE];
	_ =	sdelay $0x1  }
0x2: {  	s1 =	srdreg.scid  }
0x3: {  	s0 =	sand.u32 $0x1, s1  }
0x4: {  	s18 =	sshll.u32 s0, $0xA;
	s2 =	sadd.s32 s3, s2  }
0x5: {  	s2 =	sadd.s32 s2, s18  }
0x6: {  	[smem:$0x3FC6] =	sst s2  }
0x7: {  	_ = 	snop  }
0x8: {  	s2 =	sld [smem:$0x3FC8];
	(tm) =	ssettm $0x1  }
0x9: {  	s19 =	sld [smem:$0x3FFB];
	_ =	sdelay $0x3  }
0xa: {  	_ =	strace s19  }
0xb: {  	s3 =	sld [smem:$0x3FFC];
	_ =	sdelay $0x3  }
0xc: {  	_ =	strace s3  }
0xd: {  	s3 =	sld [smem:$0x3FFD];
	_ =	sdelay $0x3  }
0xe: {  	_ =	strace s3  }
0xf: {  	_ =	strace $0x8FFFFFFF  }
0x10: {  	s20 =	sld [smem:$0x3FDB];
	_ =	sdelay $0x1  }
0x11: {  	s4 =	simm.s32 $_scs_section_size  }
0x12: {  	s5 =	simm.s32 $_size__tile_overlayer_lowered;
	s6 =	simm.s32 $_tile_overlayer_lowered  }
0x13: {  	s23 =	simm.s32 $0x1BFF;
	s22 =	sshll.u32 s6, $0x1;
	s3 =	sadd.s32 s4, s20  }
0x14: {  	s7 =	simm.s32 $0x0;
	s21 =	sshll.u32 s5, $0x1;
	s5 =	sadd.s32 s22, s3  }
0x15: {  	[timem:s7], [sflag:s23] =	dma.local [hbm:s5], s21  }
0x16: {  	_ =	swait.ge [sflag:s23], s21  }
0x17: {  	s4 =	ssub.s32 $0x0, s21;
	[sflag:s23] =	ssyncset.done $0x0  }
0x18: {  	[sflag:s23] =	ssyncadd.s32 s4;
	_ =	sdelay $0x1  }
0x19: {  	s24 =	simm.s32 $0x1B8B  }
0x1a: {  	_ =	swait.ge [sflag:s24], $0x1  }
0x1b: {  	[sflag:s24] =	ssyncset.done $0x0  }
0x1c: {  	s26 =	simm.s32 $0x1B8E;
	s25 =	sld [smem:$0x3FFE];
	[sflag:s24] =	ssyncadd.s32 $0xFFFFFFFF  }
0x1d: {  	s27 =	simm.s32 $execute0_lowered;
	[smem:$0x3FD2] =	sst s26  }
0x1e: {  	s5 =	sshll.u32 s27, $0x1;
	_ =	strace $0x80000046;
	[dreg:$0x1] =	wrdreg $0xFFFFFFFF  }
0x1f: {  	s28 =	simm.s32 $_size_execute0_lowered;
	s3 =	sadd.s32 s3, s5;
	[dreg:$0x0] =	wrdreg $0x0  }
0x20: {  	s5 =	sshll.u32 s28, $0x1;
	[dreg:$0x2] =	wrdreg s3  }
0x21: {  	[dreg:$0x3] =	wrdreg s5  }
0x22: {  	[dreg:$0x4] =	wrdreg $0xC0  }
0x23: {  	_ =	task [dreg:s7], $0x5FFFF  }
0x24: {  	[dreg:$0x1] =	wrdreg $0xFFFFFFFF  }
0x25: {  	[dreg:$0x0] =	wrdreg $0x60  }
0x26: {  	[dreg:$0x2] =	wrdreg s2  }
0x27: {  	[dreg:$0x3] =	wrdreg s25  }
0x28: {  	[dreg:$0x4] =	wrdreg $0x9  }
0x29: {  	_ =	task.clear_ibuf [dreg:s7], $0x5FFFF;
	_ =	strace $0x90000046  }
0x2a: {  	s29 =	simm.s32 $0x9;
	_ =	strace $0x80000048  }
0x2b: {  	_ =	swait.ge [sflag:s29], $0x1  }
0x2c: {  	[sflag:s29] =	ssyncadd.s32 $0xFFFFFFFF  }
0x2d: {  	_ =	strace $0x90000048  }
0x2e: {  	_ =	sfence  }
0x2f: {  	s30 =	sld [smem:$0x0];
	_ =	sdelay $0x2  }
0x30: {  	s31 =	sshll.u32 s1, $0xD;
	s1 =	sshrl.u32 s1, $0x2  }
0x31: {  	s3 =	sand.u32 $0x4000, s31;
	s1 =	sadd.s32 s1, s30  }
0x32: {  	s0 =	sor.u32 s3, s0;
	s1 =	sshll.u32 s1, $0x11  }
0x33: {  	s0 =	sor.u32 s1, s0  }
0x34: {  	s0 =	sadd.s32 $0x8F2B, s0  }
0x35: {  	[sflag:s0] =	ssyncadd.remote.s32 $0x1  }
0x36: {  	_ =	sfence.sel $0xFFFF  }
0x37: {  	[dreg:$0x0] =	wrdreg $0xFFFFFFFF;
	(pc) =	sbr.abs _section_cstart, $3  }
0x38: {  	[dreg:$0x1] =	wrdreg $0xFFFFFFFF  }
0x39: {  	_ =	task.clear_ibuf [dreg:s7], $0x2FFFF;
	_ =	strace $0x9FFFFFFF  }
0x3a: {  	(tm) =	ssettm $0x7FFFFFFF  }
0x3b: {  	_ =	shalt  }
tec
execute0_lowered:
.L_overlay_start_1:
0x0: {  	(tag) =	ssettag $0x1  }
0x1: {  	s0 =	srdreg.scid  }
0x2: {  	s1 =	sshll.u32 s0, $0x4  }
0x3: {  	s2 =	rddreg [dreg:$0x0];
	s0 =	stileid.u32;
	s1 =	sand.u32 $0x10, s1  }
0x4: {  	s4 =	rddreg [dreg:$0x1];
	s7 =	simm.s32 $0x1;
	s1 =	sor.u32 s0, s1  }
0x5: {  	s8 =	simm.s32 $0x2;
	s9 =	simm.s32 $0x0;
	s3 =	sshll.u32 s1, $0x1  }
0x6: {  	s12 =	simm.s32 $0x0;
	s11 =	simm.s32 $0x0;
	s6 =	ssub.s32 $0x400, s3  }
.Ltmp0:
0x7: {  	s4 =	sadd.s32 $0xC00, s4;
	s5 =	sand.u32 $0x3E, s6;
	(pc) =	sbr.rel .LBB1_1-.Ltmp0, $4  }
0x8: {  	s1 =	rddreg [dreg:$0x2];
	_ =	strace $0x80000047;
	p0 =	sne.s32 s5, $0x0  }
0x9: {  	s6 =	sshrl.u32 s6, $0x6;
	s5 =	simm.s32 $0x1;
	s7 =	simm.s32 @!p0 $0x0  }
0xa: {  	s10 =	smov.u32 s3;
	[sflag:s5] =	ssyncpa.u1 $0x0;
	s6 =	sadd.s32 s7, s6  }
0xb: {  	[sflag:s8] =	ssyncpa.u1 $0x0;
	s8 =	simm.s32 $0x0;
	s7 =	sadd.s32 $0x1, s6  }
.LBB1_9:
0xc: {  	s14 =	sadd.s32 $0x40, s10  }
0xd: {  	p1 =	sgt.s32 s14, $0x3FF  }
0xe: {  	s14 =	smov.u32 @p1 s3;
	p1 =	sne.s32 s11, s7  }
.Ltmp1:
0xf: {  	p0 =	slt.u32 s11, $0x2;
	(pc) =	sbr.rel @!p1 .LBB1_10-.Ltmp1, $4  }
0x10: {  	s13 =	simm.s32 @!p0 $0x2  }
0x11: {  	s15 =	sadd.s32 $0x1, s11;
	_ =	swait.ge @!p0 [sflag:s13], $0x4000  }
0x12: {  	s12 =	smov.u32 s10;
	s9 =	sadd.s32 $0x4000, s9;
	[sflag:s13] =	ssyncset.done @!p0 $0x0  }
0x13: {  	s11 =	smov.u32 s15;
	s10 =	smov.u32 s14;
	[sflag:s13] =	ssyncadd.s32 @!p0 $0xFFFFC000  }
.LBB1_1:
0x14: {  	p0 =	sge.u32 s11, s6  }
0x15: {  	s13 =	sxor.u32 @!p0 $0xFFFFFFFF, s11  }
0x16: {  	s31 =	sadd.s32 $0xFFFFFFFF, s11;
	s14 =	sshll.u32 @!p0 s10, $0xA;
	s13 =	sshll.u32 @!p0 s13, $0xE  }
0x17: {  	s15 =	simm.s32 @!p0 $0x0;
	s14 =	sadd.s32 @!p0 s2, s14;
	s13 =	sand.u32 @!p0 $0x4000, s13  }
0x18: {  	[tilespmem:s13], [sflag:$0x1] =	stream.linear.gather @!p0 [hbm4b:s14+s15], $0x4000, $0x38;
	[tilespmem:$0x10000] =	vst v63  }
0x19: {  	p0 =	sge.u32 s31, s6  }
.Ltmp2:
0x1a: {  	_ = 	snop;
	(pc) =	sbr.rel @p0 .LBB1_9-.Ltmp2, $1  }
0x1b: {  	_ =	sdelay $0x3  }
0x1c: {  	s13 =	sshll.u32 s9, $0x2  }
0x1d: {  	_ =	swait.ge [sflag:s5], $0x4000;
	s14 =	sshll.u32 s11, $0xE;
	s16 =	simm.s32 $0x0  }
0x1e: {  	p1 =	por $0x1, $0x1;
	s13 =	sand.u32 $0x10000, s13;
	[sflag:s5] =	ssyncset.done $0x0  }
0x1f: {  	s14 =	sand.u32 $0x4000, s14;
	s15 =	sshrl.u32 s13, $0x2;
	[sflag:s5] =	ssyncadd.s32 $0xFFFFC000  }
0x20: {  	s13 =	sor.u32 $0x8000, s14;
	s14 =	sadd.s32 $0x8040, s15;
	s15 =	sadd.s32 $0x40, s15  }
.LBB1_3:
0x21: {  	s16 =	sshll.u32 s16, $0x2  }
0x22: {  	p0 =	por p1, p1;
	s17 =	sshra.s32 s16, $0x2  }
0x23: {  	s18 =	simm.s32 $0x0;
	s16 =	sadd.s32 s17, s14;
	s17 =	sadd.s32 s17, s15  }
.LBB1_4:
0x24: {  	v0 =	vmov s17;
	_ =	sdelay $0x3  }
0x25: {  	s20 =	simm.s32 $0x0  }
0x26: {  	v6 =	vld.idx.msk [tilespmem:v0+s20+$0x30 ss:$0x1], $0xffff  }
0x27: {  	v7 =	vld.idx.msk [tilespmem:v0+s20+$0xFFFFFFC0 ss:$0x1], $0xffff  }
0x28: {  	v5 =	vld.idx.msk [tilespmem:v0+s20+$0xFFFFFFD0 ss:$0x1], $0xffff  }
0x29: {  	v4 =	vld.idx.msk [tilespmem:v0+s20+$0xFFFFFFE0 ss:$0x1], $0xffff  }
0x2a: {  	v3 =	vld.idx.msk [tilespmem:v0+s20+$0xFFFFFFF0 ss:$0x1], $0xffff  }
0x2b: {  	v1 =	vld.idx.msk [tilespmem:v0+s20+$0x0 ss:$0x1], $0xffff  }
0x2c: {  	v2 =	vld.idx.msk [tilespmem:v0+s20+$0x10 ss:$0x1], $0xffff;
	[tilespmem:s16+$0x30] =	vst v6  }
0x2d: {  	s19 =	simm.s32 $0x80;
	s21 =	simm.s32 $0x400;
	[tilespmem:s16+$0xFFFFFFC0] =	vst v7;
	v6 =	vld.idx.msk [tilespmem:v0+s20+$0x20 ss:$0x1], $0xffff;
	s20 =	smov.u32 s16  }
.LBB1_5:
0x2e: {  	p1 =	sne.s32 s21, $0xE00;
	v7 =	vld.idx.msk [tilespmem:v0+s19+$0x30 ss:$0x1], $0xffff;
	[tilespmem:s20+$0xFFFFFFD0] =	vst v5  }
0x2f: {  	v8 =	vld.idx.msk [tilespmem:v0+s19+$0xFFFFFFC0 ss:$0x1], $0xffff;
	[tilespmem:s20+$0xFFFFFFE0] =	vst v4  }
0x30: {  	v5 =	vld.idx.msk [tilespmem:v0+s19+$0xFFFFFFD0 ss:$0x1], $0xffff;
	[tilespmem:s20+$0xFFFFFFF0] =	vst v3  }
.Ltmp3:
0x31: {  	v4 =	vld.idx.msk [tilespmem:v0+s19+$0xFFFFFFE0 ss:$0x1], $0xffff;
	[tilespmem:s20+$0x0] =	vst v1;
	(pc) =	sbr.rel @p1 .LBB1_5-.Ltmp3, $4  }
0x32: {  	v3 =	vld.idx.msk [tilespmem:v0+s19+$0xFFFFFFF0 ss:$0x1], $0xffff;
	[tilespmem:s20+$0x10] =	vst v2  }
0x33: {  	v1 =	vld.idx.msk [tilespmem:v0+s19+$0x0 ss:$0x1], $0xffff;
	[tilespmem:s20+$0x20] =	vst v6;
	s20 =	sadd.s32 $0x400, s20  }
0x34: {  	v2 =	vld.idx.msk [tilespmem:v0+s19+$0x10 ss:$0x1], $0xffff;
	[tilespmem:s20+$0x30] =	vst v7  }
0x35: {  	[tilespmem:s20+$0xFFFFFFC0] =	vst v8;
	v6 =	vld.idx.msk [tilespmem:v0+s19+$0x20 ss:$0x1], $0xffff;
	s19 =	sshra.s32 s21, $0x2;
	s21 =	sadd.s32 $0x200, s21  }
0x36: {  	_ =	sdelay $0x2  }
0x37: {  	[tilespmem:s20+$0xFFFFFFD0] =	vst v5  }
0x38: {  	v56 =	vld.idx.msk [tilespmem:v0+s19+$0x30 ss:$0x1], $0xffff;
	[tilespmem:s20+$0xFFFFFFE0] =	vst v4  }
0x39: {  	v57 =	vld.idx.msk [tilespmem:v0+s19+$0xFFFFFFC0 ss:$0x1], $0xffff;
	[tilespmem:s20+$0xFFFFFFF0] =	vst v3  }
0x3a: {  	v58 =	vld.idx.msk [tilespmem:v0+s19+$0xFFFFFFD0 ss:$0x1], $0xffff;
	[tilespmem:s20+$0x0] =	vst v1  }
0x3b: {  	v59 =	vld.idx.msk [tilespmem:v0+s19+$0xFFFFFFE0 ss:$0x1], $0xffff;
	[tilespmem:s20+$0x10] =	vst v2  }
0x3c: {  	v60 =	vld.idx.msk [tilespmem:v0+s19+$0xFFFFFFF0 ss:$0x1], $0xffff;
	s31 =	sadd.s32 $0x400, s20;
	[tilespmem:s20+$0x20] =	vst v6  }
0x3d: {  	v61 =	vld.idx.msk [tilespmem:v0+s19+$0x0 ss:$0x1], $0xffff;
	[tilespmem:s31+$0x30] =	vst v56  }
0x3e: {  	v62 =	vld.idx.msk [tilespmem:v0+s19+$0x10 ss:$0x1], $0xffff;
	s18 =	sadd.s32 $0x1, s18;
	[tilespmem:s31+$0xFFFFFFC0] =	vst v57  }
0x3f: {  	v63 =	vld.idx.msk [tilespmem:v0+s19+$0x20 ss:$0x1], $0xffff;
	p1 =	sne.s32 s18, $0x8;
	[tilespmem:s31+$0xFFFFFFD0] =	vst v58  }
.Ltmp4:
0x40: {  	[tilespmem:s31+$0xFFFFFFE0] =	vst v59;
	(pc) =	sbr.rel @p1 .LBB1_4-.Ltmp4, $4  }
0x41: {  	[tilespmem:s31+$0xFFFFFFF0] =	vst v60  }
0x42: {  	[tilespmem:s31+$0x0] =	vst v61  }
0x43: {  	[tilespmem:s31+$0x10] =	vst v62  }
0x44: {  	s16 =	sadd.s32 $0x80, s16;
	s17 =	sadd.s32 $0x400, s17;
	[tilespmem:s31+$0x20] =	vst v63  }
.Ltmp5:
0x45: {  	(pc) =	sbr.rel @p0 .LBB1_3-.Ltmp5, $2  }
0x46: {  	_ =	sdelay $0x2  }
0x47: {  	s16 =	simm.s32 $0x2000;
	p1 =	por $0x0, $0x0  }
.Ltmp6:
0x48: {  	(pc) =	sbr.rel .LBB1_9-.Ltmp6, $4  }
0x49: {  	_ = 	snop  }
0x4a: {  	s12 =	sshll.u32 s12, $0xA  }
0x4b: {  	s12 =	sadd.s32 s4, s12  }
0x4c: {  	[hbm4b:s12+s8] =	stream.linear.scatter [tilespmem:s13], [sflag:$0x2], $0x4000, $0x38;
	[tilespmem:$0x10000] =	vst v63  }
.LBB1_10:
0x4d: {  	_ =	sfence.sel $0x180000  }
0x4e: {  	s2 =	simm.s32 $0x1;
	[bflag:$0x0] =	sbarrier.arrive $0xFFFF  }
0x4f: {  	s31 =	simm.s32 $0x2;
	[sflag:s2] =	ssyncpa.u1 $0x1  }
0x50: {  	[sflag:s31] =	ssyncpa.u1 $0x1  }
0x51: {  	p0 =	sne.s32 s0, $0x0;
	_ =	strace $0x90000047  }
0x52: {  	s0 =	sadd.s32 @!p0 $0x100000, s1;
	[bflag:$0x2] =	sbarrier.arrive $0xFFFF  }
0x53: {  	[sflag:s0] =	ssyncadd.tile.s32 @!p0 $0x1;
	_ =	shalt  }
.Lfunc_end1:
_tile_overlayer_lowered:
.L_overlay_start_2:
0x54: {  	(tag) =	ssettag $0x2  }
0x55: {  	s0 =	rddreg [dreg:$0x0];
	s2 =	stileid.u32  }
0x56: {  	s1 =	rddreg [dreg:$0x1];
	p0 =	sne.s32 s2, $0x0  }
0x57: {  	s3 =	rddreg [dreg:$0x2];
	[bflag:$0x3] =	sbarrier.arrive $0xFFFF;
	s2 =	simm.s32 @!p0 $0x1C01  }
0x58: {  	[timem:s3], [sflag:s2] =	dma.local @!p0 [hbm:s0], s1  }
0x59: {  	s0 =	simm.s32 @!p0 $0x1  }
0x5a: {  	_ =	swait.ge @!p0 [sflag:s0], s1  }
0x5b: {  	s1 =	ssub.s32 @!p0 $0x0, s1;
	[sflag:s0] =	ssyncset.done @!p0 $0x0  }
0x5c: {  	[sflag:s0] =	ssyncadd.s32 @!p0 s1  }
0x5d: {  	[bflag:$0x3] =	sbarrier.arrive $0xFFFF  }
0x5e: {  	_ =	shalt  }

</sc_bundles>
